<compile_context>
chip_gen: v7x
topology: tpu7x:2x2x1
jax: 0.10.2.dev20260603
libtpu: 0.0.44.dev20260713+nightly
codegen_flags: <defaults>
</compile_context>

<pallas_src>
import functools

import jax
import jax.numpy as jnp
from jax import lax
from jax.experimental import pallas as pl
from jax.experimental.pallas import tpu as pltpu
from jax.experimental.pallas import tpu_sc as plsc

N = 32768
D = 256
MAX_T = 65536
NC = 2
NS = 16
NW = NC * NS
BPW = MAX_T // NW
C = 128
NCHUNK = BPW // C
VPC = C // 16
LOG2N = 15

TCB = 4096
NBLK = MAX_T // TCB
NXB = N // TCB


def _tc_body(x_ref, o_ref):
    b = pl.program_id(0)

    @pl.when(b < NXB)
    def _copy():
        o_ref[...] = x_ref[...]

    @pl.when(b >= NXB)
    def _bcast():
        o_ref[...] = jnp.broadcast_to(x_ref[TCB - 1 : TCB, :], (TCB, D))


_tc_expand = pl.pallas_call(
    _tc_body,
    grid=(NBLK,),
    in_specs=[pl.BlockSpec((TCB, D), lambda b: (jnp.minimum(b, NXB - 1), 0))],
    out_specs=pl.BlockSpec((TCB, D), lambda b: (b, 0)),
    out_shape=jax.ShapeDtypeStruct((MAX_T, D), jnp.float32),
)


def _mesh():
    return plsc.VectorSubcoreMesh(core_axis_name="c", subcore_axis_name="s")


@functools.partial(
    pl.kernel,
    mesh=_mesh(),
    out_type=(),
    scratch_types=[
        pltpu.VMEM((BPW,), jnp.int32),
        pltpu.VMEM((16,), jnp.int32),
        pltpu.VMEM((16,), jnp.int32),
        pltpu.VMEM((N,), jnp.int32),
        pltpu.VMEM((C,), jnp.int32),
        pltpu.VMEM((C, D), jnp.float32),
        pltpu.VMEM((8, D), jnp.float32),
        pltpu.SemaphoreType.DMA,
    ],
    compiler_params=pltpu.CompilerParams(needs_layout_passes=False),
)
def _sc_fixup(
    cand_hbm, x_hbm, t_hbm, tsl_v, tbnd_v, conf_v, t_v, idx_v, buf_v, row_v, gsem
):
    wid = lax.axis_index("s") * NC + lax.axis_index("c")
    base = wid * BPW

    lane = lax.iota(jnp.int32, 16)

    sb = pl.multiple_of(jnp.minimum(base, N - BPW), 8)
    pltpu.sync_copy(t_hbm.at[pl.ds(sb, BPW)], tsl_v)
    bb = pl.multiple_of(jnp.minimum(base + BPW, N - 16), 8)
    pltpu.sync_copy(t_hbm.at[pl.ds(bb, 16)], tbnd_v)
    tbnd = tbnd_v[pl.ds(0, 16)]
    t_last = jnp.max(tbnd)

    confvec = jnp.zeros((16,), jnp.int32)
    for c in range(NCHUNK):
        j0 = base + c * C
        ramp_ok = jnp.full((16,), True)
        for g in range(VPC):
            tv = tsl_v[pl.ds(c * C + g * 16, 16)]
            ramp_ok = jnp.logical_and(ramp_ok, tv == j0 + g * 16 + lane)
        if c + 1 < NCHUNK:
            e = jnp.min(tsl_v[pl.ds((c + 1) * C, 16)])
        else:
            e = jnp.min(tbnd)
        bnd_ok = jnp.logical_or(j0 + C >= N, e >= j0 + C)
        below = j0 + C <= N
        conf_c = jnp.where(
            below, jnp.logical_and(jnp.all(ramp_ok), bnd_ok), t_last <= j0
        )
        confvec = jnp.where(lane == c, jnp.where(conf_c, 1, 0), confvec)

    conf_v[pl.ds(0, 16)] = confvec
    any_fix = jnp.logical_not(jnp.all(confvec == 1))

    @pl.when(any_fix)
    def _repairs():
        pltpu.sync_copy(t_hbm, t_v)

        def bsearch(j):
            lo = jnp.zeros((16,), jnp.int32)
            hi = jnp.full((16,), N, jnp.int32)

            def step(_, lohi):
                lo, hi = lohi
                mid = (lo + hi) >> 1
                tm = plsc.load_gather(t_v, [mid])
                pred = tm <= j
                return (jnp.where(pred, mid, lo), jnp.where(pred, hi, mid))

            lo, _ = lax.fori_loop(0, LOG2N, step, (lo, hi))
            return lo

        def fixloop(c, carry):
            cf = plsc.load_gather(conf_v, [jnp.full((16,), c, jnp.int32)])
            fix = jnp.max(cf) == 0
            j0 = base + c * C

            @pl.when(fix)
            def _fix_chunk():
                b_vec = bsearch(jnp.full((16,), j0, jnp.int32))
                b_s = jnp.max(b_vec)

                nxt = jnp.minimum(b_vec + 1, N - 1)
                t_nxt = jnp.max(plsc.load_gather(t_v, [nxt]))
                is_const = jnp.logical_or(
                    b_s == N - 1, j0 + (C - 1) < t_nxt
                )

                def vstep(k, acc):
                    pos = b_vec + k
                    jk = j0 + k
                    tk = plsc.load_gather(t_v, [jnp.minimum(pos, N - 1)])
                    tk1 = plsc.load_gather(
                        t_v, [jnp.minimum(pos + 1, N - 1)]
                    )
                    tk1 = jnp.where(pos + 1 > N - 1, jnp.int32(MAX_T), tk1)
                    return jnp.logical_and(
                        acc, jnp.logical_and(tk <= jk, tk1 > jk)
                    )

                identv = lax.fori_loop(0, C, vstep, jnp.full((16,), True))
                is_ident = jnp.logical_and(
                    jnp.all(identv), b_s + (C - 1) <= N - 1
                )
                is_ident = jnp.logical_and(is_ident, (b_s & 7) == 0)
                jo = pl.multiple_of(j0, 8)

                @pl.when(is_ident)
                def _fix_ident():
                    bi = pl.multiple_of(b_s, 8)
                    pltpu.sync_copy(x_hbm.at[pl.ds(bi, C)], buf_v)
                    pltpu.sync_copy(buf_v, cand_hbm.at[pl.ds(jo, C)])

                @pl.when(jnp.logical_and(jnp.logical_not(is_ident), is_const))
                def _fix_const():
                    rb = pl.multiple_of((b_s >> 3) << 3, 8)
                    pltpu.sync_copy(x_hbm.at[pl.ds(rb, 8)], row_v)
                    ro = b_s - rb

                    def rep(r, carry2):
                        for k in range(D // 16):
                            buf_v[r, pl.ds(k * 16, 16)] = row_v[
                                ro, pl.ds(k * 16, 16)
                            ]
                        return carry2

                    lax.fori_loop(0, C, rep, 0)
                    pltpu.sync_copy(buf_v, cand_hbm.at[pl.ds(jo, C)])

                @pl.when(
                    jnp.logical_and(
                        jnp.logical_not(is_ident), jnp.logical_not(is_const)
                    )
                )
                def _fix_general():
                    def body(v, carry2):
                        idx_v[pl.ds(v * 16, 16)] = bsearch(
                            j0 + v * 16 + lane
                        )
                        return carry2

                    lax.fori_loop(0, VPC, body, 0)
                    pltpu.async_copy(x_hbm.at[idx_v], buf_v, gsem).wait()
                    pltpu.sync_copy(buf_v, cand_hbm.at[pl.ds(jo, C)])

            return carry

        lax.fori_loop(0, NCHUNK, fixloop, 0)


def kernel(x, t, max_t):
    del max_t
    cand = _tc_expand(x)
    ref = jax.new_ref(cand)
    _sc_fixup(ref, x, t)
    return ref[...]

# --- scband reference (transcript-rebuilt; emitter-appended) ---
"""Pipeline reference for scband-fill-encoding-42563125903803 (READ-ONLY COPY).

The authoritative reference and input builder live on the scoring server;
editing this copy changes nothing except your own understanding.
"""

import jax, jax.numpy as jnp
import numpy as np

N = 32768
D = 256
MAX_T = 65536


def setup_inputs(seed: int = 0) -> dict:
    key = jax.random.key(seed)
    x = jax.random.normal(jax.random.fold_in(key, 0), (N, D), dtype=jnp.float32)
    # t must be sorted event start-times with t[0]=0 so output length is deterministic (= MAX_T)
    t = jnp.arange(N, dtype=jnp.int32)
    # 0-d array so that max_t.reshape(1) works exactly like in the flax module
    max_t = jnp.asarray(MAX_T, dtype=jnp.int32)
    return {"x": x, "t": t, "max_t": max_t}


def reference(x, t, max_t):
    # Faithful translation of FillEncoding.__call__:
    #   d = diff(concat([t, max_t.reshape(1)])); repeat(x, d, axis=0)
    max_t = jnp.asarray(max_t, dtype=t.dtype)
    d = jnp.diff(jnp.concatenate([t, max_t.reshape(1)]))
    return jnp.repeat(x, d, axis=0, total_repeat_length=MAX_T)


if False:  # reference __main__ guard neutralized (emitter)
    out = reference(**setup_inputs())
    print(out.shape, out.dtype)

if __name__ == "__main__":
    import jax
    _d = setup_inputs()
    print(jax.jit(kernel)(*tuple(_d.values())))

</pallas_src>

<mosaic_0001>
#map = affine_map<(d0, d1) -> (0, 0)>
#map1 = affine_map<(d0, d1) -> (0)>
module attributes {stable_mosaic.version = 14 : i64} {
  func.func @new_body(%arg0: i32, %arg1: i32, %arg2: memref<65536x256xf32, #tpu.memory_space<hbm>>, %arg3: memref<32768x256xf32, #tpu.memory_space<hbm>>, %arg4: memref<32768xi32, #tpu.memory_space<hbm>>, %arg5: memref<65536x256xf32, #tpu.memory_space<hbm>>, %arg6: memref<2048xi32, #tpu.memory_space<vmem>>, %arg7: memref<16xi32, #tpu.memory_space<vmem>>, %arg8: memref<16xi32, #tpu.memory_space<vmem>>, %arg9: memref<32768xi32, #tpu.memory_space<vmem>>, %arg10: memref<128xi32, #tpu.memory_space<vmem>>, %arg11: memref<128x256xf32, #tpu.memory_space<vmem>>, %arg12: memref<8x256xf32, #tpu.memory_space<vmem>>, %arg13: memref<!tpu.dma_semaphore, #tpu.memory_space<semaphore_mem>>) attributes {dimension_semantics = [#tpu.dimension_semantics<core_parallel>, #tpu.dimension_semantics<subcore_parallel>], iteration_bounds = array<i64: 2, 16>, scalar_prefetch = 0 : i64, scratch_operands = 8 : i64, tpu.core_type = #tpu.core_type<sc_vector_subcore>, window_params = [{transform_indices = #map}, {transform_indices = #map}, {transform_indices = #map1}, {transform_indices = #map}]} {
    %mul3A = arith.constant 2 : i32
    %mul3A_0 = arith.muli %arg1, %mul3A : i32
    %add3A = arith.addi %mul3A_0, %arg0 : i32
    %mul3A_1 = arith.constant 2048 : i32
    %mul3A_2 = arith.muli %add3A, %mul3A_1 : i32
    %iota3A = tpu.iota {dimensions = array<i32: 0>} : vector<16xi32>
    %min3A = arith.constant 30720 : i32
    %min3A_3 = arith.minsi %mul3A_2, %min3A : i32
    %multiple_of3A = tpu.assume_multiple %min3A_3, 8 : i32
    "tpu.region"() ({
      %run_scoped3A = tpu.sem_alloc : memref<!tpu.dma_semaphore, #tpu.memory_space<semaphore_mem>>
      %dma_start3A = tpu.memref_slice %arg4[%multiple_of3A] : memref<32768xi32, #tpu.memory_space<hbm>> -> memref<2048xi32, #tpu.memory_space<hbm>>
      %dma_start3A_1816 = tpu.memref_slice %arg4[%multiple_of3A] : memref<32768xi32, #tpu.memory_space<hbm>> -> memref<2048xi32, #tpu.memory_space<hbm>>
      tpu.enqueue_dma source(%dma_start3A_1816 : memref<2048xi32, #tpu.memory_space<hbm>>) target(%arg6 : memref<2048xi32, #tpu.memory_space<vmem>>) target_semaphore(%run_scoped3A : memref<!tpu.dma_semaphore, #tpu.memory_space<semaphore_mem>>)
      %dma_wait3A = tpu.memref_slice %arg4[%multiple_of3A] : memref<32768xi32, #tpu.memory_space<hbm>> -> memref<2048xi32, #tpu.memory_space<hbm>>
      %dma_wait3A_1817 = tpu.memref_slice %arg4[%multiple_of3A] : memref<32768xi32, #tpu.memory_space<hbm>> -> memref<2048xi32, #tpu.memory_space<hbm>>
      tpu.wait_dma2 semaphore(%run_scoped3A : memref<!tpu.dma_semaphore, #tpu.memory_space<semaphore_mem>>) src(%dma_wait3A_1817 : memref<2048xi32, #tpu.memory_space<hbm>>) dst(%arg6 : memref<2048xi32, #tpu.memory_space<vmem>>)
      tpu.yield
    }) : () -> ()
    %add3A_4 = arith.constant 2048 : i32
    %add3A_5 = arith.addi %mul3A_2, %add3A_4 : i32
    %min3A_6 = arith.constant 32752 : i32
    %min3A_7 = arith.minsi %add3A_5, %min3A_6 : i32
    %multiple_of3A_8 = tpu.assume_multiple %min3A_7, 8 : i32
    "tpu.region"() ({
      %run_scoped3A = tpu.sem_alloc : memref<!tpu.dma_semaphore, #tpu.memory_space<semaphore_mem>>
      %dma_start3A = tpu.memref_slice %arg4[%multiple_of3A_8] : memref<32768xi32, #tpu.memory_space<hbm>> -> memref<16xi32, #tpu.memory_space<hbm>>
      %dma_start3A_1816 = tpu.memref_slice %arg4[%multiple_of3A_8] : memref<32768xi32, #tpu.memory_space<hbm>> -> memref<16xi32, #tpu.memory_space<hbm>>
      tpu.enqueue_dma source(%dma_start3A_1816 : memref<16xi32, #tpu.memory_space<hbm>>) target(%arg7 : memref<16xi32, #tpu.memory_space<vmem>>) target_semaphore(%run_scoped3A : memref<!tpu.dma_semaphore, #tpu.memory_space<semaphore_mem>>)
      %dma_wait3A = tpu.memref_slice %arg4[%multiple_of3A_8] : memref<32768xi32, #tpu.memory_space<hbm>> -> memref<16xi32, #tpu.memory_space<hbm>>
      %dma_wait3A_1817 = tpu.memref_slice %arg4[%multiple_of3A_8] : memref<32768xi32, #tpu.memory_space<hbm>> -> memref<16xi32, #tpu.memory_space<hbm>>
      tpu.wait_dma2 semaphore(%run_scoped3A : memref<!tpu.dma_semaphore, #tpu.memory_space<semaphore_mem>>) src(%dma_wait3A_1817 : memref<16xi32, #tpu.memory_space<hbm>>) dst(%arg7 : memref<16xi32, #tpu.memory_space<vmem>>)
      tpu.yield
    }) : () -> ()
    %get3A = arith.constant 0 : index
    %get3A_9 = tpu.vector_load %arg7[%get3A] {strides = array<i32>} : memref<16xi32, #tpu.memory_space<vmem>>, vector<16xi32>,
    %reduce_max3A = arith.constant true
    %reduce_max3A_10 = vector.broadcast %reduce_max3A : i1 to vector<16xi1>
    %reduce_max3A_11 = arith.constant -2147483648 : i32
    %reduce_max3A_12 = vector.broadcast %reduce_max3A_11 : i32 to vector<16xi32>
    %reduce_max3A_13 = arith.xori %get3A_9, %reduce_max3A_12 : vector<16xi32>
    %reduce_max3A_14 = tpu.scan <max>, %reduce_max3A_13 masked %reduce_max3A_10 : vector<16xi32>, vector<16xi1> -> vector<16xi32>
    %reduce_max3A_15 = arith.xori %reduce_max3A_14, %reduce_max3A_12 : vector<16xi32>
    %reduce_max3A_16 = vector.extract %reduce_max3A_15[15] : i32 from vector<16xi32>
    %broadcast_in_dim3A = arith.constant 0 : i32
    %broadcast_in_dim3A_17 = vector.broadcast %broadcast_in_dim3A : i32 to vector<16xi32>
    %add3A_18 = arith.constant 0 : i32
    %add3A_19 = arith.addi %mul3A_2, %add3A_18 : i32
    %broadcast_in_dim3A_20 = arith.constant true
    %broadcast_in_dim3A_21 = vector.broadcast %broadcast_in_dim3A_20 : i1 to vector<16xi1>
    %get3A_22 = arith.constant 0 : index
    %get3A_23 = tpu.vector_load %arg6[%get3A_22] {strides = array<i32>} : memref<2048xi32, #tpu.memory_space<vmem>>, vector<16xi32>,
    %add3A_24 = arith.constant 0 : i32
    %add3A_25 = arith.addi %add3A_19, %add3A_24 : i32
    %add3A_26 = vector.broadcast %add3A_25 : i32 to vector<16xi32>
    %add3A_27 = arith.addi %add3A_26, %iota3A : vector<16xi32>
    %eq3A = arith.cmpi eq, %get3A_23, %add3A_27 : vector<16xi32>
    %and3A = arith.andi %broadcast_in_dim3A_21, %eq3A : vector<16xi1>
    %get3A_28 = arith.constant 16 : index
    %get3A_29 = tpu.vector_load %arg6[%get3A_28] {strides = array<i32>} : memref<2048xi32, #tpu.memory_space<vmem>>, vector<16xi32>,
    %add3A_30 = arith.constant 16 : i32
    %add3A_31 = arith.addi %add3A_19, %add3A_30 : i32
    %add3A_32 = vector.broadcast %add3A_31 : i32 to vector<16xi32>
    %add3A_33 = arith.addi %add3A_32, %iota3A : vector<16xi32>
    %eq3A_34 = arith.cmpi eq, %get3A_29, %add3A_33 : vector<16xi32>
    %and3A_35 = arith.andi %and3A, %eq3A_34 : vector<16xi1>
    %get3A_36 = arith.constant 32 : index
    %get3A_37 = tpu.vector_load %arg6[%get3A_36] {strides = array<i32>} : memref<2048xi32, #tpu.memory_space<vmem>>, vector<16xi32>,
    %add3A_38 = arith.constant 32 : i32
    %add3A_39 = arith.addi %add3A_19, %add3A_38 : i32
    %add3A_40 = vector.broadcast %add3A_39 : i32 to vector<16xi32>
    %add3A_41 = arith.addi %add3A_40, %iota3A : vector<16xi32>
    %eq3A_42 = arith.cmpi eq, %get3A_37, %add3A_41 : vector<16xi32>
    %and3A_43 = arith.andi %and3A_35, %eq3A_42 : vector<16xi1>
    %get3A_44 = arith.constant 48 : index
    %get3A_45 = tpu.vector_load %arg6[%get3A_44] {strides = array<i32>} : memref<2048xi32, #tpu.memory_space<vmem>>, vector<16xi32>,
    %add3A_46 = arith.constant 48 : i32
    %add3A_47 = arith.addi %add3A_19, %add3A_46 : i32
    %add3A_48 = vector.broadcast %add3A_47 : i32 to vector<16xi32>
    %add3A_49 = arith.addi %add3A_48, %iota3A : vector<16xi32>
    %eq3A_50 = arith.cmpi eq, %get3A_45, %add3A_49 : vector<16xi32>
    %and3A_51 = arith.andi %and3A_43, %eq3A_50 : vector<16xi1>
    %get3A_52 = arith.constant 64 : index
    %get3A_53 = tpu.vector_load %arg6[%get3A_52] {strides = array<i32>} : memref<2048xi32, #tpu.memory_space<vmem>>, vector<16xi32>,
    %add3A_54 = arith.constant 64 : i32
    %add3A_55 = arith.addi %add3A_19, %add3A_54 : i32
    %add3A_56 = vector.broadcast %add3A_55 : i32 to vector<16xi32>
    %add3A_57 = arith.addi %add3A_56, %iota3A : vector<16xi32>
    %eq3A_58 = arith.cmpi eq, %get3A_53, %add3A_57 : vector<16xi32>
    %and3A_59 = arith.andi %and3A_51, %eq3A_58 : vector<16xi1>
    %get3A_60 = arith.constant 80 : index
    %get3A_61 = tpu.vector_load %arg6[%get3A_60] {strides = array<i32>} : memref<2048xi32, #tpu.memory_space<vmem>>, vector<16xi32>,
    %add3A_62 = arith.constant 80 : i32
    %add3A_63 = arith.addi %add3A_19, %add3A_62 : i32
    %add3A_64 = vector.broadcast %add3A_63 : i32 to vector<16xi32>
    %add3A_65 = arith.addi %add3A_64, %iota3A : vector<16xi32>
    %eq3A_66 = arith.cmpi eq, %get3A_61, %add3A_65 : vector<16xi32>
    %and3A_67 = arith.andi %and3A_59, %eq3A_66 : vector<16xi1>
    %get3A_68 = arith.constant 96 : index
    %get3A_69 = tpu.vector_load %arg6[%get3A_68] {strides = array<i32>} : memref<2048xi32, #tpu.memory_space<vmem>>, vector<16xi32>,
    %add3A_70 = arith.constant 96 : i32
    %add3A_71 = arith.addi %add3A_19, %add3A_70 : i32
    %add3A_72 = vector.broadcast %add3A_71 : i32 to vector<16xi32>
    %add3A_73 = arith.addi %add3A_72, %iota3A : vector<16xi32>
    %eq3A_74 = arith.cmpi eq, %get3A_69, %add3A_73 : vector<16xi32>
    %and3A_75 = arith.andi %and3A_67, %eq3A_74 : vector<16xi1>
    %get3A_76 = arith.constant 112 : index
    %get3A_77 = tpu.vector_load %arg6[%get3A_76] {strides = array<i32>} : memref<2048xi32, #tpu.memory_space<vmem>>, vector<16xi32>,
    %add3A_78 = arith.constant 112 : i32
    %add3A_79 = arith.addi %add3A_19, %add3A_78 : i32
    %add3A_80 = vector.broadcast %add3A_79 : i32 to vector<16xi32>
    %add3A_81 = arith.addi %add3A_80, %iota3A : vector<16xi32>
    %eq3A_82 = arith.cmpi eq, %get3A_77, %add3A_81 : vector<16xi32>
    %and3A_83 = arith.andi %and3A_75, %eq3A_82 : vector<16xi1>
    %get3A_84 = arith.constant 128 : index
    %get3A_85 = tpu.vector_load %arg6[%get3A_84] {strides = array<i32>} : memref<2048xi32, #tpu.memory_space<vmem>>, vector<16xi32>,
    %reduce_min3A = arith.constant true
    %reduce_min3A_86 = vector.broadcast %reduce_min3A : i1 to vector<16xi1>
    %reduce_min3A_87 = arith.constant -2147483648 : i32
    %reduce_min3A_88 = vector.broadcast %reduce_min3A_87 : i32 to vector<16xi32>
    %reduce_min3A_89 = arith.xori %get3A_85, %reduce_min3A_88 : vector<16xi32>
    %reduce_min3A_90 = tpu.scan <min>, %reduce_min3A_89 masked %reduce_min3A_86 : vector<16xi32>, vector<16xi1> -> vector<16xi32>
    %reduce_min3A_91 = arith.xori %reduce_min3A_90, %reduce_min3A_88 : vector<16xi32>
    %reduce_min3A_92 = vector.extract %reduce_min3A_91[15] : i32 from vector<16xi32>
    %add3A_93 = arith.constant 128 : i32
    %add3A_94 = arith.addi %add3A_19, %add3A_93 : i32
    %ge3A = arith.constant 32768 : i32
    %ge3A_95 = arith.cmpi sge, %add3A_94, %ge3A : i32
    %add3A_96 = arith.constant 128 : i32
    %add3A_97 = arith.addi %add3A_19, %add3A_96 : i32
    %ge3A_98 = arith.cmpi sge, %reduce_min3A_92, %add3A_97 : i32
    %or3A = arith.ori %ge3A_95, %ge3A_98 : i1
    %add3A_99 = arith.constant 128 : i32
    %add3A_100 = arith.addi %add3A_19, %add3A_99 : i32
    %le3A = arith.constant 32768 : i32
    %le3A_101 = arith.cmpi sle, %add3A_100, %le3A : i32
    %reduce_and3A = arith.constant 1.000000e+00 : f32
    %reduce_and3A_102 = arith.constant 0.000000e+00 : f32
    %reduce_and3A_103 = vector.broadcast %reduce_and3A : f32 to vector<16xf32>
    %reduce_and3A_104 = vector.broadcast %reduce_and3A_102 : f32 to vector<16xf32>
    %reduce_and3A_105 = arith.select %and3A_83, %reduce_and3A_103, %reduce_and3A_104 : vector<16xi1>, vector<16xf32>
    %reduce_and3A_106 = arith.constant true
    %reduce_and3A_107 = vector.broadcast %reduce_and3A_106 : i1 to vector<16xi1>
    %reduce_and3A_108 = tpu.scan <min>, %reduce_and3A_105 masked %reduce_and3A_107 : vector<16xf32>, vector<16xi1> -> vector<16xf32>
    %reduce_and3A_109 = vector.extract %reduce_and3A_108[15] : f32 from vector<16xf32>
    %reduce_and3A_110 = arith.constant 0.000000e+00 : f32
    %reduce_and3A_111 = arith.cmpf ogt, %reduce_and3A_109, %reduce_and3A_110 : f32
    %and3A_112 = arith.andi %reduce_and3A_111, %or3A : i1
    %le3A_113 = arith.cmpi sle, %reduce_max3A_16, %add3A_19 : i32
    %select_n3A = arith.select %le3A_101, %and3A_112, %le3A_113 : i1
    %eq3A_114 = arith.constant 0 : i32
    %eq3A_115 = vector.broadcast %eq3A_114 : i32 to vector<16xi32>
    %eq3A_116 = arith.cmpi eq, %iota3A, %eq3A_115 : vector<16xi32>
    %jit3A = arith.constant 1 : i32
    %jit3A_117 = arith.constant 0 : i32
    %select_n3A_118 = arith.select %select_n3A, %jit3A, %jit3A_117 : i32
    %broadcast_in_dim3A_119 = vector.broadcast %select_n3A_118 : i32 to vector<16xi32>
    %select_n3A_120 = arith.select %eq3A_116, %broadcast_in_dim3A_119, %broadcast_in_dim3A_17 : vector<16xi1>, vector<16xi32>
    %add3A_121 = arith.constant 128 : i32
    %add3A_122 = arith.addi %mul3A_2, %add3A_121 : i32
    %broadcast_in_dim3A_123 = arith.constant true
    %broadcast_in_dim3A_124 = vector.broadcast %broadcast_in_dim3A_123 : i1 to vector<16xi1>
    %get3A_125 = arith.constant 128 : index
    %get3A_126 = tpu.vector_load %arg6[%get3A_125] {strides = array<i32>} : memref<2048xi32, #tpu.memory_space<vmem>>, vector<16xi32>,
    %add3A_127 = arith.constant 0 : i32
    %add3A_128 = arith.addi %add3A_122, %add3A_127 : i32
    %add3A_129 = vector.broadcast %add3A_128 : i32 to vector<16xi32>
    %add3A_130 = arith.addi %add3A_129, %iota3A : vector<16xi32>
    %eq3A_131 = arith.cmpi eq, %get3A_126, %add3A_130 : vector<16xi32>
    %and3A_132 = arith.andi %broadcast_in_dim3A_124, %eq3A_131 : vector<16xi1>
    %get3A_133 = arith.constant 144 : index
    %get3A_134 = tpu.vector_load %arg6[%get3A_133] {strides = array<i32>} : memref<2048xi32, #tpu.memory_space<vmem>>, vector<16xi32>,
    %add3A_135 = arith.constant 16 : i32
    %add3A_136 = arith.addi %add3A_122, %add3A_135 : i32
    %add3A_137 = vector.broadcast %add3A_136 : i32 to vector<16xi32>
    %add3A_138 = arith.addi %add3A_137, %iota3A : vector<16xi32>
    %eq3A_139 = arith.cmpi eq, %get3A_134, %add3A_138 : vector<16xi32>
    %and3A_140 = arith.andi %and3A_132, %eq3A_139 : vector<16xi1>
    %get3A_141 = arith.constant 160 : index
    %get3A_142 = tpu.vector_load %arg6[%get3A_141] {strides = array<i32>} : memref<2048xi32, #tpu.memory_space<vmem>>, vector<16xi32>,
    %add3A_143 = arith.constant 32 : i32
    %add3A_144 = arith.addi %add3A_122, %add3A_143 : i32
    %add3A_145 = vector.broadcast %add3A_144 : i32 to vector<16xi32>
    %add3A_146 = arith.addi %add3A_145, %iota3A : vector<16xi32>
    %eq3A_147 = arith.cmpi eq, %get3A_142, %add3A_146 : vector<16xi32>
    %and3A_148 = arith.andi %and3A_140, %eq3A_147 : vector<16xi1>
    %get3A_149 = arith.constant 176 : index
    %get3A_150 = tpu.vector_load %arg6[%get3A_149] {strides = array<i32>} : memref<2048xi32, #tpu.memory_space<vmem>>, vector<16xi32>,
    %add3A_151 = arith.constant 48 : i32
    %add3A_152 = arith.addi %add3A_122, %add3A_151 : i32
    %add3A_153 = vector.broadcast %add3A_152 : i32 to vector<16xi32>
    %add3A_154 = arith.addi %add3A_153, %iota3A : vector<16xi32>
    %eq3A_155 = arith.cmpi eq, %get3A_150, %add3A_154 : vector<16xi32>
    %and3A_156 = arith.andi %and3A_148, %eq3A_155 : vector<16xi1>
    %get3A_157 = arith.constant 192 : index
    %get3A_158 = tpu.vector_load %arg6[%get3A_157] {strides = array<i32>} : memref<2048xi32, #tpu.memory_space<vmem>>, vector<16xi32>,
    %add3A_159 = arith.constant 64 : i32
    %add3A_160 = arith.addi %add3A_122, %add3A_159 : i32
    %add3A_161 = vector.broadcast %add3A_160 : i32 to vector<16xi32>
    %add3A_162 = arith.addi %add3A_161, %iota3A : vector<16xi32>
    %eq3A_163 = arith.cmpi eq, %get3A_158, %add3A_162 : vector<16xi32>
    %and3A_164 = arith.andi %and3A_156, %eq3A_163 : vector<16xi1>
    %get3A_165 = arith.constant 208 : index
    %get3A_166 = tpu.vector_load %arg6[%get3A_165] {strides = array<i32>} : memref<2048xi32, #tpu.memory_space<vmem>>, vector<16xi32>,
    %add3A_167 = arith.constant 80 : i32
    %add3A_168 = arith.addi %add3A_122, %add3A_167 : i32
    %add3A_169 = vector.broadcast %add3A_168 : i32 to vector<16xi32>
    %add3A_170 = arith.addi %add3A_169, %iota3A : vector<16xi32>
    %eq3A_171 = arith.cmpi eq, %get3A_166, %add3A_170 : vector<16xi32>
    %and3A_172 = arith.andi %and3A_164, %eq3A_171 : vector<16xi1>
    %get3A_173 = arith.constant 224 : index
    %get3A_174 = tpu.vector_load %arg6[%get3A_173] {strides = array<i32>} : memref<2048xi32, #tpu.memory_space<vmem>>, vector<16xi32>,
    %add3A_175 = arith.constant 96 : i32
    %add3A_176 = arith.addi %add3A_122, %add3A_175 : i32
    %add3A_177 = vector.broadcast %add3A_176 : i32 to vector<16xi32>
    %add3A_178 = arith.addi %add3A_177, %iota3A : vector<16xi32>
    %eq3A_179 = arith.cmpi eq, %get3A_174, %add3A_178 : vector<16xi32>
    %and3A_180 = arith.andi %and3A_172, %eq3A_179 : vector<16xi1>
    %get3A_181 = arith.constant 240 : index
    %get3A_182 = tpu.vector_load %arg6[%get3A_181] {strides = array<i32>} : memref<2048xi32, #tpu.memory_space<vmem>>, vector<16xi32>,
    %add3A_183 = arith.constant 112 : i32
    %add3A_184 = arith.addi %add3A_122, %add3A_183 : i32
    %add3A_185 = vector.broadcast %add3A_184 : i32 to vector<16xi32>
    %add3A_186 = arith.addi %add3A_185, %iota3A : vector<16xi32>
    %eq3A_187 = arith.cmpi eq, %get3A_182, %add3A_186 : vector<16xi32>
    %and3A_188 = arith.andi %and3A_180, %eq3A_187 : vector<16xi1>
    %get3A_189 = arith.constant 256 : index
    %get3A_190 = tpu.vector_load %arg6[%get3A_189] {strides = array<i32>} : memref<2048xi32, #tpu.memory_space<vmem>>, vector<16xi32>,
    %reduce_min3A_191 = arith.constant true
    %reduce_min3A_192 = vector.broadcast %reduce_min3A_191 : i1 to vector<16xi1>
    %reduce_min3A_193 = arith.constant -2147483648 : i32
    %reduce_min3A_194 = vector.broadcast %reduce_min3A_193 : i32 to vector<16xi32>
    %reduce_min3A_195 = arith.xori %get3A_190, %reduce_min3A_194 : vector<16xi32>
    %reduce_min3A_196 = tpu.scan <min>, %reduce_min3A_195 masked %reduce_min3A_192 : vector<16xi32>, vector<16xi1> -> vector<16xi32>
    %reduce_min3A_197 = arith.xori %reduce_min3A_196, %reduce_min3A_194 : vector<16xi32>
    %reduce_min3A_198 = vector.extract %reduce_min3A_197[15] : i32 from vector<16xi32>
    %add3A_199 = arith.constant 128 : i32
    %add3A_200 = arith.addi %add3A_122, %add3A_199 : i32
    %ge3A_201 = arith.constant 32768 : i32
    %ge3A_202 = arith.cmpi sge, %add3A_200, %ge3A_201 : i32
    %add3A_203 = arith.constant 128 : i32
    %add3A_204 = arith.addi %add3A_122, %add3A_203 : i32
    %ge3A_205 = arith.cmpi sge, %reduce_min3A_198, %add3A_204 : i32
    %or3A_206 = arith.ori %ge3A_202, %ge3A_205 : i1
    %add3A_207 = arith.constant 128 : i32
    %add3A_208 = arith.addi %add3A_122, %add3A_207 : i32
    %le3A_209 = arith.constant 32768 : i32
    %le3A_210 = arith.cmpi sle, %add3A_208, %le3A_209 : i32
    %reduce_and3A_211 = arith.constant 1.000000e+00 : f32
    %reduce_and3A_212 = arith.constant 0.000000e+00 : f32
    %reduce_and3A_213 = vector.broadcast %reduce_and3A_211 : f32 to vector<16xf32>
    %reduce_and3A_214 = vector.broadcast %reduce_and3A_212 : f32 to vector<16xf32>
    %reduce_and3A_215 = arith.select %and3A_188, %reduce_and3A_213, %reduce_and3A_214 : vector<16xi1>, vector<16xf32>
    %reduce_and3A_216 = arith.constant true
    %reduce_and3A_217 = vector.broadcast %reduce_and3A_216 : i1 to vector<16xi1>
    %reduce_and3A_218 = tpu.scan <min>, %reduce_and3A_215 masked %reduce_and3A_217 : vector<16xf32>, vector<16xi1> -> vector<16xf32>
    %reduce_and3A_219 = vector.extract %reduce_and3A_218[15] : f32 from vector<16xf32>
    %reduce_and3A_220 = arith.constant 0.000000e+00 : f32
    %reduce_and3A_221 = arith.cmpf ogt, %reduce_and3A_219, %reduce_and3A_220 : f32
    %and3A_222 = arith.andi %reduce_and3A_221, %or3A_206 : i1
    %le3A_223 = arith.cmpi sle, %reduce_max3A_16, %add3A_122 : i32
    %select_n3A_224 = arith.select %le3A_210, %and3A_222, %le3A_223 : i1
    %eq3A_225 = arith.constant 1 : i32
    %eq3A_226 = vector.broadcast %eq3A_225 : i32 to vector<16xi32>
    %eq3A_227 = arith.cmpi eq, %iota3A, %eq3A_226 : vector<16xi32>
    %jit3A_228 = arith.constant 1 : i32
    %jit3A_229 = arith.constant 0 : i32
    %select_n3A_230 = arith.select %select_n3A_224, %jit3A_228, %jit3A_229 : i32
    %broadcast_in_dim3A_231 = vector.broadcast %select_n3A_230 : i32 to vector<16xi32>
    %select_n3A_232 = arith.select %eq3A_227, %broadcast_in_dim3A_231, %select_n3A_120 : vector<16xi1>, vector<16xi32>
    %add3A_233 = arith.constant 256 : i32
    %add3A_234 = arith.addi %mul3A_2, %add3A_233 : i32
    %broadcast_in_dim3A_235 = arith.constant true
    %broadcast_in_dim3A_236 = vector.broadcast %broadcast_in_dim3A_235 : i1 to vector<16xi1>
    %get3A_237 = arith.constant 256 : index
    %get3A_238 = tpu.vector_load %arg6[%get3A_237] {strides = array<i32>} : memref<2048xi32, #tpu.memory_space<vmem>>, vector<16xi32>,
    %add3A_239 = arith.constant 0 : i32
    %add3A_240 = arith.addi %add3A_234, %add3A_239 : i32
    %add3A_241 = vector.broadcast %add3A_240 : i32 to vector<16xi32>
    %add3A_242 = arith.addi %add3A_241, %iota3A : vector<16xi32>
    %eq3A_243 = arith.cmpi eq, %get3A_238, %add3A_242 : vector<16xi32>
    %and3A_244 = arith.andi %broadcast_in_dim3A_236, %eq3A_243 : vector<16xi1>
    %get3A_245 = arith.constant 272 : index
    %get3A_246 = tpu.vector_load %arg6[%get3A_245] {strides = array<i32>} : memref<2048xi32, #tpu.memory_space<vmem>>, vector<16xi32>,
    %add3A_247 = arith.constant 16 : i32
    %add3A_248 = arith.addi %add3A_234, %add3A_247 : i32
    %add3A_249 = vector.broadcast %add3A_248 : i32 to vector<16xi32>
    %add3A_250 = arith.addi %add3A_249, %iota3A : vector<16xi32>
    %eq3A_251 = arith.cmpi eq, %get3A_246, %add3A_250 : vector<16xi32>
    %and3A_252 = arith.andi %and3A_244, %eq3A_251 : vector<16xi1>
    %get3A_253 = arith.constant 288 : index
    %get3A_254 = tpu.vector_load %arg6[%get3A_253] {strides = array<i32>} : memref<2048xi32, #tpu.memory_space<vmem>>, vector<16xi32>,
    %add3A_255 = arith.constant 32 : i32
    %add3A_256 = arith.addi %add3A_234, %add3A_255 : i32
    %add3A_257 = vector.broadcast %add3A_256 : i32 to vector<16xi32>
    %add3A_258 = arith.addi %add3A_257, %iota3A : vector<16xi32>
    %eq3A_259 = arith.cmpi eq, %get3A_254, %add3A_258 : vector<16xi32>
    %and3A_260 = arith.andi %and3A_252, %eq3A_259 : vector<16xi1>
    %get3A_261 = arith.constant 304 : index
    %get3A_262 = tpu.vector_load %arg6[%get3A_261] {strides = array<i32>} : memref<2048xi32, #tpu.memory_space<vmem>>, vector<16xi32>,
    %add3A_263 = arith.constant 48 : i32
    %add3A_264 = arith.addi %add3A_234, %add3A_263 : i32
    %add3A_265 = vector.broadcast %add3A_264 : i32 to vector<16xi32>
    %add3A_266 = arith.addi %add3A_265, %iota3A : vector<16xi32>
    %eq3A_267 = arith.cmpi eq, %get3A_262, %add3A_266 : vector<16xi32>
    %and3A_268 = arith.andi %and3A_260, %eq3A_267 : vector<16xi1>
    %get3A_269 = arith.constant 320 : index
    %get3A_270 = tpu.vector_load %arg6[%get3A_269] {strides = array<i32>} : memref<2048xi32, #tpu.memory_space<vmem>>, vector<16xi32>,
    %add3A_271 = arith.constant 64 : i32
    %add3A_272 = arith.addi %add3A_234, %add3A_271 : i32
    %add3A_273 = vector.broadcast %add3A_272 : i32 to vector<16xi32>
    %add3A_274 = arith.addi %add3A_273, %iota3A : vector<16xi32>
    %eq3A_275 = arith.cmpi eq, %get3A_270, %add3A_274 : vector<16xi32>
    %and3A_276 = arith.andi %and3A_268, %eq3A_275 : vector<16xi1>
    %get3A_277 = arith.constant 336 : index
    %get3A_278 = tpu.vector_load %arg6[%get3A_277] {strides = array<i32>} : memref<2048xi32, #tpu.memory_space<vmem>>, vector<16xi32>,
    %add3A_279 = arith.constant 80 : i32
    %add3A_280 = arith.addi %add3A_234, %add3A_279 : i32
    %add3A_281 = vector.broadcast %add3A_280 : i32 to vector<16xi32>
    %add3A_282 = arith.addi %add3A_281, %iota3A : vector<16xi32>
    %eq3A_283 = arith.cmpi eq, %get3A_278, %add3A_282 : vector<16xi32>
    %and3A_284 = arith.andi %and3A_276, %eq3A_283 : vector<16xi1>
    %get3A_285 = arith.constant 352 : index
    %get3A_286 = tpu.vector_load %arg6[%get3A_285] {strides = array<i32>} : memref<2048xi32, #tpu.memory_space<vmem>>, vector<16xi32>,
    %add3A_287 = arith.constant 96 : i32
    %add3A_288 = arith.addi %add3A_234, %add3A_287 : i32
    %add3A_289 = vector.broadcast %add3A_288 : i32 to vector<16xi32>
    %add3A_290 = arith.addi %add3A_289, %iota3A : vector<16xi32>
    %eq3A_291 = arith.cmpi eq, %get3A_286, %add3A_290 : vector<16xi32>
    %and3A_292 = arith.andi %and3A_284, %eq3A_291 : vector<16xi1>
    %get3A_293 = arith.constant 368 : index
    %get3A_294 = tpu.vector_load %arg6[%get3A_293] {strides = array<i32>} : memref<2048xi32, #tpu.memory_space<vmem>>, vector<16xi32>,
    %add3A_295 = arith.constant 112 : i32
    %add3A_296 = arith.addi %add3A_234, %add3A_295 : i32
    %add3A_297 = vector.broadcast %add3A_296 : i32 to vector<16xi32>
    %add3A_298 = arith.addi %add3A_297, %iota3A : vector<16xi32>
    %eq3A_299 = arith.cmpi eq, %get3A_294, %add3A_298 : vector<16xi32>
    %and3A_300 = arith.andi %and3A_292, %eq3A_299 : vector<16xi1>
    %get3A_301 = arith.constant 384 : index
    %get3A_302 = tpu.vector_load %arg6[%get3A_301] {strides = array<i32>} : memref<2048xi32, #tpu.memory_space<vmem>>, vector<16xi32>,
    %reduce_min3A_303 = arith.constant true
    %reduce_min3A_304 = vector.broadcast %reduce_min3A_303 : i1 to vector<16xi1>
    %reduce_min3A_305 = arith.constant -2147483648 : i32
    %reduce_min3A_306 = vector.broadcast %reduce_min3A_305 : i32 to vector<16xi32>
    %reduce_min3A_307 = arith.xori %get3A_302, %reduce_min3A_306 : vector<16xi32>
    %reduce_min3A_308 = tpu.scan <min>, %reduce_min3A_307 masked %reduce_min3A_304 : vector<16xi32>, vector<16xi1> -> vector<16xi32>
    %reduce_min3A_309 = arith.xori %reduce_min3A_308, %reduce_min3A_306 : vector<16xi32>
    %reduce_min3A_310 = vector.extract %reduce_min3A_309[15] : i32 from vector<16xi32>
    %add3A_311 = arith.constant 128 : i32
    %add3A_312 = arith.addi %add3A_234, %add3A_311 : i32
    %ge3A_313 = arith.constant 32768 : i32
    %ge3A_314 = arith.cmpi sge, %add3A_312, %ge3A_313 : i32
    %add3A_315 = arith.constant 128 : i32
    %add3A_316 = arith.addi %add3A_234, %add3A_315 : i32
    %ge3A_317 = arith.cmpi sge, %reduce_min3A_310, %add3A_316 : i32
    %or3A_318 = arith.ori %ge3A_314, %ge3A_317 : i1
    %add3A_319 = arith.constant 128 : i32
    %add3A_320 = arith.addi %add3A_234, %add3A_319 : i32
    %le3A_321 = arith.constant 32768 : i32
    %le3A_322 = arith.cmpi sle, %add3A_320, %le3A_321 : i32
    %reduce_and3A_323 = arith.constant 1.000000e+00 : f32
    %reduce_and3A_324 = arith.constant 0.000000e+00 : f32
    %reduce_and3A_325 = vector.broadcast %reduce_and3A_323 : f32 to vector<16xf32>
    %reduce_and3A_326 = vector.broadcast %reduce_and3A_324 : f32 to vector<16xf32>
    %reduce_and3A_327 = arith.select %and3A_300, %reduce_and3A_325, %reduce_and3A_326 : vector<16xi1>, vector<16xf32>
    %reduce_and3A_328 = arith.constant true
    %reduce_and3A_329 = vector.broadcast %reduce_and3A_328 : i1 to vector<16xi1>
    %reduce_and3A_330 = tpu.scan <min>, %reduce_and3A_327 masked %reduce_and3A_329 : vector<16xf32>, vector<16xi1> -> vector<16xf32>
    %reduce_and3A_331 = vector.extract %reduce_and3A_330[15] : f32 from vector<16xf32>
    %reduce_and3A_332 = arith.constant 0.000000e+00 : f32
    %reduce_and3A_333 = arith.cmpf ogt, %reduce_and3A_331, %reduce_and3A_332 : f32
    %and3A_334 = arith.andi %reduce_and3A_333, %or3A_318 : i1
    %le3A_335 = arith.cmpi sle, %reduce_max3A_16, %add3A_234 : i32
    %select_n3A_336 = arith.select %le3A_322, %and3A_334, %le3A_335 : i1
    %eq3A_337 = arith.constant 2 : i32
    %eq3A_338 = vector.broadcast %eq3A_337 : i32 to vector<16xi32>
    %eq3A_339 = arith.cmpi eq, %iota3A, %eq3A_338 : vector<16xi32>
    %jit3A_340 = arith.constant 1 : i32
    %jit3A_341 = arith.constant 0 : i32
    %select_n3A_342 = arith.select %select_n3A_336, %jit3A_340, %jit3A_341 : i32
    %broadcast_in_dim3A_343 = vector.broadcast %select_n3A_342 : i32 to vector<16xi32>
    %select_n3A_344 = arith.select %eq3A_339, %broadcast_in_dim3A_343, %select_n3A_232 : vector<16xi1>, vector<16xi32>
    %add3A_345 = arith.constant 384 : i32
    %add3A_346 = arith.addi %mul3A_2, %add3A_345 : i32
    %broadcast_in_dim3A_347 = arith.constant true
    %broadcast_in_dim3A_348 = vector.broadcast %broadcast_in_dim3A_347 : i1 to vector<16xi1>
    %get3A_349 = arith.constant 384 : index
    %get3A_350 = tpu.vector_load %arg6[%get3A_349] {strides = array<i32>} : memref<2048xi32, #tpu.memory_space<vmem>>, vector<16xi32>,
    %add3A_351 = arith.constant 0 : i32
    %add3A_352 = arith.addi %add3A_346, %add3A_351 : i32
    %add3A_353 = vector.broadcast %add3A_352 : i32 to vector<16xi32>
    %add3A_354 = arith.addi %add3A_353, %iota3A : vector<16xi32>
    %eq3A_355 = arith.cmpi eq, %get3A_350, %add3A_354 : vector<16xi32>
    %and3A_356 = arith.andi %broadcast_in_dim3A_348, %eq3A_355 : vector<16xi1>
    %get3A_357 = arith.constant 400 : index
    %get3A_358 = tpu.vector_load %arg6[%get3A_357] {strides = array<i32>} : memref<2048xi32, #tpu.memory_space<vmem>>, vector<16xi32>,
    %add3A_359 = arith.constant 16 : i32
    %add3A_360 = arith.addi %add3A_346, %add3A_359 : i32
    %add3A_361 = vector.broadcast %add3A_360 : i32 to vector<16xi32>
    %add3A_362 = arith.addi %add3A_361, %iota3A : vector<16xi32>
    %eq3A_363 = arith.cmpi eq, %get3A_358, %add3A_362 : vector<16xi32>
    %and3A_364 = arith.andi %and3A_356, %eq3A_363 : vector<16xi1>
    %get3A_365 = arith.constant 416 : index
    %get3A_366 = tpu.vector_load %arg6[%get3A_365] {strides = array<i32>} : memref<2048xi32, #tpu.memory_space<vmem>>, vector<16xi32>,
    %add3A_367 = arith.constant 32 : i32
    %add3A_368 = arith.addi %add3A_346, %add3A_367 : i32
    %add3A_369 = vector.broadcast %add3A_368 : i32 to vector<16xi32>
    %add3A_370 = arith.addi %add3A_369, %iota3A : vector<16xi32>
    %eq3A_371 = arith.cmpi eq, %get3A_366, %add3A_370 : vector<16xi32>
    %and3A_372 = arith.andi %and3A_364, %eq3A_371 : vector<16xi1>
    %get3A_373 = arith.constant 432 : index
    %get3A_374 = tpu.vector_load %arg6[%get3A_373] {strides = array<i32>} : memref<2048xi32, #tpu.memory_space<vmem>>, vector<16xi32>,
    %add3A_375 = arith.constant 48 : i32
    %add3A_376 = arith.addi %add3A_346, %add3A_375 : i32
    %add3A_377 = vector.broadcast %add3A_376 : i32 to vector<16xi32>
    %add3A_378 = arith.addi %add3A_377, %iota3A : vector<16xi32>
    %eq3A_379 = arith.cmpi eq, %get3A_374, %add3A_378 : vector<16xi32>
    %and3A_380 = arith.andi %and3A_372, %eq3A_379 : vector<16xi1>
    %get3A_381 = arith.constant 448 : index
    %get3A_382 = tpu.vector_load %arg6[%get3A_381] {strides = array<i32>} : memref<2048xi32, #tpu.memory_space<vmem>>, vector<16xi32>,
    %add3A_383 = arith.constant 64 : i32
    %add3A_384 = arith.addi %add3A_346, %add3A_383 : i32
    %add3A_385 = vector.broadcast %add3A_384 : i32 to vector<16xi32>
    %add3A_386 = arith.addi %add3A_385, %iota3A : vector<16xi32>
    %eq3A_387 = arith.cmpi eq, %get3A_382, %add3A_386 : vector<16xi32>
    %and3A_388 = arith.andi %and3A_380, %eq3A_387 : vector<16xi1>
    %get3A_389 = arith.constant 464 : index
    %get3A_390 = tpu.vector_load %arg6[%get3A_389] {strides = array<i32>} : memref<2048xi32, #tpu.memory_space<vmem>>, vector<16xi32>,
    %add3A_391 = arith.constant 80 : i32
    %add3A_392 = arith.addi %add3A_346, %add3A_391 : i32
    %add3A_393 = vector.broadcast %add3A_392 : i32 to vector<16xi32>
    %add3A_394 = arith.addi %add3A_393, %iota3A : vector<16xi32>
    %eq3A_395 = arith.cmpi eq, %get3A_390, %add3A_394 : vector<16xi32>
    %and3A_396 = arith.andi %and3A_388, %eq3A_395 : vector<16xi1>
    %get3A_397 = arith.constant 480 : index
    %get3A_398 = tpu.vector_load %arg6[%get3A_397] {strides = array<i32>} : memref<2048xi32, #tpu.memory_space<vmem>>, vector<16xi32>,
    %add3A_399 = arith.constant 96 : i32
    %add3A_400 = arith.addi %add3A_346, %add3A_399 : i32
    %add3A_401 = vector.broadcast %add3A_400 : i32 to vector<16xi32>
    %add3A_402 = arith.addi %add3A_401, %iota3A : vector<16xi32>
    %eq3A_403 = arith.cmpi eq, %get3A_398, %add3A_402 : vector<16xi32>
    %and3A_404 = arith.andi %and3A_396, %eq3A_403 : vector<16xi1>
    %get3A_405 = arith.constant 496 : index
    %get3A_406 = tpu.vector_load %arg6[%get3A_405] {strides = array<i32>} : memref<2048xi32, #tpu.memory_space<vmem>>, vector<16xi32>,
    %add3A_407 = arith.constant 112 : i32
    %add3A_408 = arith.addi %add3A_346, %add3A_407 : i32
    %add3A_409 = vector.broadcast %add3A_408 : i32 to vector<16xi32>
    %add3A_410 = arith.addi %add3A_409, %iota3A : vector<16xi32>
    %eq3A_411 = arith.cmpi eq, %get3A_406, %add3A_410 : vector<16xi32>
    %and3A_412 = arith.andi %and3A_404, %eq3A_411 : vector<16xi1>
    %get3A_413 = arith.constant 512 : index
    %get3A_414 = tpu.vector_load %arg6[%get3A_413] {strides = array<i32>} : memref<2048xi32, #tpu.memory_space<vmem>>, vector<16xi32>,
    %reduce_min3A_415 = arith.constant true
    %reduce_min3A_416 = vector.broadcast %reduce_min3A_415 : i1 to vector<16xi1>
    %reduce_min3A_417 = arith.constant -2147483648 : i32
    %reduce_min3A_418 = vector.broadcast %reduce_min3A_417 : i32 to vector<16xi32>
    %reduce_min3A_419 = arith.xori %get3A_414, %reduce_min3A_418 : vector<16xi32>
    %reduce_min3A_420 = tpu.scan <min>, %reduce_min3A_419 masked %reduce_min3A_416 : vector<16xi32>, vector<16xi1> -> vector<16xi32>
    %reduce_min3A_421 = arith.xori %reduce_min3A_420, %reduce_min3A_418 : vector<16xi32>
    %reduce_min3A_422 = vector.extract %reduce_min3A_421[15] : i32 from vector<16xi32>
    %add3A_423 = arith.constant 128 : i32
    %add3A_424 = arith.addi %add3A_346, %add3A_423 : i32
    %ge3A_425 = arith.constant 32768 : i32
    %ge3A_426 = arith.cmpi sge, %add3A_424, %ge3A_425 : i32
    %add3A_427 = arith.constant 128 : i32
    %add3A_428 = arith.addi %add3A_346, %add3A_427 : i32
    %ge3A_429 = arith.cmpi sge, %reduce_min3A_422, %add3A_428 : i32
    %or3A_430 = arith.ori %ge3A_426, %ge3A_429 : i1
    %add3A_431 = arith.constant 128 : i32
    %add3A_432 = arith.addi %add3A_346, %add3A_431 : i32
    %le3A_433 = arith.constant 32768 : i32
    %le3A_434 = arith.cmpi sle, %add3A_432, %le3A_433 : i32
    %reduce_and3A_435 = arith.constant 1.000000e+00 : f32
    %reduce_and3A_436 = arith.constant 0.000000e+00 : f32
    %reduce_and3A_437 = vector.broadcast %reduce_and3A_435 : f32 to vector<16xf32>
    %reduce_and3A_438 = vector.broadcast %reduce_and3A_436 : f32 to vector<16xf32>
    %reduce_and3A_439 = arith.select %and3A_412, %reduce_and3A_437, %reduce_and3A_438 : vector<16xi1>, vector<16xf32>
    %reduce_and3A_440 = arith.constant true
    %reduce_and3A_441 = vector.broadcast %reduce_and3A_440 : i1 to vector<16xi1>
    %reduce_and3A_442 = tpu.scan <min>, %reduce_and3A_439 masked %reduce_and3A_441 : vector<16xf32>, vector<16xi1> -> vector<16xf32>
    %reduce_and3A_443 = vector.extract %reduce_and3A_442[15] : f32 from vector<16xf32>
    %reduce_and3A_444 = arith.constant 0.000000e+00 : f32
    %reduce_and3A_445 = arith.cmpf ogt, %reduce_and3A_443, %reduce_and3A_444 : f32
    %and3A_446 = arith.andi %reduce_and3A_445, %or3A_430 : i1
    %le3A_447 = arith.cmpi sle, %reduce_max3A_16, %add3A_346 : i32
    %select_n3A_448 = arith.select %le3A_434, %and3A_446, %le3A_447 : i1
    %eq3A_449 = arith.constant 3 : i32
    %eq3A_450 = vector.broadcast %eq3A_449 : i32 to vector<16xi32>
    %eq3A_451 = arith.cmpi eq, %iota3A, %eq3A_450 : vector<16xi32>
    %jit3A_452 = arith.constant 1 : i32
    %jit3A_453 = arith.constant 0 : i32
    %select_n3A_454 = arith.select %select_n3A_448, %jit3A_452, %jit3A_453 : i32
    %broadcast_in_dim3A_455 = vector.broadcast %select_n3A_454 : i32 to vector<16xi32>
    %select_n3A_456 = arith.select %eq3A_451, %broadcast_in_dim3A_455, %select_n3A_344 : vector<16xi1>, vector<16xi32>
    %add3A_457 = arith.constant 512 : i32
    %add3A_458 = arith.addi %mul3A_2, %add3A_457 : i32
    %broadcast_in_dim3A_459 = arith.constant true
    %broadcast_in_dim3A_460 = vector.broadcast %broadcast_in_dim3A_459 : i1 to vector<16xi1>
    %get3A_461 = arith.constant 512 : index
    %get3A_462 = tpu.vector_load %arg6[%get3A_461] {strides = array<i32>} : memref<2048xi32, #tpu.memory_space<vmem>>, vector<16xi32>,
    %add3A_463 = arith.constant 0 : i32
    %add3A_464 = arith.addi %add3A_458, %add3A_463 : i32
    %add3A_465 = vector.broadcast %add3A_464 : i32 to vector<16xi32>
    %add3A_466 = arith.addi %add3A_465, %iota3A : vector<16xi32>
    %eq3A_467 = arith.cmpi eq, %get3A_462, %add3A_466 : vector<16xi32>
    %and3A_468 = arith.andi %broadcast_in_dim3A_460, %eq3A_467 : vector<16xi1>
    %get3A_469 = arith.constant 528 : index
    %get3A_470 = tpu.vector_load %arg6[%get3A_469] {strides = array<i32>} : memref<2048xi32, #tpu.memory_space<vmem>>, vector<16xi32>,
    %add3A_471 = arith.constant 16 : i32
    %add3A_472 = arith.addi %add3A_458, %add3A_471 : i32
    %add3A_473 = vector.broadcast %add3A_472 : i32 to vector<16xi32>
    %add3A_474 = arith.addi %add3A_473, %iota3A : vector<16xi32>
    %eq3A_475 = arith.cmpi eq, %get3A_470, %add3A_474 : vector<16xi32>
    %and3A_476 = arith.andi %and3A_468, %eq3A_475 : vector<16xi1>
    %get3A_477 = arith.constant 544 : index
    %get3A_478 = tpu.vector_load %arg6[%get3A_477] {strides = array<i32>} : memref<2048xi32, #tpu.memory_space<vmem>>, vector<16xi32>,
    %add3A_479 = arith.constant 32 : i32
    %add3A_480 = arith.addi %add3A_458, %add3A_479 : i32
    %add3A_481 = vector.broadcast %add3A_480 : i32 to vector<16xi32>
    %add3A_482 = arith.addi %add3A_481, %iota3A : vector<16xi32>
    %eq3A_483 = arith.cmpi eq, %get3A_478, %add3A_482 : vector<16xi32>
    %and3A_484 = arith.andi %and3A_476, %eq3A_483 : vector<16xi1>
    %get3A_485 = arith.constant 560 : index
    %get3A_486 = tpu.vector_load %arg6[%get3A_485] {strides = array<i32>} : memref<2048xi32, #tpu.memory_space<vmem>>, vector<16xi32>,
    %add3A_487 = arith.constant 48 : i32
    %add3A_488 = arith.addi %add3A_458, %add3A_487 : i32
    %add3A_489 = vector.broadcast %add3A_488 : i32 to vector<16xi32>
    %add3A_490 = arith.addi %add3A_489, %iota3A : vector<16xi32>
    %eq3A_491 = arith.cmpi eq, %get3A_486, %add3A_490 : vector<16xi32>
    %and3A_492 = arith.andi %and3A_484, %eq3A_491 : vector<16xi1>
    %get3A_493 = arith.constant 576 : index
    %get3A_494 = tpu.vector_load %arg6[%get3A_493] {strides = array<i32>} : memref<2048xi32, #tpu.memory_space<vmem>>, vector<16xi32>,
    %add3A_495 = arith.constant 64 : i32
    %add3A_496 = arith.addi %add3A_458, %add3A_495 : i32
    %add3A_497 = vector.broadcast %add3A_496 : i32 to vector<16xi32>
    %add3A_498 = arith.addi %add3A_497, %iota3A : vector<16xi32>
    %eq3A_499 = arith.cmpi eq, %get3A_494, %add3A_498 : vector<16xi32>
    %and3A_500 = arith.andi %and3A_492, %eq3A_499 : vector<16xi1>
    %get3A_501 = arith.constant 592 : index
    %get3A_502 = tpu.vector_load %arg6[%get3A_501] {strides = array<i32>} : memref<2048xi32, #tpu.memory_space<vmem>>, vector<16xi32>,
    %add3A_503 = arith.constant 80 : i32
    %add3A_504 = arith.addi %add3A_458, %add3A_503 : i32
    %add3A_505 = vector.broadcast %add3A_504 : i32 to vector<16xi32>
    %add3A_506 = arith.addi %add3A_505, %iota3A : vector<16xi32>
    %eq3A_507 = arith.cmpi eq, %get3A_502, %add3A_506 : vector<16xi32>
    %and3A_508 = arith.andi %and3A_500, %eq3A_507 : vector<16xi1>
    %get3A_509 = arith.constant 608 : index
    %get3A_510 = tpu.vector_load %arg6[%get3A_509] {strides = array<i32>} : memref<2048xi32, #tpu.memory_space<vmem>>, vector<16xi32>,
    %add3A_511 = arith.constant 96 : i32
    %add3A_512 = arith.addi %add3A_458, %add3A_511 : i32
    %add3A_513 = vector.broadcast %add3A_512 : i32 to vector<16xi32>
    %add3A_514 = arith.addi %add3A_513, %iota3A : vector<16xi32>
    %eq3A_515 = arith.cmpi eq, %get3A_510, %add3A_514 : vector<16xi32>
    %and3A_516 = arith.andi %and3A_508, %eq3A_515 : vector<16xi1>
    %get3A_517 = arith.constant 624 : index
    %get3A_518 = tpu.vector_load %arg6[%get3A_517] {strides = array<i32>} : memref<2048xi32, #tpu.memory_space<vmem>>, vector<16xi32>,
    %add3A_519 = arith.constant 112 : i32
    %add3A_520 = arith.addi %add3A_458, %add3A_519 : i32
    %add3A_521 = vector.broadcast %add3A_520 : i32 to vector<16xi32>
    %add3A_522 = arith.addi %add3A_521, %iota3A : vector<16xi32>
    %eq3A_523 = arith.cmpi eq, %get3A_518, %add3A_522 : vector<16xi32>
    %and3A_524 = arith.andi %and3A_516, %eq3A_523 : vector<16xi1>
    %get3A_525 = arith.constant 640 : index
    %get3A_526 = tpu.vector_load %arg6[%get3A_525] {strides = array<i32>} : memref<2048xi32, #tpu.memory_space<vmem>>, vector<16xi32>,
    %reduce_min3A_527 = arith.constant true
    %reduce_min3A_528 = vector.broadcast %reduce_min3A_527 : i1 to vector<16xi1>
    %reduce_min3A_529 = arith.constant -2147483648 : i32
    %reduce_min3A_530 = vector.broadcast %reduce_min3A_529 : i32 to vector<16xi32>
    %reduce_min3A_531 = arith.xori %get3A_526, %reduce_min3A_530 : vector<16xi32>
    %reduce_min3A_532 = tpu.scan <min>, %reduce_min3A_531 masked %reduce_min3A_528 : vector<16xi32>, vector<16xi1> -> vector<16xi32>
    %reduce_min3A_533 = arith.xori %reduce_min3A_532, %reduce_min3A_530 : vector<16xi32>
    %reduce_min3A_534 = vector.extract %reduce_min3A_533[15] : i32 from vector<16xi32>
    %add3A_535 = arith.constant 128 : i32
    %add3A_536 = arith.addi %add3A_458, %add3A_535 : i32
    %ge3A_537 = arith.constant 32768 : i32
    %ge3A_538 = arith.cmpi sge, %add3A_536, %ge3A_537 : i32
    %add3A_539 = arith.constant 128 : i32
    %add3A_540 = arith.addi %add3A_458, %add3A_539 : i32
    %ge3A_541 = arith.cmpi sge, %reduce_min3A_534, %add3A_540 : i32
    %or3A_542 = arith.ori %ge3A_538, %ge3A_541 : i1
    %add3A_543 = arith.constant 128 : i32
    %add3A_544 = arith.addi %add3A_458, %add3A_543 : i32
    %le3A_545 = arith.constant 32768 : i32
    %le3A_546 = arith.cmpi sle, %add3A_544, %le3A_545 : i32
    %reduce_and3A_547 = arith.constant 1.000000e+00 : f32
    %reduce_and3A_548 = arith.constant 0.000000e+00 : f32
    %reduce_and3A_549 = vector.broadcast %reduce_and3A_547 : f32 to vector<16xf32>
    %reduce_and3A_550 = vector.broadcast %reduce_and3A_548 : f32 to vector<16xf32>
    %reduce_and3A_551 = arith.select %and3A_524, %reduce_and3A_549, %reduce_and3A_550 : vector<16xi1>, vector<16xf32>
    %reduce_and3A_552 = arith.constant true
    %reduce_and3A_553 = vector.broadcast %reduce_and3A_552 : i1 to vector<16xi1>
    %reduce_and3A_554 = tpu.scan <min>, %reduce_and3A_551 masked %reduce_and3A_553 : vector<16xf32>, vector<16xi1> -> vector<16xf32>
    %reduce_and3A_555 = vector.extract %reduce_and3A_554[15] : f32 from vector<16xf32>
    %reduce_and3A_556 = arith.constant 0.000000e+00 : f32
    %reduce_and3A_557 = arith.cmpf ogt, %reduce_and3A_555, %reduce_and3A_556 : f32
    %and3A_558 = arith.andi %reduce_and3A_557, %or3A_542 : i1
    %le3A_559 = arith.cmpi sle, %reduce_max3A_16, %add3A_458 : i32
    %select_n3A_560 = arith.select %le3A_546, %and3A_558, %le3A_559 : i1
    %eq3A_561 = arith.constant 4 : i32
    %eq3A_562 = vector.broadcast %eq3A_561 : i32 to vector<16xi32>
    %eq3A_563 = arith.cmpi eq, %iota3A, %eq3A_562 : vector<16xi32>
    %jit3A_564 = arith.constant 1 : i32
    %jit3A_565 = arith.constant 0 : i32
    %select_n3A_566 = arith.select %select_n3A_560, %jit3A_564, %jit3A_565 : i32
    %broadcast_in_dim3A_567 = vector.broadcast %select_n3A_566 : i32 to vector<16xi32>
    %select_n3A_568 = arith.select %eq3A_563, %broadcast_in_dim3A_567, %select_n3A_456 : vector<16xi1>, vector<16xi32>
    %add3A_569 = arith.constant 640 : i32
    %add3A_570 = arith.addi %mul3A_2, %add3A_569 : i32
    %broadcast_in_dim3A_571 = arith.constant true
    %broadcast_in_dim3A_572 = vector.broadcast %broadcast_in_dim3A_571 : i1 to vector<16xi1>
    %get3A_573 = arith.constant 640 : index
    %get3A_574 = tpu.vector_load %arg6[%get3A_573] {strides = array<i32>} : memref<2048xi32, #tpu.memory_space<vmem>>, vector<16xi32>,
    %add3A_575 = arith.constant 0 : i32
    %add3A_576 = arith.addi %add3A_570, %add3A_575 : i32
    %add3A_577 = vector.broadcast %add3A_576 : i32 to vector<16xi32>
    %add3A_578 = arith.addi %add3A_577, %iota3A : vector<16xi32>
    %eq3A_579 = arith.cmpi eq, %get3A_574, %add3A_578 : vector<16xi32>
    %and3A_580 = arith.andi %broadcast_in_dim3A_572, %eq3A_579 : vector<16xi1>
    %get3A_581 = arith.constant 656 : index
    %get3A_582 = tpu.vector_load %arg6[%get3A_581] {strides = array<i32>} : memref<2048xi32, #tpu.memory_space<vmem>>, vector<16xi32>,
    %add3A_583 = arith.constant 16 : i32
    %add3A_584 = arith.addi %add3A_570, %add3A_583 : i32
    %add3A_585 = vector.broadcast %add3A_584 : i32 to vector<16xi32>
    %add3A_586 = arith.addi %add3A_585, %iota3A : vector<16xi32>
    %eq3A_587 = arith.cmpi eq, %get3A_582, %add3A_586 : vector<16xi32>
    %and3A_588 = arith.andi %and3A_580, %eq3A_587 : vector<16xi1>
    %get3A_589 = arith.constant 672 : index
    %get3A_590 = tpu.vector_load %arg6[%get3A_589] {strides = array<i32>} : memref<2048xi32, #tpu.memory_space<vmem>>, vector<16xi32>,
    %add3A_591 = arith.constant 32 : i32
    %add3A_592 = arith.addi %add3A_570, %add3A_591 : i32
    %add3A_593 = vector.broadcast %add3A_592 : i32 to vector<16xi32>
    %add3A_594 = arith.addi %add3A_593, %iota3A : vector<16xi32>
    %eq3A_595 = arith.cmpi eq, %get3A_590, %add3A_594 : vector<16xi32>
    %and3A_596 = arith.andi %and3A_588, %eq3A_595 : vector<16xi1>
    %get3A_597 = arith.constant 688 : index
    %get3A_598 = tpu.vector_load %arg6[%get3A_597] {strides = array<i32>} : memref<2048xi32, #tpu.memory_space<vmem>>, vector<16xi32>,
    %add3A_599 = arith.constant 48 : i32
    %add3A_600 = arith.addi %add3A_570, %add3A_599 : i32
    %add3A_601 = vector.broadcast %add3A_600 : i32 to vector<16xi32>
    %add3A_602 = arith.addi %add3A_601, %iota3A : vector<16xi32>
    %eq3A_603 = arith.cmpi eq, %get3A_598, %add3A_602 : vector<16xi32>
    %and3A_604 = arith.andi %and3A_596, %eq3A_603 : vector<16xi1>
    %get3A_605 = arith.constant 704 : index
    %get3A_606 = tpu.vector_load %arg6[%get3A_605] {strides = array<i32>} : memref<2048xi32, #tpu.memory_space<vmem>>, vector<16xi32>,
    %add3A_607 = arith.constant 64 : i32
    %add3A_608 = arith.addi %add3A_570, %add3A_607 : i32
    %add3A_609 = vector.broadcast %add3A_608 : i32 to vector<16xi32>
    %add3A_610 = arith.addi %add3A_609, %iota3A : vector<16xi32>
    %eq3A_611 = arith.cmpi eq, %get3A_606, %add3A_610 : vector<16xi32>
    %and3A_612 = arith.andi %and3A_604, %eq3A_611 : vector<16xi1>
    %get3A_613 = arith.constant 720 : index
    %get3A_614 = tpu.vector_load %arg6[%get3A_613] {strides = array<i32>} : memref<2048xi32, #tpu.memory_space<vmem>>, vector<16xi32>,
    %add3A_615 = arith.constant 80 : i32
    %add3A_616 = arith.addi %add3A_570, %add3A_615 : i32
    %add3A_617 = vector.broadcast %add3A_616 : i32 to vector<16xi32>
    %add3A_618 = arith.addi %add3A_617, %iota3A : vector<16xi32>
    %eq3A_619 = arith.cmpi eq, %get3A_614, %add3A_618 : vector<16xi32>
    %and3A_620 = arith.andi %and3A_612, %eq3A_619 : vector<16xi1>
    %get3A_621 = arith.constant 736 : index
    %get3A_622 = tpu.vector_load %arg6[%get3A_621] {strides = array<i32>} : memref<2048xi32, #tpu.memory_space<vmem>>, vector<16xi32>,
    %add3A_623 = arith.constant 96 : i32
    %add3A_624 = arith.addi %add3A_570, %add3A_623 : i32
    %add3A_625 = vector.broadcast %add3A_624 : i32 to vector<16xi32>
    %add3A_626 = arith.addi %add3A_625, %iota3A : vector<16xi32>
    %eq3A_627 = arith.cmpi eq, %get3A_622, %add3A_626 : vector<16xi32>
    %and3A_628 = arith.andi %and3A_620, %eq3A_627 : vector<16xi1>
    %get3A_629 = arith.constant 752 : index
    %get3A_630 = tpu.vector_load %arg6[%get3A_629] {strides = array<i32>} : memref<2048xi32, #tpu.memory_space<vmem>>, vector<16xi32>,
    %add3A_631 = arith.constant 112 : i32
    %add3A_632 = arith.addi %add3A_570, %add3A_631 : i32
    %add3A_633 = vector.broadcast %add3A_632 : i32 to vector<16xi32>
    %add3A_634 = arith.addi %add3A_633, %iota3A : vector<16xi32>
    %eq3A_635 = arith.cmpi eq, %get3A_630, %add3A_634 : vector<16xi32>
    %and3A_636 = arith.andi %and3A_628, %eq3A_635 : vector<16xi1>
    %get3A_637 = arith.constant 768 : index
    %get3A_638 = tpu.vector_load %arg6[%get3A_637] {strides = array<i32>} : memref<2048xi32, #tpu.memory_space<vmem>>, vector<16xi32>,
    %reduce_min3A_639 = arith.constant true
    %reduce_min3A_640 = vector.broadcast %reduce_min3A_639 : i1 to vector<16xi1>
    %reduce_min3A_641 = arith.constant -2147483648 : i32
    %reduce_min3A_642 = vector.broadcast %reduce_min3A_641 : i32 to vector<16xi32>
    %reduce_min3A_643 = arith.xori %get3A_638, %reduce_min3A_642 : vector<16xi32>
    %reduce_min3A_644 = tpu.scan <min>, %reduce_min3A_643 masked %reduce_min3A_640 : vector<16xi32>, vector<16xi1> -> vector<16xi32>
    %reduce_min3A_645 = arith.xori %reduce_min3A_644, %reduce_min3A_642 : vector<16xi32>
    %reduce_min3A_646 = vector.extract %reduce_min3A_645[15] : i32 from vector<16xi32>
    %add3A_647 = arith.constant 128 : i32
    %add3A_648 = arith.addi %add3A_570, %add3A_647 : i32
    %ge3A_649 = arith.constant 32768 : i32
    %ge3A_650 = arith.cmpi sge, %add3A_648, %ge3A_649 : i32
    %add3A_651 = arith.constant 128 : i32
    %add3A_652 = arith.addi %add3A_570, %add3A_651 : i32
    %ge3A_653 = arith.cmpi sge, %reduce_min3A_646, %add3A_652 : i32
    %or3A_654 = arith.ori %ge3A_650, %ge3A_653 : i1
    %add3A_655 = arith.constant 128 : i32
    %add3A_656 = arith.addi %add3A_570, %add3A_655 : i32
    %le3A_657 = arith.constant 32768 : i32
    %le3A_658 = arith.cmpi sle, %add3A_656, %le3A_657 : i32
    %reduce_and3A_659 = arith.constant 1.000000e+00 : f32
    %reduce_and3A_660 = arith.constant 0.000000e+00 : f32
    %reduce_and3A_661 = vector.broadcast %reduce_and3A_659 : f32 to vector<16xf32>
    %reduce_and3A_662 = vector.broadcast %reduce_and3A_660 : f32 to vector<16xf32>
    %reduce_and3A_663 = arith.select %and3A_636, %reduce_and3A_661, %reduce_and3A_662 : vector<16xi1>, vector<16xf32>
    %reduce_and3A_664 = arith.constant true
    %reduce_and3A_665 = vector.broadcast %reduce_and3A_664 : i1 to vector<16xi1>
    %reduce_and3A_666 = tpu.scan <min>, %reduce_and3A_663 masked %reduce_and3A_665 : vector<16xf32>, vector<16xi1> -> vector<16xf32>
    %reduce_and3A_667 = vector.extract %reduce_and3A_666[15] : f32 from vector<16xf32>
    %reduce_and3A_668 = arith.constant 0.000000e+00 : f32
    %reduce_and3A_669 = arith.cmpf ogt, %reduce_and3A_667, %reduce_and3A_668 : f32
    %and3A_670 = arith.andi %reduce_and3A_669, %or3A_654 : i1
    %le3A_671 = arith.cmpi sle, %reduce_max3A_16, %add3A_570 : i32
    %select_n3A_672 = arith.select %le3A_658, %and3A_670, %le3A_671 : i1
    %eq3A_673 = arith.constant 5 : i32
    %eq3A_674 = vector.broadcast %eq3A_673 : i32 to vector<16xi32>
    %eq3A_675 = arith.cmpi eq, %iota3A, %eq3A_674 : vector<16xi32>
    %jit3A_676 = arith.constant 1 : i32
    %jit3A_677 = arith.constant 0 : i32
    %select_n3A_678 = arith.select %select_n3A_672, %jit3A_676, %jit3A_677 : i32
    %broadcast_in_dim3A_679 = vector.broadcast %select_n3A_678 : i32 to vector<16xi32>
    %select_n3A_680 = arith.select %eq3A_675, %broadcast_in_dim3A_679, %select_n3A_568 : vector<16xi1>, vector<16xi32>
    %add3A_681 = arith.constant 768 : i32
    %add3A_682 = arith.addi %mul3A_2, %add3A_681 : i32
    %broadcast_in_dim3A_683 = arith.constant true
    %broadcast_in_dim3A_684 = vector.broadcast %broadcast_in_dim3A_683 : i1 to vector<16xi1>
    %get3A_685 = arith.constant 768 : index
    %get3A_686 = tpu.vector_load %arg6[%get3A_685] {strides = array<i32>} : memref<2048xi32, #tpu.memory_space<vmem>>, vector<16xi32>,
    %add3A_687 = arith.constant 0 : i32
    %add3A_688 = arith.addi %add3A_682, %add3A_687 : i32
    %add3A_689 = vector.broadcast %add3A_688 : i32 to vector<16xi32>
    %add3A_690 = arith.addi %add3A_689, %iota3A : vector<16xi32>
    %eq3A_691 = arith.cmpi eq, %get3A_686, %add3A_690 : vector<16xi32>
    %and3A_692 = arith.andi %broadcast_in_dim3A_684, %eq3A_691 : vector<16xi1>
    %get3A_693 = arith.constant 784 : index
    %get3A_694 = tpu.vector_load %arg6[%get3A_693] {strides = array<i32>} : memref<2048xi32, #tpu.memory_space<vmem>>, vector<16xi32>,
    %add3A_695 = arith.constant 16 : i32
    %add3A_696 = arith.addi %add3A_682, %add3A_695 : i32
    %add3A_697 = vector.broadcast %add3A_696 : i32 to vector<16xi32>
    %add3A_698 = arith.addi %add3A_697, %iota3A : vector<16xi32>
    %eq3A_699 = arith.cmpi eq, %get3A_694, %add3A_698 : vector<16xi32>
    %and3A_700 = arith.andi %and3A_692, %eq3A_699 : vector<16xi1>
    %get3A_701 = arith.constant 800 : index
    %get3A_702 = tpu.vector_load %arg6[%get3A_701] {strides = array<i32>} : memref<2048xi32, #tpu.memory_space<vmem>>, vector<16xi32>,
    %add3A_703 = arith.constant 32 : i32
    %add3A_704 = arith.addi %add3A_682, %add3A_703 : i32
    %add3A_705 = vector.broadcast %add3A_704 : i32 to vector<16xi32>
    %add3A_706 = arith.addi %add3A_705, %iota3A : vector<16xi32>
    %eq3A_707 = arith.cmpi eq, %get3A_702, %add3A_706 : vector<16xi32>
    %and3A_708 = arith.andi %and3A_700, %eq3A_707 : vector<16xi1>
    %get3A_709 = arith.constant 816 : index
    %get3A_710 = tpu.vector_load %arg6[%get3A_709] {strides = array<i32>} : memref<2048xi32, #tpu.memory_space<vmem>>, vector<16xi32>,
    %add3A_711 = arith.constant 48 : i32
    %add3A_712 = arith.addi %add3A_682, %add3A_711 : i32
    %add3A_713 = vector.broadcast %add3A_712 : i32 to vector<16xi32>
    %add3A_714 = arith.addi %add3A_713, %iota3A : vector<16xi32>
    %eq3A_715 = arith.cmpi eq, %get3A_710, %add3A_714 : vector<16xi32>
    %and3A_716 = arith.andi %and3A_708, %eq3A_715 : vector<16xi1>
    %get3A_717 = arith.constant 832 : index
    %get3A_718 = tpu.vector_load %arg6[%get3A_717] {strides = array<i32>} : memref<2048xi32, #tpu.memory_space<vmem>>, vector<16xi32>,
    %add3A_719 = arith.constant 64 : i32
    %add3A_720 = arith.addi %add3A_682, %add3A_719 : i32
    %add3A_721 = vector.broadcast %add3A_720 : i32 to vector<16xi32>
    %add3A_722 = arith.addi %add3A_721, %iota3A : vector<16xi32>
    %eq3A_723 = arith.cmpi eq, %get3A_718, %add3A_722 : vector<16xi32>
    %and3A_724 = arith.andi %and3A_716, %eq3A_723 : vector<16xi1>
    %get3A_725 = arith.constant 848 : index
    %get3A_726 = tpu.vector_load %arg6[%get3A_725] {strides = array<i32>} : memref<2048xi32, #tpu.memory_space<vmem>>, vector<16xi32>,
    %add3A_727 = arith.constant 80 : i32
    %add3A_728 = arith.addi %add3A_682, %add3A_727 : i32
    %add3A_729 = vector.broadcast %add3A_728 : i32 to vector<16xi32>
    %add3A_730 = arith.addi %add3A_729, %iota3A : vector<16xi32>
    %eq3A_731 = arith.cmpi eq, %get3A_726, %add3A_730 : vector<16xi32>
    %and3A_732 = arith.andi %and3A_724, %eq3A_731 : vector<16xi1>
    %get3A_733 = arith.constant 864 : index
    %get3A_734 = tpu.vector_load %arg6[%get3A_733] {strides = array<i32>} : memref<2048xi32, #tpu.memory_space<vmem>>, vector<16xi32>,
    %add3A_735 = arith.constant 96 : i32
    %add3A_736 = arith.addi %add3A_682, %add3A_735 : i32
    %add3A_737 = vector.broadcast %add3A_736 : i32 to vector<16xi32>
    %add3A_738 = arith.addi %add3A_737, %iota3A : vector<16xi32>
    %eq3A_739 = arith.cmpi eq, %get3A_734, %add3A_738 : vector<16xi32>
    %and3A_740 = arith.andi %and3A_732, %eq3A_739 : vector<16xi1>
    %get3A_741 = arith.constant 880 : index
    %get3A_742 = tpu.vector_load %arg6[%get3A_741] {strides = array<i32>} : memref<2048xi32, #tpu.memory_space<vmem>>, vector<16xi32>,
    %add3A_743 = arith.constant 112 : i32
    %add3A_744 = arith.addi %add3A_682, %add3A_743 : i32
    %add3A_745 = vector.broadcast %add3A_744 : i32 to vector<16xi32>
    %add3A_746 = arith.addi %add3A_745, %iota3A : vector<16xi32>
    %eq3A_747 = arith.cmpi eq, %get3A_742, %add3A_746 : vector<16xi32>
    %and3A_748 = arith.andi %and3A_740, %eq3A_747 : vector<16xi1>
    %get3A_749 = arith.constant 896 : index
    %get3A_750 = tpu.vector_load %arg6[%get3A_749] {strides = array<i32>} : memref<2048xi32, #tpu.memory_space<vmem>>, vector<16xi32>,
    %reduce_min3A_751 = arith.constant true
    %reduce_min3A_752 = vector.broadcast %reduce_min3A_751 : i1 to vector<16xi1>
    %reduce_min3A_753 = arith.constant -2147483648 : i32
    %reduce_min3A_754 = vector.broadcast %reduce_min3A_753 : i32 to vector<16xi32>
    %reduce_min3A_755 = arith.xori %get3A_750, %reduce_min3A_754 : vector<16xi32>
    %reduce_min3A_756 = tpu.scan <min>, %reduce_min3A_755 masked %reduce_min3A_752 : vector<16xi32>, vector<16xi1> -> vector<16xi32>
    %reduce_min3A_757 = arith.xori %reduce_min3A_756, %reduce_min3A_754 : vector<16xi32>
    %reduce_min3A_758 = vector.extract %reduce_min3A_757[15] : i32 from vector<16xi32>
    %add3A_759 = arith.constant 128 : i32
    %add3A_760 = arith.addi %add3A_682, %add3A_759 : i32
    %ge3A_761 = arith.constant 32768 : i32
    %ge3A_762 = arith.cmpi sge, %add3A_760, %ge3A_761 : i32
    %add3A_763 = arith.constant 128 : i32
    %add3A_764 = arith.addi %add3A_682, %add3A_763 : i32
    %ge3A_765 = arith.cmpi sge, %reduce_min3A_758, %add3A_764 : i32
    %or3A_766 = arith.ori %ge3A_762, %ge3A_765 : i1
    %add3A_767 = arith.constant 128 : i32
    %add3A_768 = arith.addi %add3A_682, %add3A_767 : i32
    %le3A_769 = arith.constant 32768 : i32
    %le3A_770 = arith.cmpi sle, %add3A_768, %le3A_769 : i32
    %reduce_and3A_771 = arith.constant 1.000000e+00 : f32
    %reduce_and3A_772 = arith.constant 0.000000e+00 : f32
    %reduce_and3A_773 = vector.broadcast %reduce_and3A_771 : f32 to vector<16xf32>
    %reduce_and3A_774 = vector.broadcast %reduce_and3A_772 : f32 to vector<16xf32>
    %reduce_and3A_775 = arith.select %and3A_748, %reduce_and3A_773, %reduce_and3A_774 : vector<16xi1>, vector<16xf32>
    %reduce_and3A_776 = arith.constant true
    %reduce_and3A_777 = vector.broadcast %reduce_and3A_776 : i1 to vector<16xi1>
    %reduce_and3A_778 = tpu.scan <min>, %reduce_and3A_775 masked %reduce_and3A_777 : vector<16xf32>, vector<16xi1> -> vector<16xf32>
    %reduce_and3A_779 = vector.extract %reduce_and3A_778[15] : f32 from vector<16xf32>
    %reduce_and3A_780 = arith.constant 0.000000e+00 : f32
    %reduce_and3A_781 = arith.cmpf ogt, %reduce_and3A_779, %reduce_and3A_780 : f32
    %and3A_782 = arith.andi %reduce_and3A_781, %or3A_766 : i1
    %le3A_783 = arith.cmpi sle, %reduce_max3A_16, %add3A_682 : i32
    %select_n3A_784 = arith.select %le3A_770, %and3A_782, %le3A_783 : i1
    %eq3A_785 = arith.constant 6 : i32
    %eq3A_786 = vector.broadcast %eq3A_785 : i32 to vector<16xi32>
    %eq3A_787 = arith.cmpi eq, %iota3A, %eq3A_786 : vector<16xi32>
    %jit3A_788 = arith.constant 1 : i32
    %jit3A_789 = arith.constant 0 : i32
    %select_n3A_790 = arith.select %select_n3A_784, %jit3A_788, %jit3A_789 : i32
    %broadcast_in_dim3A_791 = vector.broadcast %select_n3A_790 : i32 to vector<16xi32>
    %select_n3A_792 = arith.select %eq3A_787, %broadcast_in_dim3A_791, %select_n3A_680 : vector<16xi1>, vector<16xi32>
    %add3A_793 = arith.constant 896 : i32
    %add3A_794 = arith.addi %mul3A_2, %add3A_793 : i32
    %broadcast_in_dim3A_795 = arith.constant true
    %broadcast_in_dim3A_796 = vector.broadcast %broadcast_in_dim3A_795 : i1 to vector<16xi1>
    %get3A_797 = arith.constant 896 : index
    %get3A_798 = tpu.vector_load %arg6[%get3A_797] {strides = array<i32>} : memref<2048xi32, #tpu.memory_space<vmem>>, vector<16xi32>,
    %add3A_799 = arith.constant 0 : i32
    %add3A_800 = arith.addi %add3A_794, %add3A_799 : i32
    %add3A_801 = vector.broadcast %add3A_800 : i32 to vector<16xi32>
    %add3A_802 = arith.addi %add3A_801, %iota3A : vector<16xi32>
    %eq3A_803 = arith.cmpi eq, %get3A_798, %add3A_802 : vector<16xi32>
    %and3A_804 = arith.andi %broadcast_in_dim3A_796, %eq3A_803 : vector<16xi1>
    %get3A_805 = arith.constant 912 : index
    %get3A_806 = tpu.vector_load %arg6[%get3A_805] {strides = array<i32>} : memref<2048xi32, #tpu.memory_space<vmem>>, vector<16xi32>,
    %add3A_807 = arith.constant 16 : i32
    %add3A_808 = arith.addi %add3A_794, %add3A_807 : i32
    %add3A_809 = vector.broadcast %add3A_808 : i32 to vector<16xi32>
    %add3A_810 = arith.addi %add3A_809, %iota3A : vector<16xi32>
    %eq3A_811 = arith.cmpi eq, %get3A_806, %add3A_810 : vector<16xi32>
    %and3A_812 = arith.andi %and3A_804, %eq3A_811 : vector<16xi1>
    %get3A_813 = arith.constant 928 : index
    %get3A_814 = tpu.vector_load %arg6[%get3A_813] {strides = array<i32>} : memref<2048xi32, #tpu.memory_space<vmem>>, vector<16xi32>,
    %add3A_815 = arith.constant 32 : i32
    %add3A_816 = arith.addi %add3A_794, %add3A_815 : i32
    %add3A_817 = vector.broadcast %add3A_816 : i32 to vector<16xi32>
    %add3A_818 = arith.addi %add3A_817, %iota3A : vector<16xi32>
    %eq3A_819 = arith.cmpi eq, %get3A_814, %add3A_818 : vector<16xi32>
    %and3A_820 = arith.andi %and3A_812, %eq3A_819 : vector<16xi1>
    %get3A_821 = arith.constant 944 : index
    %get3A_822 = tpu.vector_load %arg6[%get3A_821] {strides = array<i32>} : memref<2048xi32, #tpu.memory_space<vmem>>, vector<16xi32>,
    %add3A_823 = arith.constant 48 : i32
    %add3A_824 = arith.addi %add3A_794, %add3A_823 : i32
    %add3A_825 = vector.broadcast %add3A_824 : i32 to vector<16xi32>
    %add3A_826 = arith.addi %add3A_825, %iota3A : vector<16xi32>
    %eq3A_827 = arith.cmpi eq, %get3A_822, %add3A_826 : vector<16xi32>
    %and3A_828 = arith.andi %and3A_820, %eq3A_827 : vector<16xi1>
    %get3A_829 = arith.constant 960 : index
    %get3A_830 = tpu.vector_load %arg6[%get3A_829] {strides = array<i32>} : memref<2048xi32, #tpu.memory_space<vmem>>, vector<16xi32>,
    %add3A_831 = arith.constant 64 : i32
    %add3A_832 = arith.addi %add3A_794, %add3A_831 : i32
    %add3A_833 = vector.broadcast %add3A_832 : i32 to vector<16xi32>
    %add3A_834 = arith.addi %add3A_833, %iota3A : vector<16xi32>
    %eq3A_835 = arith.cmpi eq, %get3A_830, %add3A_834 : vector<16xi32>
    %and3A_836 = arith.andi %and3A_828, %eq3A_835 : vector<16xi1>
    %get3A_837 = arith.constant 976 : index
    %get3A_838 = tpu.vector_load %arg6[%get3A_837] {strides = array<i32>} : memref<2048xi32, #tpu.memory_space<vmem>>, vector<16xi32>,
    %add3A_839 = arith.constant 80 : i32
    %add3A_840 = arith.addi %add3A_794, %add3A_839 : i32
    %add3A_841 = vector.broadcast %add3A_840 : i32 to vector<16xi32>
    %add3A_842 = arith.addi %add3A_841, %iota3A : vector<16xi32>
    %eq3A_843 = arith.cmpi eq, %get3A_838, %add3A_842 : vector<16xi32>
    %and3A_844 = arith.andi %and3A_836, %eq3A_843 : vector<16xi1>
    %get3A_845 = arith.constant 992 : index
    %get3A_846 = tpu.vector_load %arg6[%get3A_845] {strides = array<i32>} : memref<2048xi32, #tpu.memory_space<vmem>>, vector<16xi32>,
    %add3A_847 = arith.constant 96 : i32
    %add3A_848 = arith.addi %add3A_794, %add3A_847 : i32
    %add3A_849 = vector.broadcast %add3A_848 : i32 to vector<16xi32>
    %add3A_850 = arith.addi %add3A_849, %iota3A : vector<16xi32>
    %eq3A_851 = arith.cmpi eq, %get3A_846, %add3A_850 : vector<16xi32>
    %and3A_852 = arith.andi %and3A_844, %eq3A_851 : vector<16xi1>
    %get3A_853 = arith.constant 1008 : index
    %get3A_854 = tpu.vector_load %arg6[%get3A_853] {strides = array<i32>} : memref<2048xi32, #tpu.memory_space<vmem>>, vector<16xi32>,
    %add3A_855 = arith.constant 112 : i32
    %add3A_856 = arith.addi %add3A_794, %add3A_855 : i32
    %add3A_857 = vector.broadcast %add3A_856 : i32 to vector<16xi32>
    %add3A_858 = arith.addi %add3A_857, %iota3A : vector<16xi32>
    %eq3A_859 = arith.cmpi eq, %get3A_854, %add3A_858 : vector<16xi32>
    %and3A_860 = arith.andi %and3A_852, %eq3A_859 : vector<16xi1>
    %get3A_861 = arith.constant 1024 : index
    %get3A_862 = tpu.vector_load %arg6[%get3A_861] {strides = array<i32>} : memref<2048xi32, #tpu.memory_space<vmem>>, vector<16xi32>,
    %reduce_min3A_863 = arith.constant true
    %reduce_min3A_864 = vector.broadcast %reduce_min3A_863 : i1 to vector<16xi1>
    %reduce_min3A_865 = arith.constant -2147483648 : i32
    %reduce_min3A_866 = vector.broadcast %reduce_min3A_865 : i32 to vector<16xi32>
    %reduce_min3A_867 = arith.xori %get3A_862, %reduce_min3A_866 : vector<16xi32>
    %reduce_min3A_868 = tpu.scan <min>, %reduce_min3A_867 masked %reduce_min3A_864 : vector<16xi32>, vector<16xi1> -> vector<16xi32>
    %reduce_min3A_869 = arith.xori %reduce_min3A_868, %reduce_min3A_866 : vector<16xi32>
    %reduce_min3A_870 = vector.extract %reduce_min3A_869[15] : i32 from vector<16xi32>
    %add3A_871 = arith.constant 128 : i32
    %add3A_872 = arith.addi %add3A_794, %add3A_871 : i32
    %ge3A_873 = arith.constant 32768 : i32
    %ge3A_874 = arith.cmpi sge, %add3A_872, %ge3A_873 : i32
    %add3A_875 = arith.constant 128 : i32
    %add3A_876 = arith.addi %add3A_794, %add3A_875 : i32
    %ge3A_877 = arith.cmpi sge, %reduce_min3A_870, %add3A_876 : i32
    %or3A_878 = arith.ori %ge3A_874, %ge3A_877 : i1
    %add3A_879 = arith.constant 128 : i32
    %add3A_880 = arith.addi %add3A_794, %add3A_879 : i32
    %le3A_881 = arith.constant 32768 : i32
    %le3A_882 = arith.cmpi sle, %add3A_880, %le3A_881 : i32
    %reduce_and3A_883 = arith.constant 1.000000e+00 : f32
    %reduce_and3A_884 = arith.constant 0.000000e+00 : f32
    %reduce_and3A_885 = vector.broadcast %reduce_and3A_883 : f32 to vector<16xf32>
    %reduce_and3A_886 = vector.broadcast %reduce_and3A_884 : f32 to vector<16xf32>
    %reduce_and3A_887 = arith.select %and3A_860, %reduce_and3A_885, %reduce_and3A_886 : vector<16xi1>, vector<16xf32>
    %reduce_and3A_888 = arith.constant true
    %reduce_and3A_889 = vector.broadcast %reduce_and3A_888 : i1 to vector<16xi1>
    %reduce_and3A_890 = tpu.scan <min>, %reduce_and3A_887 masked %reduce_and3A_889 : vector<16xf32>, vector<16xi1> -> vector<16xf32>
    %reduce_and3A_891 = vector.extract %reduce_and3A_890[15] : f32 from vector<16xf32>
    %reduce_and3A_892 = arith.constant 0.000000e+00 : f32
    %reduce_and3A_893 = arith.cmpf ogt, %reduce_and3A_891, %reduce_and3A_892 : f32
    %and3A_894 = arith.andi %reduce_and3A_893, %or3A_878 : i1
    %le3A_895 = arith.cmpi sle, %reduce_max3A_16, %add3A_794 : i32
    %select_n3A_896 = arith.select %le3A_882, %and3A_894, %le3A_895 : i1
    %eq3A_897 = arith.constant 7 : i32
    %eq3A_898 = vector.broadcast %eq3A_897 : i32 to vector<16xi32>
    %eq3A_899 = arith.cmpi eq, %iota3A, %eq3A_898 : vector<16xi32>
    %jit3A_900 = arith.constant 1 : i32
    %jit3A_901 = arith.constant 0 : i32
    %select_n3A_902 = arith.select %select_n3A_896, %jit3A_900, %jit3A_901 : i32
    %broadcast_in_dim3A_903 = vector.broadcast %select_n3A_902 : i32 to vector<16xi32>
    %select_n3A_904 = arith.select %eq3A_899, %broadcast_in_dim3A_903, %select_n3A_792 : vector<16xi1>, vector<16xi32>
    %add3A_905 = arith.constant 1024 : i32
    %add3A_906 = arith.addi %mul3A_2, %add3A_905 : i32
    %broadcast_in_dim3A_907 = arith.constant true
    %broadcast_in_dim3A_908 = vector.broadcast %broadcast_in_dim3A_907 : i1 to vector<16xi1>
    %get3A_909 = arith.constant 1024 : index
    %get3A_910 = tpu.vector_load %arg6[%get3A_909] {strides = array<i32>} : memref<2048xi32, #tpu.memory_space<vmem>>, vector<16xi32>,
    %add3A_911 = arith.constant 0 : i32
    %add3A_912 = arith.addi %add3A_906, %add3A_911 : i32
    %add3A_913 = vector.broadcast %add3A_912 : i32 to vector<16xi32>
    %add3A_914 = arith.addi %add3A_913, %iota3A : vector<16xi32>
    %eq3A_915 = arith.cmpi eq, %get3A_910, %add3A_914 : vector<16xi32>
    %and3A_916 = arith.andi %broadcast_in_dim3A_908, %eq3A_915 : vector<16xi1>
    %get3A_917 = arith.constant 1040 : index
    %get3A_918 = tpu.vector_load %arg6[%get3A_917] {strides = array<i32>} : memref<2048xi32, #tpu.memory_space<vmem>>, vector<16xi32>,
    %add3A_919 = arith.constant 16 : i32
    %add3A_920 = arith.addi %add3A_906, %add3A_919 : i32
    %add3A_921 = vector.broadcast %add3A_920 : i32 to vector<16xi32>
    %add3A_922 = arith.addi %add3A_921, %iota3A : vector<16xi32>
    %eq3A_923 = arith.cmpi eq, %get3A_918, %add3A_922 : vector<16xi32>
    %and3A_924 = arith.andi %and3A_916, %eq3A_923 : vector<16xi1>
    %get3A_925 = arith.constant 1056 : index
    %get3A_926 = tpu.vector_load %arg6[%get3A_925] {strides = array<i32>} : memref<2048xi32, #tpu.memory_space<vmem>>, vector<16xi32>,
    %add3A_927 = arith.constant 32 : i32
    %add3A_928 = arith.addi %add3A_906, %add3A_927 : i32
    %add3A_929 = vector.broadcast %add3A_928 : i32 to vector<16xi32>
    %add3A_930 = arith.addi %add3A_929, %iota3A : vector<16xi32>
    %eq3A_931 = arith.cmpi eq, %get3A_926, %add3A_930 : vector<16xi32>
    %and3A_932 = arith.andi %and3A_924, %eq3A_931 : vector<16xi1>
    %get3A_933 = arith.constant 1072 : index
    %get3A_934 = tpu.vector_load %arg6[%get3A_933] {strides = array<i32>} : memref<2048xi32, #tpu.memory_space<vmem>>, vector<16xi32>,
    %add3A_935 = arith.constant 48 : i32
    %add3A_936 = arith.addi %add3A_906, %add3A_935 : i32
    %add3A_937 = vector.broadcast %add3A_936 : i32 to vector<16xi32>
    %add3A_938 = arith.addi %add3A_937, %iota3A : vector<16xi32>
    %eq3A_939 = arith.cmpi eq, %get3A_934, %add3A_938 : vector<16xi32>
    %and3A_940 = arith.andi %and3A_932, %eq3A_939 : vector<16xi1>
    %get3A_941 = arith.constant 1088 : index
    %get3A_942 = tpu.vector_load %arg6[%get3A_941] {strides = array<i32>} : memref<2048xi32, #tpu.memory_space<vmem>>, vector<16xi32>,
    %add3A_943 = arith.constant 64 : i32
    %add3A_944 = arith.addi %add3A_906, %add3A_943 : i32
    %add3A_945 = vector.broadcast %add3A_944 : i32 to vector<16xi32>
    %add3A_946 = arith.addi %add3A_945, %iota3A : vector<16xi32>
    %eq3A_947 = arith.cmpi eq, %get3A_942, %add3A_946 : vector<16xi32>
    %and3A_948 = arith.andi %and3A_940, %eq3A_947 : vector<16xi1>
    %get3A_949 = arith.constant 1104 : index
    %get3A_950 = tpu.vector_load %arg6[%get3A_949] {strides = array<i32>} : memref<2048xi32, #tpu.memory_space<vmem>>, vector<16xi32>,
    %add3A_951 = arith.constant 80 : i32
    %add3A_952 = arith.addi %add3A_906, %add3A_951 : i32
    %add3A_953 = vector.broadcast %add3A_952 : i32 to vector<16xi32>
    %add3A_954 = arith.addi %add3A_953, %iota3A : vector<16xi32>
    %eq3A_955 = arith.cmpi eq, %get3A_950, %add3A_954 : vector<16xi32>
    %and3A_956 = arith.andi %and3A_948, %eq3A_955 : vector<16xi1>
    %get3A_957 = arith.constant 1120 : index
    %get3A_958 = tpu.vector_load %arg6[%get3A_957] {strides = array<i32>} : memref<2048xi32, #tpu.memory_space<vmem>>, vector<16xi32>,
    %add3A_959 = arith.constant 96 : i32
    %add3A_960 = arith.addi %add3A_906, %add3A_959 : i32
    %add3A_961 = vector.broadcast %add3A_960 : i32 to vector<16xi32>
    %add3A_962 = arith.addi %add3A_961, %iota3A : vector<16xi32>
    %eq3A_963 = arith.cmpi eq, %get3A_958, %add3A_962 : vector<16xi32>
    %and3A_964 = arith.andi %and3A_956, %eq3A_963 : vector<16xi1>
    %get3A_965 = arith.constant 1136 : index
    %get3A_966 = tpu.vector_load %arg6[%get3A_965] {strides = array<i32>} : memref<2048xi32, #tpu.memory_space<vmem>>, vector<16xi32>,
    %add3A_967 = arith.constant 112 : i32
    %add3A_968 = arith.addi %add3A_906, %add3A_967 : i32
    %add3A_969 = vector.broadcast %add3A_968 : i32 to vector<16xi32>
    %add3A_970 = arith.addi %add3A_969, %iota3A : vector<16xi32>
    %eq3A_971 = arith.cmpi eq, %get3A_966, %add3A_970 : vector<16xi32>
    %and3A_972 = arith.andi %and3A_964, %eq3A_971 : vector<16xi1>
    %get3A_973 = arith.constant 1152 : index
    %get3A_974 = tpu.vector_load %arg6[%get3A_973] {strides = array<i32>} : memref<2048xi32, #tpu.memory_space<vmem>>, vector<16xi32>,
    %reduce_min3A_975 = arith.constant true
    %reduce_min3A_976 = vector.broadcast %reduce_min3A_975 : i1 to vector<16xi1>
    %reduce_min3A_977 = arith.constant -2147483648 : i32
    %reduce_min3A_978 = vector.broadcast %reduce_min3A_977 : i32 to vector<16xi32>
    %reduce_min3A_979 = arith.xori %get3A_974, %reduce_min3A_978 : vector<16xi32>
    %reduce_min3A_980 = tpu.scan <min>, %reduce_min3A_979 masked %reduce_min3A_976 : vector<16xi32>, vector<16xi1> -> vector<16xi32>
    %reduce_min3A_981 = arith.xori %reduce_min3A_980, %reduce_min3A_978 : vector<16xi32>
    %reduce_min3A_982 = vector.extract %reduce_min3A_981[15] : i32 from vector<16xi32>
    %add3A_983 = arith.constant 128 : i32
    %add3A_984 = arith.addi %add3A_906, %add3A_983 : i32
    %ge3A_985 = arith.constant 32768 : i32
    %ge3A_986 = arith.cmpi sge, %add3A_984, %ge3A_985 : i32
    %add3A_987 = arith.constant 128 : i32
    %add3A_988 = arith.addi %add3A_906, %add3A_987 : i32
    %ge3A_989 = arith.cmpi sge, %reduce_min3A_982, %add3A_988 : i32
    %or3A_990 = arith.ori %ge3A_986, %ge3A_989 : i1
    %add3A_991 = arith.constant 128 : i32
    %add3A_992 = arith.addi %add3A_906, %add3A_991 : i32
    %le3A_993 = arith.constant 32768 : i32
    %le3A_994 = arith.cmpi sle, %add3A_992, %le3A_993 : i32
    %reduce_and3A_995 = arith.constant 1.000000e+00 : f32
    %reduce_and3A_996 = arith.constant 0.000000e+00 : f32
    %reduce_and3A_997 = vector.broadcast %reduce_and3A_995 : f32 to vector<16xf32>
    %reduce_and3A_998 = vector.broadcast %reduce_and3A_996 : f32 to vector<16xf32>
    %reduce_and3A_999 = arith.select %and3A_972, %reduce_and3A_997, %reduce_and3A_998 : vector<16xi1>, vector<16xf32>
    %reduce_and3A_1000 = arith.constant true
    %reduce_and3A_1001 = vector.broadcast %reduce_and3A_1000 : i1 to vector<16xi1>
    %reduce_and3A_1002 = tpu.scan <min>, %reduce_and3A_999 masked %reduce_and3A_1001 : vector<16xf32>, vector<16xi1> -> vector<16xf32>
    %reduce_and3A_1003 = vector.extract %reduce_and3A_1002[15] : f32 from vector<16xf32>
    %reduce_and3A_1004 = arith.constant 0.000000e+00 : f32
    %reduce_and3A_1005 = arith.cmpf ogt, %reduce_and3A_1003, %reduce_and3A_1004 : f32
    %and3A_1006 = arith.andi %reduce_and3A_1005, %or3A_990 : i1
    %le3A_1007 = arith.cmpi sle, %reduce_max3A_16, %add3A_906 : i32
    %select_n3A_1008 = arith.select %le3A_994, %and3A_1006, %le3A_1007 : i1
    %eq3A_1009 = arith.constant 8 : i32
    %eq3A_1010 = vector.broadcast %eq3A_1009 : i32 to vector<16xi32>
    %eq3A_1011 = arith.cmpi eq, %iota3A, %eq3A_1010 : vector<16xi32>
    %jit3A_1012 = arith.constant 1 : i32
    %jit3A_1013 = arith.constant 0 : i32
    %select_n3A_1014 = arith.select %select_n3A_1008, %jit3A_1012, %jit3A_1013 : i32
    %broadcast_in_dim3A_1015 = vector.broadcast %select_n3A_1014 : i32 to vector<16xi32>
    %select_n3A_1016 = arith.select %eq3A_1011, %broadcast_in_dim3A_1015, %select_n3A_904 : vector<16xi1>, vector<16xi32>
    %add3A_1017 = arith.constant 1152 : i32
    %add3A_1018 = arith.addi %mul3A_2, %add3A_1017 : i32
    %broadcast_in_dim3A_1019 = arith.constant true
    %broadcast_in_dim3A_1020 = vector.broadcast %broadcast_in_dim3A_1019 : i1 to vector<16xi1>
    %get3A_1021 = arith.constant 1152 : index
    %get3A_1022 = tpu.vector_load %arg6[%get3A_1021] {strides = array<i32>} : memref<2048xi32, #tpu.memory_space<vmem>>, vector<16xi32>,
    %add3A_1023 = arith.constant 0 : i32
    %add3A_1024 = arith.addi %add3A_1018, %add3A_1023 : i32
    %add3A_1025 = vector.broadcast %add3A_1024 : i32 to vector<16xi32>
    %add3A_1026 = arith.addi %add3A_1025, %iota3A : vector<16xi32>
    %eq3A_1027 = arith.cmpi eq, %get3A_1022, %add3A_1026 : vector<16xi32>
    %and3A_1028 = arith.andi %broadcast_in_dim3A_1020, %eq3A_1027 : vector<16xi1>
    %get3A_1029 = arith.constant 1168 : index
    %get3A_1030 = tpu.vector_load %arg6[%get3A_1029] {strides = array<i32>} : memref<2048xi32, #tpu.memory_space<vmem>>, vector<16xi32>,
    %add3A_1031 = arith.constant 16 : i32
    %add3A_1032 = arith.addi %add3A_1018, %add3A_1031 : i32
    %add3A_1033 = vector.broadcast %add3A_1032 : i32 to vector<16xi32>
    %add3A_1034 = arith.addi %add3A_1033, %iota3A : vector<16xi32>
    %eq3A_1035 = arith.cmpi eq, %get3A_1030, %add3A_1034 : vector<16xi32>
    %and3A_1036 = arith.andi %and3A_1028, %eq3A_1035 : vector<16xi1>
    %get3A_1037 = arith.constant 1184 : index
    %get3A_1038 = tpu.vector_load %arg6[%get3A_1037] {strides = array<i32>} : memref<2048xi32, #tpu.memory_space<vmem>>, vector<16xi32>,
    %add3A_1039 = arith.constant 32 : i32
    %add3A_1040 = arith.addi %add3A_1018, %add3A_1039 : i32
    %add3A_1041 = vector.broadcast %add3A_1040 : i32 to vector<16xi32>
    %add3A_1042 = arith.addi %add3A_1041, %iota3A : vector<16xi32>
    %eq3A_1043 = arith.cmpi eq, %get3A_1038, %add3A_1042 : vector<16xi32>
    %and3A_1044 = arith.andi %and3A_1036, %eq3A_1043 : vector<16xi1>
    %get3A_1045 = arith.constant 1200 : index
    %get3A_1046 = tpu.vector_load %arg6[%get3A_1045] {strides = array<i32>} : memref<2048xi32, #tpu.memory_space<vmem>>, vector<16xi32>,
    %add3A_1047 = arith.constant 48 : i32
    %add3A_1048 = arith.addi %add3A_1018, %add3A_1047 : i32
    %add3A_1049 = vector.broadcast %add3A_1048 : i32 to vector<16xi32>
    %add3A_1050 = arith.addi %add3A_1049, %iota3A : vector<16xi32>
    %eq3A_1051 = arith.cmpi eq, %get3A_1046, %add3A_1050 : vector<16xi32>
    %and3A_1052 = arith.andi %and3A_1044, %eq3A_1051 : vector<16xi1>
    %get3A_1053 = arith.constant 1216 : index
    %get3A_1054 = tpu.vector_load %arg6[%get3A_1053] {strides = array<i32>} : memref<2048xi32, #tpu.memory_space<vmem>>, vector<16xi32>,
    %add3A_1055 = arith.constant 64 : i32
    %add3A_1056 = arith.addi %add3A_1018, %add3A_1055 : i32
    %add3A_1057 = vector.broadcast %add3A_1056 : i32 to vector<16xi32>
    %add3A_1058 = arith.addi %add3A_1057, %iota3A : vector<16xi32>
    %eq3A_1059 = arith.cmpi eq, %get3A_1054, %add3A_1058 : vector<16xi32>
    %and3A_1060 = arith.andi %and3A_1052, %eq3A_1059 : vector<16xi1>
    %get3A_1061 = arith.constant 1232 : index
    %get3A_1062 = tpu.vector_load %arg6[%get3A_1061] {strides = array<i32>} : memref<2048xi32, #tpu.memory_space<vmem>>, vector<16xi32>,
    %add3A_1063 = arith.constant 80 : i32
    %add3A_1064 = arith.addi %add3A_1018, %add3A_1063 : i32
    %add3A_1065 = vector.broadcast %add3A_1064 : i32 to vector<16xi32>
    %add3A_1066 = arith.addi %add3A_1065, %iota3A : vector<16xi32>
    %eq3A_1067 = arith.cmpi eq, %get3A_1062, %add3A_1066 : vector<16xi32>
    %and3A_1068 = arith.andi %and3A_1060, %eq3A_1067 : vector<16xi1>
    %get3A_1069 = arith.constant 1248 : index
    %get3A_1070 = tpu.vector_load %arg6[%get3A_1069] {strides = array<i32>} : memref<2048xi32, #tpu.memory_space<vmem>>, vector<16xi32>,
    %add3A_1071 = arith.constant 96 : i32
    %add3A_1072 = arith.addi %add3A_1018, %add3A_1071 : i32
    %add3A_1073 = vector.broadcast %add3A_1072 : i32 to vector<16xi32>
    %add3A_1074 = arith.addi %add3A_1073, %iota3A : vector<16xi32>
    %eq3A_1075 = arith.cmpi eq, %get3A_1070, %add3A_1074 : vector<16xi32>
    %and3A_1076 = arith.andi %and3A_1068, %eq3A_1075 : vector<16xi1>
    %get3A_1077 = arith.constant 1264 : index
    %get3A_1078 = tpu.vector_load %arg6[%get3A_1077] {strides = array<i32>} : memref<2048xi32, #tpu.memory_space<vmem>>, vector<16xi32>,
    %add3A_1079 = arith.constant 112 : i32
    %add3A_1080 = arith.addi %add3A_1018, %add3A_1079 : i32
    %add3A_1081 = vector.broadcast %add3A_1080 : i32 to vector<16xi32>
    %add3A_1082 = arith.addi %add3A_1081, %iota3A : vector<16xi32>
    %eq3A_1083 = arith.cmpi eq, %get3A_1078, %add3A_1082 : vector<16xi32>
    %and3A_1084 = arith.andi %and3A_1076, %eq3A_1083 : vector<16xi1>
    %get3A_1085 = arith.constant 1280 : index
    %get3A_1086 = tpu.vector_load %arg6[%get3A_1085] {strides = array<i32>} : memref<2048xi32, #tpu.memory_space<vmem>>, vector<16xi32>,
    %reduce_min3A_1087 = arith.constant true
    %reduce_min3A_1088 = vector.broadcast %reduce_min3A_1087 : i1 to vector<16xi1>
    %reduce_min3A_1089 = arith.constant -2147483648 : i32
    %reduce_min3A_1090 = vector.broadcast %reduce_min3A_1089 : i32 to vector<16xi32>
    %reduce_min3A_1091 = arith.xori %get3A_1086, %reduce_min3A_1090 : vector<16xi32>
    %reduce_min3A_1092 = tpu.scan <min>, %reduce_min3A_1091 masked %reduce_min3A_1088 : vector<16xi32>, vector<16xi1> -> vector<16xi32>
    %reduce_min3A_1093 = arith.xori %reduce_min3A_1092, %reduce_min3A_1090 : vector<16xi32>
    %reduce_min3A_1094 = vector.extract %reduce_min3A_1093[15] : i32 from vector<16xi32>
    %add3A_1095 = arith.constant 128 : i32
    %add3A_1096 = arith.addi %add3A_1018, %add3A_1095 : i32
    %ge3A_1097 = arith.constant 32768 : i32
    %ge3A_1098 = arith.cmpi sge, %add3A_1096, %ge3A_1097 : i32
    %add3A_1099 = arith.constant 128 : i32
    %add3A_1100 = arith.addi %add3A_1018, %add3A_1099 : i32
    %ge3A_1101 = arith.cmpi sge, %reduce_min3A_1094, %add3A_1100 : i32
    %or3A_1102 = arith.ori %ge3A_1098, %ge3A_1101 : i1
    %add3A_1103 = arith.constant 128 : i32
    %add3A_1104 = arith.addi %add3A_1018, %add3A_1103 : i32
    %le3A_1105 = arith.constant 32768 : i32
    %le3A_1106 = arith.cmpi sle, %add3A_1104, %le3A_1105 : i32
    %reduce_and3A_1107 = arith.constant 1.000000e+00 : f32
    %reduce_and3A_1108 = arith.constant 0.000000e+00 : f32
    %reduce_and3A_1109 = vector.broadcast %reduce_and3A_1107 : f32 to vector<16xf32>
    %reduce_and3A_1110 = vector.broadcast %reduce_and3A_1108 : f32 to vector<16xf32>
    %reduce_and3A_1111 = arith.select %and3A_1084, %reduce_and3A_1109, %reduce_and3A_1110 : vector<16xi1>, vector<16xf32>
    %reduce_and3A_1112 = arith.constant true
    %reduce_and3A_1113 = vector.broadcast %reduce_and3A_1112 : i1 to vector<16xi1>
    %reduce_and3A_1114 = tpu.scan <min>, %reduce_and3A_1111 masked %reduce_and3A_1113 : vector<16xf32>, vector<16xi1> -> vector<16xf32>
    %reduce_and3A_1115 = vector.extract %reduce_and3A_1114[15] : f32 from vector<16xf32>
    %reduce_and3A_1116 = arith.constant 0.000000e+00 : f32
    %reduce_and3A_1117 = arith.cmpf ogt, %reduce_and3A_1115, %reduce_and3A_1116 : f32
    %and3A_1118 = arith.andi %reduce_and3A_1117, %or3A_1102 : i1
    %le3A_1119 = arith.cmpi sle, %reduce_max3A_16, %add3A_1018 : i32
    %select_n3A_1120 = arith.select %le3A_1106, %and3A_1118, %le3A_1119 : i1
    %eq3A_1121 = arith.constant 9 : i32
    %eq3A_1122 = vector.broadcast %eq3A_1121 : i32 to vector<16xi32>
    %eq3A_1123 = arith.cmpi eq, %iota3A, %eq3A_1122 : vector<16xi32>
    %jit3A_1124 = arith.constant 1 : i32
    %jit3A_1125 = arith.constant 0 : i32
    %select_n3A_1126 = arith.select %select_n3A_1120, %jit3A_1124, %jit3A_1125 : i32
    %broadcast_in_dim3A_1127 = vector.broadcast %select_n3A_1126 : i32 to vector<16xi32>
    %select_n3A_1128 = arith.select %eq3A_1123, %broadcast_in_dim3A_1127, %select_n3A_1016 : vector<16xi1>, vector<16xi32>
    %add3A_1129 = arith.constant 1280 : i32
    %add3A_1130 = arith.addi %mul3A_2, %add3A_1129 : i32
    %broadcast_in_dim3A_1131 = arith.constant true
    %broadcast_in_dim3A_1132 = vector.broadcast %broadcast_in_dim3A_1131 : i1 to vector<16xi1>
    %get3A_1133 = arith.constant 1280 : index
    %get3A_1134 = tpu.vector_load %arg6[%get3A_1133] {strides = array<i32>} : memref<2048xi32, #tpu.memory_space<vmem>>, vector<16xi32>,
    %add3A_1135 = arith.constant 0 : i32
    %add3A_1136 = arith.addi %add3A_1130, %add3A_1135 : i32
    %add3A_1137 = vector.broadcast %add3A_1136 : i32 to vector<16xi32>
    %add3A_1138 = arith.addi %add3A_1137, %iota3A : vector<16xi32>
    %eq3A_1139 = arith.cmpi eq, %get3A_1134, %add3A_1138 : vector<16xi32>
    %and3A_1140 = arith.andi %broadcast_in_dim3A_1132, %eq3A_1139 : vector<16xi1>
    %get3A_1141 = arith.constant 1296 : index
    %get3A_1142 = tpu.vector_load %arg6[%get3A_1141] {strides = array<i32>} : memref<2048xi32, #tpu.memory_space<vmem>>, vector<16xi32>,
    %add3A_1143 = arith.constant 16 : i32
    %add3A_1144 = arith.addi %add3A_1130, %add3A_1143 : i32
    %add3A_1145 = vector.broadcast %add3A_1144 : i32 to vector<16xi32>
    %add3A_1146 = arith.addi %add3A_1145, %iota3A : vector<16xi32>
    %eq3A_1147 = arith.cmpi eq, %get3A_1142, %add3A_1146 : vector<16xi32>
    %and3A_1148 = arith.andi %and3A_1140, %eq3A_1147 : vector<16xi1>
    %get3A_1149 = arith.constant 1312 : index
    %get3A_1150 = tpu.vector_load %arg6[%get3A_1149] {strides = array<i32>} : memref<2048xi32, #tpu.memory_space<vmem>>, vector<16xi32>,
    %add3A_1151 = arith.constant 32 : i32
    %add3A_1152 = arith.addi %add3A_1130, %add3A_1151 : i32
    %add3A_1153 = vector.broadcast %add3A_1152 : i32 to vector<16xi32>
    %add3A_1154 = arith.addi %add3A_1153, %iota3A : vector<16xi32>
    %eq3A_1155 = arith.cmpi eq, %get3A_1150, %add3A_1154 : vector<16xi32>
    %and3A_1156 = arith.andi %and3A_1148, %eq3A_1155 : vector<16xi1>
    %get3A_1157 = arith.constant 1328 : index
    %get3A_1158 = tpu.vector_load %arg6[%get3A_1157] {strides = array<i32>} : memref<2048xi32, #tpu.memory_space<vmem>>, vector<16xi32>,
    %add3A_1159 = arith.constant 48 : i32
    %add3A_1160 = arith.addi %add3A_1130, %add3A_1159 : i32
    %add3A_1161 = vector.broadcast %add3A_1160 : i32 to vector<16xi32>
    %add3A_1162 = arith.addi %add3A_1161, %iota3A : vector<16xi32>
    %eq3A_1163 = arith.cmpi eq, %get3A_1158, %add3A_1162 : vector<16xi32>
    %and3A_1164 = arith.andi %and3A_1156, %eq3A_1163 : vector<16xi1>
    %get3A_1165 = arith.constant 1344 : index
    %get3A_1166 = tpu.vector_load %arg6[%get3A_1165] {strides = array<i32>} : memref<2048xi32, #tpu.memory_space<vmem>>, vector<16xi32>,
    %add3A_1167 = arith.constant 64 : i32
    %add3A_1168 = arith.addi %add3A_1130, %add3A_1167 : i32
    %add3A_1169 = vector.broadcast %add3A_1168 : i32 to vector<16xi32>
    %add3A_1170 = arith.addi %add3A_1169, %iota3A : vector<16xi32>
    %eq3A_1171 = arith.cmpi eq, %get3A_1166, %add3A_1170 : vector<16xi32>
    %and3A_1172 = arith.andi %and3A_1164, %eq3A_1171 : vector<16xi1>
    %get3A_1173 = arith.constant 1360 : index
    %get3A_1174 = tpu.vector_load %arg6[%get3A_1173] {strides = array<i32>} : memref<2048xi32, #tpu.memory_space<vmem>>, vector<16xi32>,
    %add3A_1175 = arith.constant 80 : i32
    %add3A_1176 = arith.addi %add3A_1130, %add3A_1175 : i32
    %add3A_1177 = vector.broadcast %add3A_1176 : i32 to vector<16xi32>
    %add3A_1178 = arith.addi %add3A_1177, %iota3A : vector<16xi32>
    %eq3A_1179 = arith.cmpi eq, %get3A_1174, %add3A_1178 : vector<16xi32>
    %and3A_1180 = arith.andi %and3A_1172, %eq3A_1179 : vector<16xi1>
    %get3A_1181 = arith.constant 1376 : index
    %get3A_1182 = tpu.vector_load %arg6[%get3A_1181] {strides = array<i32>} : memref<2048xi32, #tpu.memory_space<vmem>>, vector<16xi32>,
    %add3A_1183 = arith.constant 96 : i32
    %add3A_1184 = arith.addi %add3A_1130, %add3A_1183 : i32
    %add3A_1185 = vector.broadcast %add3A_1184 : i32 to vector<16xi32>
    %add3A_1186 = arith.addi %add3A_1185, %iota3A : vector<16xi32>
    %eq3A_1187 = arith.cmpi eq, %get3A_1182, %add3A_1186 : vector<16xi32>
    %and3A_1188 = arith.andi %and3A_1180, %eq3A_1187 : vector<16xi1>
    %get3A_1189 = arith.constant 1392 : index
    %get3A_1190 = tpu.vector_load %arg6[%get3A_1189] {strides = array<i32>} : memref<2048xi32, #tpu.memory_space<vmem>>, vector<16xi32>,
    %add3A_1191 = arith.constant 112 : i32
    %add3A_1192 = arith.addi %add3A_1130, %add3A_1191 : i32
    %add3A_1193 = vector.broadcast %add3A_1192 : i32 to vector<16xi32>
    %add3A_1194 = arith.addi %add3A_1193, %iota3A : vector<16xi32>
    %eq3A_1195 = arith.cmpi eq, %get3A_1190, %add3A_1194 : vector<16xi32>
    %and3A_1196 = arith.andi %and3A_1188, %eq3A_1195 : vector<16xi1>
    %get3A_1197 = arith.constant 1408 : index
    %get3A_1198 = tpu.vector_load %arg6[%get3A_1197] {strides = array<i32>} : memref<2048xi32, #tpu.memory_space<vmem>>, vector<16xi32>,
    %reduce_min3A_1199 = arith.constant true
    %reduce_min3A_1200 = vector.broadcast %reduce_min3A_1199 : i1 to vector<16xi1>
    %reduce_min3A_1201 = arith.constant -2147483648 : i32
    %reduce_min3A_1202 = vector.broadcast %reduce_min3A_1201 : i32 to vector<16xi32>
    %reduce_min3A_1203 = arith.xori %get3A_1198, %reduce_min3A_1202 : vector<16xi32>
    %reduce_min3A_1204 = tpu.scan <min>, %reduce_min3A_1203 masked %reduce_min3A_1200 : vector<16xi32>, vector<16xi1> -> vector<16xi32>
    %reduce_min3A_1205 = arith.xori %reduce_min3A_1204, %reduce_min3A_1202 : vector<16xi32>
    %reduce_min3A_1206 = vector.extract %reduce_min3A_1205[15] : i32 from vector<16xi32>
    %add3A_1207 = arith.constant 128 : i32
    %add3A_1208 = arith.addi %add3A_1130, %add3A_1207 : i32
    %ge3A_1209 = arith.constant 32768 : i32
    %ge3A_1210 = arith.cmpi sge, %add3A_1208, %ge3A_1209 : i32
    %add3A_1211 = arith.constant 128 : i32
    %add3A_1212 = arith.addi %add3A_1130, %add3A_1211 : i32
    %ge3A_1213 = arith.cmpi sge, %reduce_min3A_1206, %add3A_1212 : i32
    %or3A_1214 = arith.ori %ge3A_1210, %ge3A_1213 : i1
    %add3A_1215 = arith.constant 128 : i32
    %add3A_1216 = arith.addi %add3A_1130, %add3A_1215 : i32
    %le3A_1217 = arith.constant 32768 : i32
    %le3A_1218 = arith.cmpi sle, %add3A_1216, %le3A_1217 : i32
    %reduce_and3A_1219 = arith.constant 1.000000e+00 : f32
    %reduce_and3A_1220 = arith.constant 0.000000e+00 : f32
    %reduce_and3A_1221 = vector.broadcast %reduce_and3A_1219 : f32 to vector<16xf32>
    %reduce_and3A_1222 = vector.broadcast %reduce_and3A_1220 : f32 to vector<16xf32>
    %reduce_and3A_1223 = arith.select %and3A_1196, %reduce_and3A_1221, %reduce_and3A_1222 : vector<16xi1>, vector<16xf32>
    %reduce_and3A_1224 = arith.constant true
    %reduce_and3A_1225 = vector.broadcast %reduce_and3A_1224 : i1 to vector<16xi1>
    %reduce_and3A_1226 = tpu.scan <min>, %reduce_and3A_1223 masked %reduce_and3A_1225 : vector<16xf32>, vector<16xi1> -> vector<16xf32>
    %reduce_and3A_1227 = vector.extract %reduce_and3A_1226[15] : f32 from vector<16xf32>
    %reduce_and3A_1228 = arith.constant 0.000000e+00 : f32
    %reduce_and3A_1229 = arith.cmpf ogt, %reduce_and3A_1227, %reduce_and3A_1228 : f32
    %and3A_1230 = arith.andi %reduce_and3A_1229, %or3A_1214 : i1
    %le3A_1231 = arith.cmpi sle, %reduce_max3A_16, %add3A_1130 : i32
    %select_n3A_1232 = arith.select %le3A_1218, %and3A_1230, %le3A_1231 : i1
    %eq3A_1233 = arith.constant 10 : i32
    %eq3A_1234 = vector.broadcast %eq3A_1233 : i32 to vector<16xi32>
    %eq3A_1235 = arith.cmpi eq, %iota3A, %eq3A_1234 : vector<16xi32>
    %jit3A_1236 = arith.constant 1 : i32
    %jit3A_1237 = arith.constant 0 : i32
    %select_n3A_1238 = arith.select %select_n3A_1232, %jit3A_1236, %jit3A_1237 : i32
    %broadcast_in_dim3A_1239 = vector.broadcast %select_n3A_1238 : i32 to vector<16xi32>
    %select_n3A_1240 = arith.select %eq3A_1235, %broadcast_in_dim3A_1239, %select_n3A_1128 : vector<16xi1>, vector<16xi32>
    %add3A_1241 = arith.constant 1408 : i32
    %add3A_1242 = arith.addi %mul3A_2, %add3A_1241 : i32
    %broadcast_in_dim3A_1243 = arith.constant true
    %broadcast_in_dim3A_1244 = vector.broadcast %broadcast_in_dim3A_1243 : i1 to vector<16xi1>
    %get3A_1245 = arith.constant 1408 : index
    %get3A_1246 = tpu.vector_load %arg6[%get3A_1245] {strides = array<i32>} : memref<2048xi32, #tpu.memory_space<vmem>>, vector<16xi32>,
    %add3A_1247 = arith.constant 0 : i32
    %add3A_1248 = arith.addi %add3A_1242, %add3A_1247 : i32
    %add3A_1249 = vector.broadcast %add3A_1248 : i32 to vector<16xi32>
    %add3A_1250 = arith.addi %add3A_1249, %iota3A : vector<16xi32>
    %eq3A_1251 = arith.cmpi eq, %get3A_1246, %add3A_1250 : vector<16xi32>
    %and3A_1252 = arith.andi %broadcast_in_dim3A_1244, %eq3A_1251 : vector<16xi1>
    %get3A_1253 = arith.constant 1424 : index
    %get3A_1254 = tpu.vector_load %arg6[%get3A_1253] {strides = array<i32>} : memref<2048xi32, #tpu.memory_space<vmem>>, vector<16xi32>,
    %add3A_1255 = arith.constant 16 : i32
    %add3A_1256 = arith.addi %add3A_1242, %add3A_1255 : i32
    %add3A_1257 = vector.broadcast %add3A_1256 : i32 to vector<16xi32>
    %add3A_1258 = arith.addi %add3A_1257, %iota3A : vector<16xi32>
    %eq3A_1259 = arith.cmpi eq, %get3A_1254, %add3A_1258 : vector<16xi32>
    %and3A_1260 = arith.andi %and3A_1252, %eq3A_1259 : vector<16xi1>
    %get3A_1261 = arith.constant 1440 : index
    %get3A_1262 = tpu.vector_load %arg6[%get3A_1261] {strides = array<i32>} : memref<2048xi32, #tpu.memory_space<vmem>>, vector<16xi32>,
    %add3A_1263 = arith.constant 32 : i32
    %add3A_1264 = arith.addi %add3A_1242, %add3A_1263 : i32
    %add3A_1265 = vector.broadcast %add3A_1264 : i32 to vector<16xi32>
    %add3A_1266 = arith.addi %add3A_1265, %iota3A : vector<16xi32>
    %eq3A_1267 = arith.cmpi eq, %get3A_1262, %add3A_1266 : vector<16xi32>
    %and3A_1268 = arith.andi %and3A_1260, %eq3A_1267 : vector<16xi1>
    %get3A_1269 = arith.constant 1456 : index
    %get3A_1270 = tpu.vector_load %arg6[%get3A_1269] {strides = array<i32>} : memref<2048xi32, #tpu.memory_space<vmem>>, vector<16xi32>,
    %add3A_1271 = arith.constant 48 : i32
    %add3A_1272 = arith.addi %add3A_1242, %add3A_1271 : i32
    %add3A_1273 = vector.broadcast %add3A_1272 : i32 to vector<16xi32>
    %add3A_1274 = arith.addi %add3A_1273, %iota3A : vector<16xi32>
    %eq3A_1275 = arith.cmpi eq, %get3A_1270, %add3A_1274 : vector<16xi32>
    %and3A_1276 = arith.andi %and3A_1268, %eq3A_1275 : vector<16xi1>
    %get3A_1277 = arith.constant 1472 : index
    %get3A_1278 = tpu.vector_load %arg6[%get3A_1277] {strides = array<i32>} : memref<2048xi32, #tpu.memory_space<vmem>>, vector<16xi32>,
    %add3A_1279 = arith.constant 64 : i32
    %add3A_1280 = arith.addi %add3A_1242, %add3A_1279 : i32
    %add3A_1281 = vector.broadcast %add3A_1280 : i32 to vector<16xi32>
    %add3A_1282 = arith.addi %add3A_1281, %iota3A : vector<16xi32>
    %eq3A_1283 = arith.cmpi eq, %get3A_1278, %add3A_1282 : vector<16xi32>
    %and3A_1284 = arith.andi %and3A_1276, %eq3A_1283 : vector<16xi1>
    %get3A_1285 = arith.constant 1488 : index
    %get3A_1286 = tpu.vector_load %arg6[%get3A_1285] {strides = array<i32>} : memref<2048xi32, #tpu.memory_space<vmem>>, vector<16xi32>,
    %add3A_1287 = arith.constant 80 : i32
    %add3A_1288 = arith.addi %add3A_1242, %add3A_1287 : i32
    %add3A_1289 = vector.broadcast %add3A_1288 : i32 to vector<16xi32>
    %add3A_1290 = arith.addi %add3A_1289, %iota3A : vector<16xi32>
    %eq3A_1291 = arith.cmpi eq, %get3A_1286, %add3A_1290 : vector<16xi32>
    %and3A_1292 = arith.andi %and3A_1284, %eq3A_1291 : vector<16xi1>
    %get3A_1293 = arith.constant 1504 : index
    %get3A_1294 = tpu.vector_load %arg6[%get3A_1293] {strides = array<i32>} : memref<2048xi32, #tpu.memory_space<vmem>>, vector<16xi32>,
    %add3A_1295 = arith.constant 96 : i32
    %add3A_1296 = arith.addi %add3A_1242, %add3A_1295 : i32
    %add3A_1297 = vector.broadcast %add3A_1296 : i32 to vector<16xi32>
    %add3A_1298 = arith.addi %add3A_1297, %iota3A : vector<16xi32>
    %eq3A_1299 = arith.cmpi eq, %get3A_1294, %add3A_1298 : vector<16xi32>
    %and3A_1300 = arith.andi %and3A_1292, %eq3A_1299 : vector<16xi1>
    %get3A_1301 = arith.constant 1520 : index
    %get3A_1302 = tpu.vector_load %arg6[%get3A_1301] {strides = array<i32>} : memref<2048xi32, #tpu.memory_space<vmem>>, vector<16xi32>,
    %add3A_1303 = arith.constant 112 : i32
    %add3A_1304 = arith.addi %add3A_1242, %add3A_1303 : i32
    %add3A_1305 = vector.broadcast %add3A_1304 : i32 to vector<16xi32>
    %add3A_1306 = arith.addi %add3A_1305, %iota3A : vector<16xi32>
    %eq3A_1307 = arith.cmpi eq, %get3A_1302, %add3A_1306 : vector<16xi32>
    %and3A_1308 = arith.andi %and3A_1300, %eq3A_1307 : vector<16xi1>
    %get3A_1309 = arith.constant 1536 : index
    %get3A_1310 = tpu.vector_load %arg6[%get3A_1309] {strides = array<i32>} : memref<2048xi32, #tpu.memory_space<vmem>>, vector<16xi32>,
    %reduce_min3A_1311 = arith.constant true
    %reduce_min3A_1312 = vector.broadcast %reduce_min3A_1311 : i1 to vector<16xi1>
    %reduce_min3A_1313 = arith.constant -2147483648 : i32
    %reduce_min3A_1314 = vector.broadcast %reduce_min3A_1313 : i32 to vector<16xi32>
    %reduce_min3A_1315 = arith.xori %get3A_1310, %reduce_min3A_1314 : vector<16xi32>
    %reduce_min3A_1316 = tpu.scan <min>, %reduce_min3A_1315 masked %reduce_min3A_1312 : vector<16xi32>, vector<16xi1> -> vector<16xi32>
    %reduce_min3A_1317 = arith.xori %reduce_min3A_1316, %reduce_min3A_1314 : vector<16xi32>
    %reduce_min3A_1318 = vector.extract %reduce_min3A_1317[15] : i32 from vector<16xi32>
    %add3A_1319 = arith.constant 128 : i32
    %add3A_1320 = arith.addi %add3A_1242, %add3A_1319 : i32
    %ge3A_1321 = arith.constant 32768 : i32
    %ge3A_1322 = arith.cmpi sge, %add3A_1320, %ge3A_1321 : i32
    %add3A_1323 = arith.constant 128 : i32
    %add3A_1324 = arith.addi %add3A_1242, %add3A_1323 : i32
    %ge3A_1325 = arith.cmpi sge, %reduce_min3A_1318, %add3A_1324 : i32
    %or3A_1326 = arith.ori %ge3A_1322, %ge3A_1325 : i1
    %add3A_1327 = arith.constant 128 : i32
    %add3A_1328 = arith.addi %add3A_1242, %add3A_1327 : i32
    %le3A_1329 = arith.constant 32768 : i32
    %le3A_1330 = arith.cmpi sle, %add3A_1328, %le3A_1329 : i32
    %reduce_and3A_1331 = arith.constant 1.000000e+00 : f32
    %reduce_and3A_1332 = arith.constant 0.000000e+00 : f32
    %reduce_and3A_1333 = vector.broadcast %reduce_and3A_1331 : f32 to vector<16xf32>
    %reduce_and3A_1334 = vector.broadcast %reduce_and3A_1332 : f32 to vector<16xf32>
    %reduce_and3A_1335 = arith.select %and3A_1308, %reduce_and3A_1333, %reduce_and3A_1334 : vector<16xi1>, vector<16xf32>
    %reduce_and3A_1336 = arith.constant true
    %reduce_and3A_1337 = vector.broadcast %reduce_and3A_1336 : i1 to vector<16xi1>
    %reduce_and3A_1338 = tpu.scan <min>, %reduce_and3A_1335 masked %reduce_and3A_1337 : vector<16xf32>, vector<16xi1> -> vector<16xf32>
    %reduce_and3A_1339 = vector.extract %reduce_and3A_1338[15] : f32 from vector<16xf32>
    %reduce_and3A_1340 = arith.constant 0.000000e+00 : f32
    %reduce_and3A_1341 = arith.cmpf ogt, %reduce_and3A_1339, %reduce_and3A_1340 : f32
    %and3A_1342 = arith.andi %reduce_and3A_1341, %or3A_1326 : i1
    %le3A_1343 = arith.cmpi sle, %reduce_max3A_16, %add3A_1242 : i32
    %select_n3A_1344 = arith.select %le3A_1330, %and3A_1342, %le3A_1343 : i1
    %eq3A_1345 = arith.constant 11 : i32
    %eq3A_1346 = vector.broadcast %eq3A_1345 : i32 to vector<16xi32>
    %eq3A_1347 = arith.cmpi eq, %iota3A, %eq3A_1346 : vector<16xi32>
    %jit3A_1348 = arith.constant 1 : i32
    %jit3A_1349 = arith.constant 0 : i32
    %select_n3A_1350 = arith.select %select_n3A_1344, %jit3A_1348, %jit3A_1349 : i32
    %broadcast_in_dim3A_1351 = vector.broadcast %select_n3A_1350 : i32 to vector<16xi32>
    %select_n3A_1352 = arith.select %eq3A_1347, %broadcast_in_dim3A_1351, %select_n3A_1240 : vector<16xi1>, vector<16xi32>
    %add3A_1353 = arith.constant 1536 : i32
    %add3A_1354 = arith.addi %mul3A_2, %add3A_1353 : i32
    %broadcast_in_dim3A_1355 = arith.constant true
    %broadcast_in_dim3A_1356 = vector.broadcast %broadcast_in_dim3A_1355 : i1 to vector<16xi1>
    %get3A_1357 = arith.constant 1536 : index
    %get3A_1358 = tpu.vector_load %arg6[%get3A_1357] {strides = array<i32>} : memref<2048xi32, #tpu.memory_space<vmem>>, vector<16xi32>,
    %add3A_1359 = arith.constant 0 : i32
    %add3A_1360 = arith.addi %add3A_1354, %add3A_1359 : i32
    %add3A_1361 = vector.broadcast %add3A_1360 : i32 to vector<16xi32>
    %add3A_1362 = arith.addi %add3A_1361, %iota3A : vector<16xi32>
    %eq3A_1363 = arith.cmpi eq, %get3A_1358, %add3A_1362 : vector<16xi32>
    %and3A_1364 = arith.andi %broadcast_in_dim3A_1356, %eq3A_1363 : vector<16xi1>
    %get3A_1365 = arith.constant 1552 : index
    %get3A_1366 = tpu.vector_load %arg6[%get3A_1365] {strides = array<i32>} : memref<2048xi32, #tpu.memory_space<vmem>>, vector<16xi32>,
    %add3A_1367 = arith.constant 16 : i32
    %add3A_1368 = arith.addi %add3A_1354, %add3A_1367 : i32
    %add3A_1369 = vector.broadcast %add3A_1368 : i32 to vector<16xi32>
    %add3A_1370 = arith.addi %add3A_1369, %iota3A : vector<16xi32>
    %eq3A_1371 = arith.cmpi eq, %get3A_1366, %add3A_1370 : vector<16xi32>
    %and3A_1372 = arith.andi %and3A_1364, %eq3A_1371 : vector<16xi1>
    %get3A_1373 = arith.constant 1568 : index
    %get3A_1374 = tpu.vector_load %arg6[%get3A_1373] {strides = array<i32>} : memref<2048xi32, #tpu.memory_space<vmem>>, vector<16xi32>,
    %add3A_1375 = arith.constant 32 : i32
    %add3A_1376 = arith.addi %add3A_1354, %add3A_1375 : i32
    %add3A_1377 = vector.broadcast %add3A_1376 : i32 to vector<16xi32>
    %add3A_1378 = arith.addi %add3A_1377, %iota3A : vector<16xi32>
    %eq3A_1379 = arith.cmpi eq, %get3A_1374, %add3A_1378 : vector<16xi32>
    %and3A_1380 = arith.andi %and3A_1372, %eq3A_1379 : vector<16xi1>
    %get3A_1381 = arith.constant 1584 : index
    %get3A_1382 = tpu.vector_load %arg6[%get3A_1381] {strides = array<i32>} : memref<2048xi32, #tpu.memory_space<vmem>>, vector<16xi32>,
    %add3A_1383 = arith.constant 48 : i32
    %add3A_1384 = arith.addi %add3A_1354, %add3A_1383 : i32
    %add3A_1385 = vector.broadcast %add3A_1384 : i32 to vector<16xi32>
    %add3A_1386 = arith.addi %add3A_1385, %iota3A : vector<16xi32>
    %eq3A_1387 = arith.cmpi eq, %get3A_1382, %add3A_1386 : vector<16xi32>
    %and3A_1388 = arith.andi %and3A_1380, %eq3A_1387 : vector<16xi1>
    %get3A_1389 = arith.constant 1600 : index
    %get3A_1390 = tpu.vector_load %arg6[%get3A_1389] {strides = array<i32>} : memref<2048xi32, #tpu.memory_space<vmem>>, vector<16xi32>,
    %add3A_1391 = arith.constant 64 : i32
    %add3A_1392 = arith.addi %add3A_1354, %add3A_1391 : i32
    %add3A_1393 = vector.broadcast %add3A_1392 : i32 to vector<16xi32>
    %add3A_1394 = arith.addi %add3A_1393, %iota3A : vector<16xi32>
    %eq3A_1395 = arith.cmpi eq, %get3A_1390, %add3A_1394 : vector<16xi32>
    %and3A_1396 = arith.andi %and3A_1388, %eq3A_1395 : vector<16xi1>
    %get3A_1397 = arith.constant 1616 : index
    %get3A_1398 = tpu.vector_load %arg6[%get3A_1397] {strides = array<i32>} : memref<2048xi32, #tpu.memory_space<vmem>>, vector<16xi32>,
    %add3A_1399 = arith.constant 80 : i32
    %add3A_1400 = arith.addi %add3A_1354, %add3A_1399 : i32
    %add3A_1401 = vector.broadcast %add3A_1400 : i32 to vector<16xi32>
    %add3A_1402 = arith.addi %add3A_1401, %iota3A : vector<16xi32>
    %eq3A_1403 = arith.cmpi eq, %get3A_1398, %add3A_1402 : vector<16xi32>
    %and3A_1404 = arith.andi %and3A_1396, %eq3A_1403 : vector<16xi1>
    %get3A_1405 = arith.constant 1632 : index
    %get3A_1406 = tpu.vector_load %arg6[%get3A_1405] {strides = array<i32>} : memref<2048xi32, #tpu.memory_space<vmem>>, vector<16xi32>,
    %add3A_1407 = arith.constant 96 : i32
    %add3A_1408 = arith.addi %add3A_1354, %add3A_1407 : i32
    %add3A_1409 = vector.broadcast %add3A_1408 : i32 to vector<16xi32>
    %add3A_1410 = arith.addi %add3A_1409, %iota3A : vector<16xi32>
    %eq3A_1411 = arith.cmpi eq, %get3A_1406, %add3A_1410 : vector<16xi32>
    %and3A_1412 = arith.andi %and3A_1404, %eq3A_1411 : vector<16xi1>
    %get3A_1413 = arith.constant 1648 : index
    %get3A_1414 = tpu.vector_load %arg6[%get3A_1413] {strides = array<i32>} : memref<2048xi32, #tpu.memory_space<vmem>>, vector<16xi32>,
    %add3A_1415 = arith.constant 112 : i32
    %add3A_1416 = arith.addi %add3A_1354, %add3A_1415 : i32
    %add3A_1417 = vector.broadcast %add3A_1416 : i32 to vector<16xi32>
    %add3A_1418 = arith.addi %add3A_1417, %iota3A : vector<16xi32>
    %eq3A_1419 = arith.cmpi eq, %get3A_1414, %add3A_1418 : vector<16xi32>
    %and3A_1420 = arith.andi %and3A_1412, %eq3A_1419 : vector<16xi1>
    %get3A_1421 = arith.constant 1664 : index
    %get3A_1422 = tpu.vector_load %arg6[%get3A_1421] {strides = array<i32>} : memref<2048xi32, #tpu.memory_space<vmem>>, vector<16xi32>,
    %reduce_min3A_1423 = arith.constant true
    %reduce_min3A_1424 = vector.broadcast %reduce_min3A_1423 : i1 to vector<16xi1>
    %reduce_min3A_1425 = arith.constant -2147483648 : i32
    %reduce_min3A_1426 = vector.broadcast %reduce_min3A_1425 : i32 to vector<16xi32>
    %reduce_min3A_1427 = arith.xori %get3A_1422, %reduce_min3A_1426 : vector<16xi32>
    %reduce_min3A_1428 = tpu.scan <min>, %reduce_min3A_1427 masked %reduce_min3A_1424 : vector<16xi32>, vector<16xi1> -> vector<16xi32>
    %reduce_min3A_1429 = arith.xori %reduce_min3A_1428, %reduce_min3A_1426 : vector<16xi32>
    %reduce_min3A_1430 = vector.extract %reduce_min3A_1429[15] : i32 from vector<16xi32>
    %add3A_1431 = arith.constant 128 : i32
    %add3A_1432 = arith.addi %add3A_1354, %add3A_1431 : i32
    %ge3A_1433 = arith.constant 32768 : i32
    %ge3A_1434 = arith.cmpi sge, %add3A_1432, %ge3A_1433 : i32
    %add3A_1435 = arith.constant 128 : i32
    %add3A_1436 = arith.addi %add3A_1354, %add3A_1435 : i32
    %ge3A_1437 = arith.cmpi sge, %reduce_min3A_1430, %add3A_1436 : i32
    %or3A_1438 = arith.ori %ge3A_1434, %ge3A_1437 : i1
    %add3A_1439 = arith.constant 128 : i32
    %add3A_1440 = arith.addi %add3A_1354, %add3A_1439 : i32
    %le3A_1441 = arith.constant 32768 : i32
    %le3A_1442 = arith.cmpi sle, %add3A_1440, %le3A_1441 : i32
    %reduce_and3A_1443 = arith.constant 1.000000e+00 : f32
    %reduce_and3A_1444 = arith.constant 0.000000e+00 : f32
    %reduce_and3A_1445 = vector.broadcast %reduce_and3A_1443 : f32 to vector<16xf32>
    %reduce_and3A_1446 = vector.broadcast %reduce_and3A_1444 : f32 to vector<16xf32>
    %reduce_and3A_1447 = arith.select %and3A_1420, %reduce_and3A_1445, %reduce_and3A_1446 : vector<16xi1>, vector<16xf32>
    %reduce_and3A_1448 = arith.constant true
    %reduce_and3A_1449 = vector.broadcast %reduce_and3A_1448 : i1 to vector<16xi1>
    %reduce_and3A_1450 = tpu.scan <min>, %reduce_and3A_1447 masked %reduce_and3A_1449 : vector<16xf32>, vector<16xi1> -> vector<16xf32>
    %reduce_and3A_1451 = vector.extract %reduce_and3A_1450[15] : f32 from vector<16xf32>
    %reduce_and3A_1452 = arith.constant 0.000000e+00 : f32
    %reduce_and3A_1453 = arith.cmpf ogt, %reduce_and3A_1451, %reduce_and3A_1452 : f32
    %and3A_1454 = arith.andi %reduce_and3A_1453, %or3A_1438 : i1
    %le3A_1455 = arith.cmpi sle, %reduce_max3A_16, %add3A_1354 : i32
    %select_n3A_1456 = arith.select %le3A_1442, %and3A_1454, %le3A_1455 : i1
    %eq3A_1457 = arith.constant 12 : i32
    %eq3A_1458 = vector.broadcast %eq3A_1457 : i32 to vector<16xi32>
    %eq3A_1459 = arith.cmpi eq, %iota3A, %eq3A_1458 : vector<16xi32>
    %jit3A_1460 = arith.constant 1 : i32
    %jit3A_1461 = arith.constant 0 : i32
    %select_n3A_1462 = arith.select %select_n3A_1456, %jit3A_1460, %jit3A_1461 : i32
    %broadcast_in_dim3A_1463 = vector.broadcast %select_n3A_1462 : i32 to vector<16xi32>
    %select_n3A_1464 = arith.select %eq3A_1459, %broadcast_in_dim3A_1463, %select_n3A_1352 : vector<16xi1>, vector<16xi32>
    %add3A_1465 = arith.constant 1664 : i32
    %add3A_1466 = arith.addi %mul3A_2, %add3A_1465 : i32
    %broadcast_in_dim3A_1467 = arith.constant true
    %broadcast_in_dim3A_1468 = vector.broadcast %broadcast_in_dim3A_1467 : i1 to vector<16xi1>
    %get3A_1469 = arith.constant 1664 : index
    %get3A_1470 = tpu.vector_load %arg6[%get3A_1469] {strides = array<i32>} : memref<2048xi32, #tpu.memory_space<vmem>>, vector<16xi32>,
    %add3A_1471 = arith.constant 0 : i32
    %add3A_1472 = arith.addi %add3A_1466, %add3A_1471 : i32
    %add3A_1473 = vector.broadcast %add3A_1472 : i32 to vector<16xi32>
    %add3A_1474 = arith.addi %add3A_1473, %iota3A : vector<16xi32>
    %eq3A_1475 = arith.cmpi eq, %get3A_1470, %add3A_1474 : vector<16xi32>
    %and3A_1476 = arith.andi %broadcast_in_dim3A_1468, %eq3A_1475 : vector<16xi1>
    %get3A_1477 = arith.constant 1680 : index
    %get3A_1478 = tpu.vector_load %arg6[%get3A_1477] {strides = array<i32>} : memref<2048xi32, #tpu.memory_space<vmem>>, vector<16xi32>,
    %add3A_1479 = arith.constant 16 : i32
    %add3A_1480 = arith.addi %add3A_1466, %add3A_1479 : i32
    %add3A_1481 = vector.broadcast %add3A_1480 : i32 to vector<16xi32>
    %add3A_1482 = arith.addi %add3A_1481, %iota3A : vector<16xi32>
    %eq3A_1483 = arith.cmpi eq, %get3A_1478, %add3A_1482 : vector<16xi32>
    %and3A_1484 = arith.andi %and3A_1476, %eq3A_1483 : vector<16xi1>
    %get3A_1485 = arith.constant 1696 : index
    %get3A_1486 = tpu.vector_load %arg6[%get3A_1485] {strides = array<i32>} : memref<2048xi32, #tpu.memory_space<vmem>>, vector<16xi32>,
    %add3A_1487 = arith.constant 32 : i32
    %add3A_1488 = arith.addi %add3A_1466, %add3A_1487 : i32
    %add3A_1489 = vector.broadcast %add3A_1488 : i32 to vector<16xi32>
    %add3A_1490 = arith.addi %add3A_1489, %iota3A : vector<16xi32>
    %eq3A_1491 = arith.cmpi eq, %get3A_1486, %add3A_1490 : vector<16xi32>
    %and3A_1492 = arith.andi %and3A_1484, %eq3A_1491 : vector<16xi1>
    %get3A_1493 = arith.constant 1712 : index
    %get3A_1494 = tpu.vector_load %arg6[%get3A_1493] {strides = array<i32>} : memref<2048xi32, #tpu.memory_space<vmem>>, vector<16xi32>,
    %add3A_1495 = arith.constant 48 : i32
    %add3A_1496 = arith.addi %add3A_1466, %add3A_1495 : i32
    %add3A_1497 = vector.broadcast %add3A_1496 : i32 to vector<16xi32>
    %add3A_1498 = arith.addi %add3A_1497, %iota3A : vector<16xi32>
    %eq3A_1499 = arith.cmpi eq, %get3A_1494, %add3A_1498 : vector<16xi32>
    %and3A_1500 = arith.andi %and3A_1492, %eq3A_1499 : vector<16xi1>
    %get3A_1501 = arith.constant 1728 : index
    %get3A_1502 = tpu.vector_load %arg6[%get3A_1501] {strides = array<i32>} : memref<2048xi32, #tpu.memory_space<vmem>>, vector<16xi32>,
    %add3A_1503 = arith.constant 64 : i32
    %add3A_1504 = arith.addi %add3A_1466, %add3A_1503 : i32
    %add3A_1505 = vector.broadcast %add3A_1504 : i32 to vector<16xi32>
    %add3A_1506 = arith.addi %add3A_1505, %iota3A : vector<16xi32>
    %eq3A_1507 = arith.cmpi eq, %get3A_1502, %add3A_1506 : vector<16xi32>
    %and3A_1508 = arith.andi %and3A_1500, %eq3A_1507 : vector<16xi1>
    %get3A_1509 = arith.constant 1744 : index
    %get3A_1510 = tpu.vector_load %arg6[%get3A_1509] {strides = array<i32>} : memref<2048xi32, #tpu.memory_space<vmem>>, vector<16xi32>,
    %add3A_1511 = arith.constant 80 : i32
    %add3A_1512 = arith.addi %add3A_1466, %add3A_1511 : i32
    %add3A_1513 = vector.broadcast %add3A_1512 : i32 to vector<16xi32>
    %add3A_1514 = arith.addi %add3A_1513, %iota3A : vector<16xi32>
    %eq3A_1515 = arith.cmpi eq, %get3A_1510, %add3A_1514 : vector<16xi32>
    %and3A_1516 = arith.andi %and3A_1508, %eq3A_1515 : vector<16xi1>
    %get3A_1517 = arith.constant 1760 : index
    %get3A_1518 = tpu.vector_load %arg6[%get3A_1517] {strides = array<i32>} : memref<2048xi32, #tpu.memory_space<vmem>>, vector<16xi32>,
    %add3A_1519 = arith.constant 96 : i32
    %add3A_1520 = arith.addi %add3A_1466, %add3A_1519 : i32
    %add3A_1521 = vector.broadcast %add3A_1520 : i32 to vector<16xi32>
    %add3A_1522 = arith.addi %add3A_1521, %iota3A : vector<16xi32>
    %eq3A_1523 = arith.cmpi eq, %get3A_1518, %add3A_1522 : vector<16xi32>
    %and3A_1524 = arith.andi %and3A_1516, %eq3A_1523 : vector<16xi1>
    %get3A_1525 = arith.constant 1776 : index
    %get3A_1526 = tpu.vector_load %arg6[%get3A_1525] {strides = array<i32>} : memref<2048xi32, #tpu.memory_space<vmem>>, vector<16xi32>,
    %add3A_1527 = arith.constant 112 : i32
    %add3A_1528 = arith.addi %add3A_1466, %add3A_1527 : i32
    %add3A_1529 = vector.broadcast %add3A_1528 : i32 to vector<16xi32>
    %add3A_1530 = arith.addi %add3A_1529, %iota3A : vector<16xi32>
    %eq3A_1531 = arith.cmpi eq, %get3A_1526, %add3A_1530 : vector<16xi32>
    %and3A_1532 = arith.andi %and3A_1524, %eq3A_1531 : vector<16xi1>
    %get3A_1533 = arith.constant 1792 : index
    %get3A_1534 = tpu.vector_load %arg6[%get3A_1533] {strides = array<i32>} : memref<2048xi32, #tpu.memory_space<vmem>>, vector<16xi32>,
    %reduce_min3A_1535 = arith.constant true
    %reduce_min3A_1536 = vector.broadcast %reduce_min3A_1535 : i1 to vector<16xi1>
    %reduce_min3A_1537 = arith.constant -2147483648 : i32
    %reduce_min3A_1538 = vector.broadcast %reduce_min3A_1537 : i32 to vector<16xi32>
    %reduce_min3A_1539 = arith.xori %get3A_1534, %reduce_min3A_1538 : vector<16xi32>
    %reduce_min3A_1540 = tpu.scan <min>, %reduce_min3A_1539 masked %reduce_min3A_1536 : vector<16xi32>, vector<16xi1> -> vector<16xi32>
    %reduce_min3A_1541 = arith.xori %reduce_min3A_1540, %reduce_min3A_1538 : vector<16xi32>
    %reduce_min3A_1542 = vector.extract %reduce_min3A_1541[15] : i32 from vector<16xi32>
    %add3A_1543 = arith.constant 128 : i32
    %add3A_1544 = arith.addi %add3A_1466, %add3A_1543 : i32
    %ge3A_1545 = arith.constant 32768 : i32
    %ge3A_1546 = arith.cmpi sge, %add3A_1544, %ge3A_1545 : i32
    %add3A_1547 = arith.constant 128 : i32
    %add3A_1548 = arith.addi %add3A_1466, %add3A_1547 : i32
    %ge3A_1549 = arith.cmpi sge, %reduce_min3A_1542, %add3A_1548 : i32
    %or3A_1550 = arith.ori %ge3A_1546, %ge3A_1549 : i1
    %add3A_1551 = arith.constant 128 : i32
    %add3A_1552 = arith.addi %add3A_1466, %add3A_1551 : i32
    %le3A_1553 = arith.constant 32768 : i32
    %le3A_1554 = arith.cmpi sle, %add3A_1552, %le3A_1553 : i32
    %reduce_and3A_1555 = arith.constant 1.000000e+00 : f32
    %reduce_and3A_1556 = arith.constant 0.000000e+00 : f32
    %reduce_and3A_1557 = vector.broadcast %reduce_and3A_1555 : f32 to vector<16xf32>
    %reduce_and3A_1558 = vector.broadcast %reduce_and3A_1556 : f32 to vector<16xf32>
    %reduce_and3A_1559 = arith.select %and3A_1532, %reduce_and3A_1557, %reduce_and3A_1558 : vector<16xi1>, vector<16xf32>
    %reduce_and3A_1560 = arith.constant true
    %reduce_and3A_1561 = vector.broadcast %reduce_and3A_1560 : i1 to vector<16xi1>
    %reduce_and3A_1562 = tpu.scan <min>, %reduce_and3A_1559 masked %reduce_and3A_1561 : vector<16xf32>, vector<16xi1> -> vector<16xf32>
    %reduce_and3A_1563 = vector.extract %reduce_and3A_1562[15] : f32 from vector<16xf32>
    %reduce_and3A_1564 = arith.constant 0.000000e+00 : f32
    %reduce_and3A_1565 = arith.cmpf ogt, %reduce_and3A_1563, %reduce_and3A_1564 : f32
    %and3A_1566 = arith.andi %reduce_and3A_1565, %or3A_1550 : i1
    %le3A_1567 = arith.cmpi sle, %reduce_max3A_16, %add3A_1466 : i32
    %select_n3A_1568 = arith.select %le3A_1554, %and3A_1566, %le3A_1567 : i1
    %eq3A_1569 = arith.constant 13 : i32
    %eq3A_1570 = vector.broadcast %eq3A_1569 : i32 to vector<16xi32>
    %eq3A_1571 = arith.cmpi eq, %iota3A, %eq3A_1570 : vector<16xi32>
    %jit3A_1572 = arith.constant 1 : i32
    %jit3A_1573 = arith.constant 0 : i32
    %select_n3A_1574 = arith.select %select_n3A_1568, %jit3A_1572, %jit3A_1573 : i32
    %broadcast_in_dim3A_1575 = vector.broadcast %select_n3A_1574 : i32 to vector<16xi32>
    %select_n3A_1576 = arith.select %eq3A_1571, %broadcast_in_dim3A_1575, %select_n3A_1464 : vector<16xi1>, vector<16xi32>
    %add3A_1577 = arith.constant 1792 : i32
    %add3A_1578 = arith.addi %mul3A_2, %add3A_1577 : i32
    %broadcast_in_dim3A_1579 = arith.constant true
    %broadcast_in_dim3A_1580 = vector.broadcast %broadcast_in_dim3A_1579 : i1 to vector<16xi1>
    %get3A_1581 = arith.constant 1792 : index
    %get3A_1582 = tpu.vector_load %arg6[%get3A_1581] {strides = array<i32>} : memref<2048xi32, #tpu.memory_space<vmem>>, vector<16xi32>,
    %add3A_1583 = arith.constant 0 : i32
    %add3A_1584 = arith.addi %add3A_1578, %add3A_1583 : i32
    %add3A_1585 = vector.broadcast %add3A_1584 : i32 to vector<16xi32>
    %add3A_1586 = arith.addi %add3A_1585, %iota3A : vector<16xi32>
    %eq3A_1587 = arith.cmpi eq, %get3A_1582, %add3A_1586 : vector<16xi32>
    %and3A_1588 = arith.andi %broadcast_in_dim3A_1580, %eq3A_1587 : vector<16xi1>
    %get3A_1589 = arith.constant 1808 : index
    %get3A_1590 = tpu.vector_load %arg6[%get3A_1589] {strides = array<i32>} : memref<2048xi32, #tpu.memory_space<vmem>>, vector<16xi32>,
    %add3A_1591 = arith.constant 16 : i32
    %add3A_1592 = arith.addi %add3A_1578, %add3A_1591 : i32
    %add3A_1593 = vector.broadcast %add3A_1592 : i32 to vector<16xi32>
    %add3A_1594 = arith.addi %add3A_1593, %iota3A : vector<16xi32>
    %eq3A_1595 = arith.cmpi eq, %get3A_1590, %add3A_1594 : vector<16xi32>
    %and3A_1596 = arith.andi %and3A_1588, %eq3A_1595 : vector<16xi1>
    %get3A_1597 = arith.constant 1824 : index
    %get3A_1598 = tpu.vector_load %arg6[%get3A_1597] {strides = array<i32>} : memref<2048xi32, #tpu.memory_space<vmem>>, vector<16xi32>,
    %add3A_1599 = arith.constant 32 : i32
    %add3A_1600 = arith.addi %add3A_1578, %add3A_1599 : i32
    %add3A_1601 = vector.broadcast %add3A_1600 : i32 to vector<16xi32>
    %add3A_1602 = arith.addi %add3A_1601, %iota3A : vector<16xi32>
    %eq3A_1603 = arith.cmpi eq, %get3A_1598, %add3A_1602 : vector<16xi32>
    %and3A_1604 = arith.andi %and3A_1596, %eq3A_1603 : vector<16xi1>
    %get3A_1605 = arith.constant 1840 : index
    %get3A_1606 = tpu.vector_load %arg6[%get3A_1605] {strides = array<i32>} : memref<2048xi32, #tpu.memory_space<vmem>>, vector<16xi32>,
    %add3A_1607 = arith.constant 48 : i32
    %add3A_1608 = arith.addi %add3A_1578, %add3A_1607 : i32
    %add3A_1609 = vector.broadcast %add3A_1608 : i32 to vector<16xi32>
    %add3A_1610 = arith.addi %add3A_1609, %iota3A : vector<16xi32>
    %eq3A_1611 = arith.cmpi eq, %get3A_1606, %add3A_1610 : vector<16xi32>
    %and3A_1612 = arith.andi %and3A_1604, %eq3A_1611 : vector<16xi1>
    %get3A_1613 = arith.constant 1856 : index
    %get3A_1614 = tpu.vector_load %arg6[%get3A_1613] {strides = array<i32>} : memref<2048xi32, #tpu.memory_space<vmem>>, vector<16xi32>,
    %add3A_1615 = arith.constant 64 : i32
    %add3A_1616 = arith.addi %add3A_1578, %add3A_1615 : i32
    %add3A_1617 = vector.broadcast %add3A_1616 : i32 to vector<16xi32>
    %add3A_1618 = arith.addi %add3A_1617, %iota3A : vector<16xi32>
    %eq3A_1619 = arith.cmpi eq, %get3A_1614, %add3A_1618 : vector<16xi32>
    %and3A_1620 = arith.andi %and3A_1612, %eq3A_1619 : vector<16xi1>
    %get3A_1621 = arith.constant 1872 : index
    %get3A_1622 = tpu.vector_load %arg6[%get3A_1621] {strides = array<i32>} : memref<2048xi32, #tpu.memory_space<vmem>>, vector<16xi32>,
    %add3A_1623 = arith.constant 80 : i32
    %add3A_1624 = arith.addi %add3A_1578, %add3A_1623 : i32
    %add3A_1625 = vector.broadcast %add3A_1624 : i32 to vector<16xi32>
    %add3A_1626 = arith.addi %add3A_1625, %iota3A : vector<16xi32>
    %eq3A_1627 = arith.cmpi eq, %get3A_1622, %add3A_1626 : vector<16xi32>
    %and3A_1628 = arith.andi %and3A_1620, %eq3A_1627 : vector<16xi1>
    %get3A_1629 = arith.constant 1888 : index
    %get3A_1630 = tpu.vector_load %arg6[%get3A_1629] {strides = array<i32>} : memref<2048xi32, #tpu.memory_space<vmem>>, vector<16xi32>,
    %add3A_1631 = arith.constant 96 : i32
    %add3A_1632 = arith.addi %add3A_1578, %add3A_1631 : i32
    %add3A_1633 = vector.broadcast %add3A_1632 : i32 to vector<16xi32>
    %add3A_1634 = arith.addi %add3A_1633, %iota3A : vector<16xi32>
    %eq3A_1635 = arith.cmpi eq, %get3A_1630, %add3A_1634 : vector<16xi32>
    %and3A_1636 = arith.andi %and3A_1628, %eq3A_1635 : vector<16xi1>
    %get3A_1637 = arith.constant 1904 : index
    %get3A_1638 = tpu.vector_load %arg6[%get3A_1637] {strides = array<i32>} : memref<2048xi32, #tpu.memory_space<vmem>>, vector<16xi32>,
    %add3A_1639 = arith.constant 112 : i32
    %add3A_1640 = arith.addi %add3A_1578, %add3A_1639 : i32
    %add3A_1641 = vector.broadcast %add3A_1640 : i32 to vector<16xi32>
    %add3A_1642 = arith.addi %add3A_1641, %iota3A : vector<16xi32>
    %eq3A_1643 = arith.cmpi eq, %get3A_1638, %add3A_1642 : vector<16xi32>
    %and3A_1644 = arith.andi %and3A_1636, %eq3A_1643 : vector<16xi1>
    %get3A_1645 = arith.constant 1920 : index
    %get3A_1646 = tpu.vector_load %arg6[%get3A_1645] {strides = array<i32>} : memref<2048xi32, #tpu.memory_space<vmem>>, vector<16xi32>,
    %reduce_min3A_1647 = arith.constant true
    %reduce_min3A_1648 = vector.broadcast %reduce_min3A_1647 : i1 to vector<16xi1>
    %reduce_min3A_1649 = arith.constant -2147483648 : i32
    %reduce_min3A_1650 = vector.broadcast %reduce_min3A_1649 : i32 to vector<16xi32>
    %reduce_min3A_1651 = arith.xori %get3A_1646, %reduce_min3A_1650 : vector<16xi32>
    %reduce_min3A_1652 = tpu.scan <min>, %reduce_min3A_1651 masked %reduce_min3A_1648 : vector<16xi32>, vector<16xi1> -> vector<16xi32>
    %reduce_min3A_1653 = arith.xori %reduce_min3A_1652, %reduce_min3A_1650 : vector<16xi32>
    %reduce_min3A_1654 = vector.extract %reduce_min3A_1653[15] : i32 from vector<16xi32>
    %add3A_1655 = arith.constant 128 : i32
    %add3A_1656 = arith.addi %add3A_1578, %add3A_1655 : i32
    %ge3A_1657 = arith.constant 32768 : i32
    %ge3A_1658 = arith.cmpi sge, %add3A_1656, %ge3A_1657 : i32
    %add3A_1659 = arith.constant 128 : i32
    %add3A_1660 = arith.addi %add3A_1578, %add3A_1659 : i32
    %ge3A_1661 = arith.cmpi sge, %reduce_min3A_1654, %add3A_1660 : i32
    %or3A_1662 = arith.ori %ge3A_1658, %ge3A_1661 : i1
    %add3A_1663 = arith.constant 128 : i32
    %add3A_1664 = arith.addi %add3A_1578, %add3A_1663 : i32
    %le3A_1665 = arith.constant 32768 : i32
    %le3A_1666 = arith.cmpi sle, %add3A_1664, %le3A_1665 : i32
    %reduce_and3A_1667 = arith.constant 1.000000e+00 : f32
    %reduce_and3A_1668 = arith.constant 0.000000e+00 : f32
    %reduce_and3A_1669 = vector.broadcast %reduce_and3A_1667 : f32 to vector<16xf32>
    %reduce_and3A_1670 = vector.broadcast %reduce_and3A_1668 : f32 to vector<16xf32>
    %reduce_and3A_1671 = arith.select %and3A_1644, %reduce_and3A_1669, %reduce_and3A_1670 : vector<16xi1>, vector<16xf32>
    %reduce_and3A_1672 = arith.constant true
    %reduce_and3A_1673 = vector.broadcast %reduce_and3A_1672 : i1 to vector<16xi1>
    %reduce_and3A_1674 = tpu.scan <min>, %reduce_and3A_1671 masked %reduce_and3A_1673 : vector<16xf32>, vector<16xi1> -> vector<16xf32>
    %reduce_and3A_1675 = vector.extract %reduce_and3A_1674[15] : f32 from vector<16xf32>
    %reduce_and3A_1676 = arith.constant 0.000000e+00 : f32
    %reduce_and3A_1677 = arith.cmpf ogt, %reduce_and3A_1675, %reduce_and3A_1676 : f32
    %and3A_1678 = arith.andi %reduce_and3A_1677, %or3A_1662 : i1
    %le3A_1679 = arith.cmpi sle, %reduce_max3A_16, %add3A_1578 : i32
    %select_n3A_1680 = arith.select %le3A_1666, %and3A_1678, %le3A_1679 : i1
    %eq3A_1681 = arith.constant 14 : i32
    %eq3A_1682 = vector.broadcast %eq3A_1681 : i32 to vector<16xi32>
    %eq3A_1683 = arith.cmpi eq, %iota3A, %eq3A_1682 : vector<16xi32>
    %jit3A_1684 = arith.constant 1 : i32
    %jit3A_1685 = arith.constant 0 : i32
    %select_n3A_1686 = arith.select %select_n3A_1680, %jit3A_1684, %jit3A_1685 : i32
    %broadcast_in_dim3A_1687 = vector.broadcast %select_n3A_1686 : i32 to vector<16xi32>
    %select_n3A_1688 = arith.select %eq3A_1683, %broadcast_in_dim3A_1687, %select_n3A_1576 : vector<16xi1>, vector<16xi32>
    %add3A_1689 = arith.constant 1920 : i32
    %add3A_1690 = arith.addi %mul3A_2, %add3A_1689 : i32
    %broadcast_in_dim3A_1691 = arith.constant true
    %broadcast_in_dim3A_1692 = vector.broadcast %broadcast_in_dim3A_1691 : i1 to vector<16xi1>
    %get3A_1693 = arith.constant 1920 : index
    %get3A_1694 = tpu.vector_load %arg6[%get3A_1693] {strides = array<i32>} : memref<2048xi32, #tpu.memory_space<vmem>>, vector<16xi32>,
    %add3A_1695 = arith.constant 0 : i32
    %add3A_1696 = arith.addi %add3A_1690, %add3A_1695 : i32
    %add3A_1697 = vector.broadcast %add3A_1696 : i32 to vector<16xi32>
    %add3A_1698 = arith.addi %add3A_1697, %iota3A : vector<16xi32>
    %eq3A_1699 = arith.cmpi eq, %get3A_1694, %add3A_1698 : vector<16xi32>
    %and3A_1700 = arith.andi %broadcast_in_dim3A_1692, %eq3A_1699 : vector<16xi1>
    %get3A_1701 = arith.constant 1936 : index
    %get3A_1702 = tpu.vector_load %arg6[%get3A_1701] {strides = array<i32>} : memref<2048xi32, #tpu.memory_space<vmem>>, vector<16xi32>,
    %add3A_1703 = arith.constant 16 : i32
    %add3A_1704 = arith.addi %add3A_1690, %add3A_1703 : i32
    %add3A_1705 = vector.broadcast %add3A_1704 : i32 to vector<16xi32>
    %add3A_1706 = arith.addi %add3A_1705, %iota3A : vector<16xi32>
    %eq3A_1707 = arith.cmpi eq, %get3A_1702, %add3A_1706 : vector<16xi32>
    %and3A_1708 = arith.andi %and3A_1700, %eq3A_1707 : vector<16xi1>
    %get3A_1709 = arith.constant 1952 : index
    %get3A_1710 = tpu.vector_load %arg6[%get3A_1709] {strides = array<i32>} : memref<2048xi32, #tpu.memory_space<vmem>>, vector<16xi32>,
    %add3A_1711 = arith.constant 32 : i32
    %add3A_1712 = arith.addi %add3A_1690, %add3A_1711 : i32
    %add3A_1713 = vector.broadcast %add3A_1712 : i32 to vector<16xi32>
    %add3A_1714 = arith.addi %add3A_1713, %iota3A : vector<16xi32>
    %eq3A_1715 = arith.cmpi eq, %get3A_1710, %add3A_1714 : vector<16xi32>
    %and3A_1716 = arith.andi %and3A_1708, %eq3A_1715 : vector<16xi1>
    %get3A_1717 = arith.constant 1968 : index
    %get3A_1718 = tpu.vector_load %arg6[%get3A_1717] {strides = array<i32>} : memref<2048xi32, #tpu.memory_space<vmem>>, vector<16xi32>,
    %add3A_1719 = arith.constant 48 : i32
    %add3A_1720 = arith.addi %add3A_1690, %add3A_1719 : i32
    %add3A_1721 = vector.broadcast %add3A_1720 : i32 to vector<16xi32>
    %add3A_1722 = arith.addi %add3A_1721, %iota3A : vector<16xi32>
    %eq3A_1723 = arith.cmpi eq, %get3A_1718, %add3A_1722 : vector<16xi32>
    %and3A_1724 = arith.andi %and3A_1716, %eq3A_1723 : vector<16xi1>
    %get3A_1725 = arith.constant 1984 : index
    %get3A_1726 = tpu.vector_load %arg6[%get3A_1725] {strides = array<i32>} : memref<2048xi32, #tpu.memory_space<vmem>>, vector<16xi32>,
    %add3A_1727 = arith.constant 64 : i32
    %add3A_1728 = arith.addi %add3A_1690, %add3A_1727 : i32
    %add3A_1729 = vector.broadcast %add3A_1728 : i32 to vector<16xi32>
    %add3A_1730 = arith.addi %add3A_1729, %iota3A : vector<16xi32>
    %eq3A_1731 = arith.cmpi eq, %get3A_1726, %add3A_1730 : vector<16xi32>
    %and3A_1732 = arith.andi %and3A_1724, %eq3A_1731 : vector<16xi1>
    %get3A_1733 = arith.constant 2000 : index
    %get3A_1734 = tpu.vector_load %arg6[%get3A_1733] {strides = array<i32>} : memref<2048xi32, #tpu.memory_space<vmem>>, vector<16xi32>,
    %add3A_1735 = arith.constant 80 : i32
    %add3A_1736 = arith.addi %add3A_1690, %add3A_1735 : i32
    %add3A_1737 = vector.broadcast %add3A_1736 : i32 to vector<16xi32>
    %add3A_1738 = arith.addi %add3A_1737, %iota3A : vector<16xi32>
    %eq3A_1739 = arith.cmpi eq, %get3A_1734, %add3A_1738 : vector<16xi32>
    %and3A_1740 = arith.andi %and3A_1732, %eq3A_1739 : vector<16xi1>
    %get3A_1741 = arith.constant 2016 : index
    %get3A_1742 = tpu.vector_load %arg6[%get3A_1741] {strides = array<i32>} : memref<2048xi32, #tpu.memory_space<vmem>>, vector<16xi32>,
    %add3A_1743 = arith.constant 96 : i32
    %add3A_1744 = arith.addi %add3A_1690, %add3A_1743 : i32
    %add3A_1745 = vector.broadcast %add3A_1744 : i32 to vector<16xi32>
    %add3A_1746 = arith.addi %add3A_1745, %iota3A : vector<16xi32>
    %eq3A_1747 = arith.cmpi eq, %get3A_1742, %add3A_1746 : vector<16xi32>
    %and3A_1748 = arith.andi %and3A_1740, %eq3A_1747 : vector<16xi1>
    %get3A_1749 = arith.constant 2032 : index
    %get3A_1750 = tpu.vector_load %arg6[%get3A_1749] {strides = array<i32>} : memref<2048xi32, #tpu.memory_space<vmem>>, vector<16xi32>,
    %add3A_1751 = arith.constant 112 : i32
    %add3A_1752 = arith.addi %add3A_1690, %add3A_1751 : i32
    %add3A_1753 = vector.broadcast %add3A_1752 : i32 to vector<16xi32>
    %add3A_1754 = arith.addi %add3A_1753, %iota3A : vector<16xi32>
    %eq3A_1755 = arith.cmpi eq, %get3A_1750, %add3A_1754 : vector<16xi32>
    %and3A_1756 = arith.andi %and3A_1748, %eq3A_1755 : vector<16xi1>
    %reduce_min3A_1757 = arith.constant true
    %reduce_min3A_1758 = vector.broadcast %reduce_min3A_1757 : i1 to vector<16xi1>
    %reduce_min3A_1759 = arith.constant -2147483648 : i32
    %reduce_min3A_1760 = vector.broadcast %reduce_min3A_1759 : i32 to vector<16xi32>
    %reduce_min3A_1761 = arith.xori %get3A_9, %reduce_min3A_1760 : vector<16xi32>
    %reduce_min3A_1762 = tpu.scan <min>, %reduce_min3A_1761 masked %reduce_min3A_1758 : vector<16xi32>, vector<16xi1> -> vector<16xi32>
    %reduce_min3A_1763 = arith.xori %reduce_min3A_1762, %reduce_min3A_1760 : vector<16xi32>
    %reduce_min3A_1764 = vector.extract %reduce_min3A_1763[15] : i32 from vector<16xi32>
    %add3A_1765 = arith.constant 128 : i32
    %add3A_1766 = arith.addi %add3A_1690, %add3A_1765 : i32
    %ge3A_1767 = arith.constant 32768 : i32
    %ge3A_1768 = arith.cmpi sge, %add3A_1766, %ge3A_1767 : i32
    %add3A_1769 = arith.constant 128 : i32
    %add3A_1770 = arith.addi %add3A_1690, %add3A_1769 : i32
    %ge3A_1771 = arith.cmpi sge, %reduce_min3A_1764, %add3A_1770 : i32
    %or3A_1772 = arith.ori %ge3A_1768, %ge3A_1771 : i1
    %add3A_1773 = arith.constant 128 : i32
    %add3A_1774 = arith.addi %add3A_1690, %add3A_1773 : i32
    %le3A_1775 = arith.constant 32768 : i32
    %le3A_1776 = arith.cmpi sle, %add3A_1774, %le3A_1775 : i32
    %reduce_and3A_1777 = arith.constant 1.000000e+00 : f32
    %reduce_and3A_1778 = arith.constant 0.000000e+00 : f32
    %reduce_and3A_1779 = vector.broadcast %reduce_and3A_1777 : f32 to vector<16xf32>
    %reduce_and3A_1780 = vector.broadcast %reduce_and3A_1778 : f32 to vector<16xf32>
    %reduce_and3A_1781 = arith.select %and3A_1756, %reduce_and3A_1779, %reduce_and3A_1780 : vector<16xi1>, vector<16xf32>
    %reduce_and3A_1782 = arith.constant true
    %reduce_and3A_1783 = vector.broadcast %reduce_and3A_1782 : i1 to vector<16xi1>
    %reduce_and3A_1784 = tpu.scan <min>, %reduce_and3A_1781 masked %reduce_and3A_1783 : vector<16xf32>, vector<16xi1> -> vector<16xf32>
    %reduce_and3A_1785 = vector.extract %reduce_and3A_1784[15] : f32 from vector<16xf32>
    %reduce_and3A_1786 = arith.constant 0.000000e+00 : f32
    %reduce_and3A_1787 = arith.cmpf ogt, %reduce_and3A_1785, %reduce_and3A_1786 : f32
    %and3A_1788 = arith.andi %reduce_and3A_1787, %or3A_1772 : i1
    %le3A_1789 = arith.cmpi sle, %reduce_max3A_16, %add3A_1690 : i32
    %select_n3A_1790 = arith.select %le3A_1776, %and3A_1788, %le3A_1789 : i1
    %eq3A_1791 = arith.constant 15 : i32
    %eq3A_1792 = vector.broadcast %eq3A_1791 : i32 to vector<16xi32>
    %eq3A_1793 = arith.cmpi eq, %iota3A, %eq3A_1792 : vector<16xi32>
    %jit3A_1794 = arith.constant 1 : i32
    %jit3A_1795 = arith.constant 0 : i32
    %select_n3A_1796 = arith.select %select_n3A_1790, %jit3A_1794, %jit3A_1795 : i32
    %broadcast_in_dim3A_1797 = vector.broadcast %select_n3A_1796 : i32 to vector<16xi32>
    %select_n3A_1798 = arith.select %eq3A_1793, %broadcast_in_dim3A_1797, %select_n3A_1688 : vector<16xi1>, vector<16xi32>
    %swap3A = arith.constant 0 : index
    %swap3A_1799 = tpu.vector_load %arg8[%swap3A] {strides = array<i32>} : memref<16xi32, #tpu.memory_space<vmem>>, vector<16xi32>,
    tpu.vector_store %arg8[%swap3A], %select_n3A_1798 {strides = array<i32>} : memref<16xi32, #tpu.memory_space<vmem>>, vector<16xi32>,
    %eq3A_1800 = arith.constant 1 : i32
    %eq3A_1801 = vector.broadcast %eq3A_1800 : i32 to vector<16xi32>
    %eq3A_1802 = arith.cmpi eq, %select_n3A_1798, %eq3A_1801 : vector<16xi32>
    %reduce_and3A_1803 = arith.constant 1.000000e+00 : f32
    %reduce_and3A_1804 = arith.constant 0.000000e+00 : f32
    %reduce_and3A_1805 = vector.broadcast %reduce_and3A_1803 : f32 to vector<16xf32>
    %reduce_and3A_1806 = vector.broadcast %reduce_and3A_1804 : f32 to vector<16xf32>
    %reduce_and3A_1807 = arith.select %eq3A_1802, %reduce_and3A_1805, %reduce_and3A_1806 : vector<16xi1>, vector<16xf32>
    %reduce_and3A_1808 = arith.constant true
    %reduce_and3A_1809 = vector.broadcast %reduce_and3A_1808 : i1 to vector<16xi1>
    %reduce_and3A_1810 = tpu.scan <min>, %reduce_and3A_1807 masked %reduce_and3A_1809 : vector<16xf32>, vector<16xi1> -> vector<16xf32>
    %reduce_and3A_1811 = vector.extract %reduce_and3A_1810[15] : f32 from vector<16xf32>
    %reduce_and3A_1812 = arith.constant 0.000000e+00 : f32
    %reduce_and3A_1813 = arith.cmpf ogt, %reduce_and3A_1811, %reduce_and3A_1812 : f32
    %not3A = arith.constant true
    %not3A_1814 = arith.xori %reduce_and3A_1813, %not3A : i1
    %convert_element_type3A = arith.extui %not3A_1814 : i1 to i32
    %cond3A = arith.constant 0 : i32
    %cond3A_1815 = arith.cmpi ne, %convert_element_type3A, %cond3A : i32
    scf.if %cond3A_1815 {
      "tpu.region"() ({
        %run_scoped3A = tpu.sem_alloc : memref<!tpu.dma_semaphore, #tpu.memory_space<semaphore_mem>>
        tpu.enqueue_dma source(%arg4 : memref<32768xi32, #tpu.memory_space<hbm>>) target(%arg9 : memref<32768xi32, #tpu.memory_space<vmem>>) target_semaphore(%run_scoped3A : memref<!tpu.dma_semaphore, #tpu.memory_space<semaphore_mem>>)
        tpu.wait_dma2 semaphore(%run_scoped3A : memref<!tpu.dma_semaphore, #tpu.memory_space<semaphore_mem>>) src(%arg4 : memref<32768xi32, #tpu.memory_space<hbm>>) dst(%arg9 : memref<32768xi32, #tpu.memory_space<vmem>>)
        tpu.yield
      }) : () -> ()
      %scan3A = arith.constant 0 : i32
      %scan3A_1816 = arith.constant 0 : i32
      %scan3A_1817 = arith.constant 16 : i32
      %scan3A_1818 = arith.addi %scan3A_1816, %scan3A_1817 : i32
      %scan3A_1819 = arith.constant 1 : i32
      scf.for %scan3A_1821 = %scan3A_1816 to %scan3A_1818 step %scan3A_1819  : i32 {
        %broadcast_in_dim3A_1822 = vector.broadcast %scan3A_1821 : i32 to vector<16xi32>
        %gather3A = tpu.vector_load_idx %arg8[%broadcast_in_dim3A_1822] : memref<16xi32, #tpu.memory_space<vmem>>[vector<16xi32>], vector<16xi32>,
        %reduce_max3A_1823 = arith.constant true
        %reduce_max3A_1824 = vector.broadcast %reduce_max3A_1823 : i1 to vector<16xi1>
        %reduce_max3A_1825 = arith.constant -2147483648 : i32
        %reduce_max3A_1826 = vector.broadcast %reduce_max3A_1825 : i32 to vector<16xi32>
        %reduce_max3A_1827 = arith.xori %gather3A, %reduce_max3A_1826 : vector<16xi32>
        %reduce_max3A_1828 = tpu.scan <max>, %reduce_max3A_1827 masked %reduce_max3A_1824 : vector<16xi32>, vector<16xi1> -> vector<16xi32>
        %reduce_max3A_1829 = arith.xori %reduce_max3A_1828, %reduce_max3A_1826 : vector<16xi32>
        %reduce_max3A_1830 = vector.extract %reduce_max3A_1829[15] : i32 from vector<16xi32>
        %eq3A_1831 = arith.constant 0 : i32
        %eq3A_1832 = arith.cmpi eq, %reduce_max3A_1830, %eq3A_1831 : i32
        %mul3A_1833 = arith.constant 128 : i32
        %mul3A_1834 = arith.muli %scan3A_1821, %mul3A_1833 : i32
        %add3A_1835 = arith.addi %mul3A_2, %mul3A_1834 : i32
        %convert_element_type3A_1836 = arith.extui %eq3A_1832 : i1 to i32
        %cond3A_1837 = arith.constant 0 : i32
        %cond3A_1838 = arith.cmpi ne, %convert_element_type3A_1836, %cond3A_1837 : i32
        scf.if %cond3A_1838 {
          %broadcast_in_dim3A_1839 = vector.broadcast %add3A_1835 : i32 to vector<16xi32>
          %broadcast_in_dim3A_1840 = arith.constant 0 : i32
          %broadcast_in_dim3A_1841 = vector.broadcast %broadcast_in_dim3A_1840 : i32 to vector<16xi32>
          %broadcast_in_dim3A_1842 = arith.constant 32768 : i32
          %broadcast_in_dim3A_1843 = vector.broadcast %broadcast_in_dim3A_1842 : i32 to vector<16xi32>
          %scan3A_1844 = arith.constant 0 : i32
          %scan3A_1845 = arith.constant 15 : i32
          %scan3A_1846 = arith.addi %scan3A_1844, %scan3A_1845 : i32
          %scan3A_1847 = arith.constant 1 : i32
          %scan3A_1848:2 = scf.for %scan3A_1925 = %scan3A_1844 to %scan3A_1846 step %scan3A_1847 iter_args(%scan3A_1926 = %broadcast_in_dim3A_1841, %scan3A_1927 = %broadcast_in_dim3A_1843) -> (vector<16xi32>, vector<16xi32>)  : i32 {
            %add3A_1928 = arith.addi %scan3A_1926, %scan3A_1927 : vector<16xi32>
            %shift_right_arithmetic3A = arith.constant 1 : i32
            %shift_right_arithmetic3A_1929 = vector.broadcast %shift_right_arithmetic3A : i32 to vector<16xi32>
            %shift_right_arithmetic3A_1930 = arith.shrsi %add3A_1928, %shift_right_arithmetic3A_1929 : vector<16xi32>
            %gather3A_1931 = tpu.vector_load_idx %arg9[%shift_right_arithmetic3A_1930] : memref<32768xi32, #tpu.memory_space<vmem>>[vector<16xi32>], vector<16xi32>,
            %le3A_1932 = arith.cmpi sle, %gather3A_1931, %broadcast_in_dim3A_1839 : vector<16xi32>
            %select_n3A_1933 = arith.select %le3A_1932, %shift_right_arithmetic3A_1930, %scan3A_1926 : vector<16xi1>, vector<16xi32>
            %select_n3A_1934 = arith.select %le3A_1932, %scan3A_1927, %shift_right_arithmetic3A_1930 : vector<16xi1>, vector<16xi32>
            scf.yield %select_n3A_1933, %select_n3A_1934 : vector<16xi32>, vector<16xi32>
          }
          %scan3A_1849 = arith.constant 15 : i32
          %reduce_max3A_1850 = arith.constant true
          %reduce_max3A_1851 = vector.broadcast %reduce_max3A_1850 : i1 to vector<16xi1>
          %reduce_max3A_1852 = arith.constant -2147483648 : i32
          %reduce_max3A_1853 = vector.broadcast %reduce_max3A_1852 : i32 to vector<16xi32>
          %reduce_max3A_1854 = arith.xori %scan3A_1848#0, %reduce_max3A_1853 : vector<16xi32>
          %reduce_max3A_1855 = tpu.scan <max>, %reduce_max3A_1854 masked %reduce_max3A_1851 : vector<16xi32>, vector<16xi1> -> vector<16xi32>
          %reduce_max3A_1856 = arith.xori %reduce_max3A_1855, %reduce_max3A_1853 : vector<16xi32>
          %reduce_max3A_1857 = vector.extract %reduce_max3A_1856[15] : i32 from vector<16xi32>
          %add3A_1858 = arith.constant 1 : i32
          %add3A_1859 = vector.broadcast %add3A_1858 : i32 to vector<16xi32>
          %add3A_1860 = arith.addi %scan3A_1848#0, %add3A_1859 : vector<16xi32>
          %min3A_1861 = arith.constant 32767 : i32
          %min3A_1862 = vector.broadcast %min3A_1861 : i32 to vector<16xi32>
          %min3A_1863 = arith.minsi %add3A_1860, %min3A_1862 : vector<16xi32>
          %gather3A_1864 = tpu.vector_load_idx %arg9[%min3A_1863] : memref<32768xi32, #tpu.memory_space<vmem>>[vector<16xi32>], vector<16xi32>,
          %reduce_max3A_1865 = arith.constant true
          %reduce_max3A_1866 = vector.broadcast %reduce_max3A_1865 : i1 to vector<16xi1>
          %reduce_max3A_1867 = arith.constant -2147483648 : i32
          %reduce_max3A_1868 = vector.broadcast %reduce_max3A_1867 : i32 to vector<16xi32>
          %reduce_max3A_1869 = arith.xori %gather3A_1864, %reduce_max3A_1868 : vector<16xi32>
          %reduce_max3A_1870 = tpu.scan <max>, %reduce_max3A_1869 masked %reduce_max3A_1866 : vector<16xi32>, vector<16xi1> -> vector<16xi32>
          %reduce_max3A_1871 = arith.xori %reduce_max3A_1870, %reduce_max3A_1868 : vector<16xi32>
          %reduce_max3A_1872 = vector.extract %reduce_max3A_1871[15] : i32 from vector<16xi32>
          %eq3A_1873 = arith.constant 32767 : i32
          %eq3A_1874 = arith.cmpi eq, %reduce_max3A_1857, %eq3A_1873 : i32
          %add3A_1875 = arith.constant 127 : i32
          %add3A_1876 = arith.addi %add3A_1835, %add3A_1875 : i32
          %lt3A = arith.cmpi slt, %add3A_1876, %reduce_max3A_1872 : i32
          %or3A_1877 = arith.ori %eq3A_1874, %lt3A : i1
          %broadcast_in_dim3A_1878 = arith.constant true
          %broadcast_in_dim3A_1879 = vector.broadcast %broadcast_in_dim3A_1878 : i1 to vector<16xi1>
          %scan3A_1880 = arith.constant 0 : i32
          %scan3A_1881 = arith.constant 128 : i32
          %scan3A_1882 = arith.addi %scan3A_1880, %scan3A_1881 : i32
          %scan3A_1883 = arith.constant 1 : i32
          %scan3A_1884 = scf.for %scan3A_1925 = %scan3A_1880 to %scan3A_1882 step %scan3A_1883 iter_args(%scan3A_1926 = %broadcast_in_dim3A_1879) -> (vector<16xi1>)  : i32 {
            %add3A_1927 = vector.broadcast %scan3A_1925 : i32 to vector<16xi32>
            %add3A_1928 = arith.addi %scan3A_1848#0, %add3A_1927 : vector<16xi32>
            %add3A_1929 = arith.addi %add3A_1835, %scan3A_1925 : i32
            %min3A_1930 = arith.constant 32767 : i32
            %min3A_1931 = vector.broadcast %min3A_1930 : i32 to vector<16xi32>
            %min3A_1932 = arith.minsi %add3A_1928, %min3A_1931 : vector<16xi32>
            %gather3A_1933 = tpu.vector_load_idx %arg9[%min3A_1932] : memref<32768xi32, #tpu.memory_space<vmem>>[vector<16xi32>], vector<16xi32>,
            %add3A_1934 = arith.constant 1 : i32
            %add3A_1935 = vector.broadcast %add3A_1934 : i32 to vector<16xi32>
            %add3A_1936 = arith.addi %add3A_1928, %add3A_1935 : vector<16xi32>
            %min3A_1937 = arith.constant 32767 : i32
            %min3A_1938 = vector.broadcast %min3A_1937 : i32 to vector<16xi32>
            %min3A_1939 = arith.minsi %add3A_1936, %min3A_1938 : vector<16xi32>
            %gather3A_1940 = tpu.vector_load_idx %arg9[%min3A_1939] : memref<32768xi32, #tpu.memory_space<vmem>>[vector<16xi32>], vector<16xi32>,
            %add3A_1941 = arith.constant 1 : i32
            %add3A_1942 = vector.broadcast %add3A_1941 : i32 to vector<16xi32>
            %add3A_1943 = arith.addi %add3A_1928, %add3A_1942 : vector<16xi32>
            %gt3A = arith.constant 32767 : i32
            %gt3A_1944 = vector.broadcast %gt3A : i32 to vector<16xi32>
            %gt3A_1945 = arith.cmpi sgt, %add3A_1943, %gt3A_1944 : vector<16xi32>
            %jit3A_1946 = arith.constant 65536 : i32
            %broadcast_in_dim3A_1947 = vector.broadcast %jit3A_1946 : i32 to vector<16xi32>
            %select_n3A_1948 = arith.select %gt3A_1945, %broadcast_in_dim3A_1947, %gather3A_1940 : vector<16xi1>, vector<16xi32>
            %le3A_1949 = vector.broadcast %add3A_1929 : i32 to vector<16xi32>
            %le3A_1950 = arith.cmpi sle, %gather3A_1933, %le3A_1949 : vector<16xi32>
            %gt3A_1951 = vector.broadcast %add3A_1929 : i32 to vector<16xi32>
            %gt3A_1952 = arith.cmpi sgt, %select_n3A_1948, %gt3A_1951 : vector<16xi32>
            %and3A_1953 = arith.andi %le3A_1950, %gt3A_1952 : vector<16xi1>
            %and3A_1954 = arith.andi %scan3A_1926, %and3A_1953 : vector<16xi1>
            scf.yield %and3A_1954 : vector<16xi1>
          }
          %scan3A_1885 = arith.constant 128 : i32
          %reduce_and3A_1886 = arith.constant 1.000000e+00 : f32
          %reduce_and3A_1887 = arith.constant 0.000000e+00 : f32
          %reduce_and3A_1888 = vector.broadcast %reduce_and3A_1886 : f32 to vector<16xf32>
          %reduce_and3A_1889 = vector.broadcast %reduce_and3A_1887 : f32 to vector<16xf32>
          %reduce_and3A_1890 = arith.select %scan3A_1884, %reduce_and3A_1888, %reduce_and3A_1889 : vector<16xi1>, vector<16xf32>
          %reduce_and3A_1891 = arith.constant true
          %reduce_and3A_1892 = vector.broadcast %reduce_and3A_1891 : i1 to vector<16xi1>
          %reduce_and3A_1893 = tpu.scan <min>, %reduce_and3A_1890 masked %reduce_and3A_1892 : vector<16xf32>, vector<16xi1> -> vector<16xf32>
          %reduce_and3A_1894 = vector.extract %reduce_and3A_1893[15] : f32 from vector<16xf32>
          %reduce_and3A_1895 = arith.constant 0.000000e+00 : f32
          %reduce_and3A_1896 = arith.cmpf ogt, %reduce_and3A_1894, %reduce_and3A_1895 : f32
          %add3A_1897 = arith.constant 127 : i32
          %add3A_1898 = arith.addi %reduce_max3A_1857, %add3A_1897 : i32
          %le3A_1899 = arith.constant 32767 : i32
          %le3A_1900 = arith.cmpi sle, %add3A_1898, %le3A_1899 : i32
          %and3A_1901 = arith.andi %reduce_and3A_1896, %le3A_1900 : i1
          %and3A_1902 = arith.constant 7 : i32
          %and3A_1903 = arith.andi %reduce_max3A_1857, %and3A_1902 : i32
          %eq3A_1904 = arith.constant 0 : i32
          %eq3A_1905 = arith.cmpi eq, %and3A_1903, %eq3A_1904 : i32
          %and3A_1906 = arith.andi %and3A_1901, %eq3A_1905 : i1
          %multiple_of3A_1907 = tpu.assume_multiple %add3A_1835, 8 : i32
          %convert_element_type3A_1908 = arith.extui %and3A_1906 : i1 to i32
          %cond3A_1909 = arith.constant 0 : i32
          %cond3A_1910 = arith.cmpi ne, %convert_element_type3A_1908, %cond3A_1909 : i32
          scf.if %cond3A_1910 {
            %multiple_of3A_1925 = tpu.assume_multiple %reduce_max3A_1857, 8 : i32
            "tpu.region"() ({
              %run_scoped3A = tpu.sem_alloc : memref<!tpu.dma_semaphore, #tpu.memory_space<semaphore_mem>>
              %dma_start3A = arith.constant 0 : i32
              %dma_start3A_1926 = tpu.memref_slice %arg3[%multiple_of3A_1925, %dma_start3A] : memref<32768x256xf32, #tpu.memory_space<hbm>> -> memref<128x256xf32, #tpu.memory_space<hbm>>
              %dma_start3A_1927 = arith.constant 0 : i32
              %dma_start3A_1928 = tpu.memref_slice %arg3[%multiple_of3A_1925, %dma_start3A_1927] : memref<32768x256xf32, #tpu.memory_space<hbm>> -> memref<128x256xf32, #tpu.memory_space<hbm>>
              tpu.enqueue_dma source(%dma_start3A_1928 : memref<128x256xf32, #tpu.memory_space<hbm>>) target(%arg11 : memref<128x256xf32, #tpu.memory_space<vmem>>) target_semaphore(%run_scoped3A : memref<!tpu.dma_semaphore, #tpu.memory_space<semaphore_mem>>)
              %dma_wait3A = arith.constant 0 : i32
              %dma_wait3A_1929 = tpu.memref_slice %arg3[%multiple_of3A_1925, %dma_wait3A] : memref<32768x256xf32, #tpu.memory_space<hbm>> -> memref<128x256xf32, #tpu.memory_space<hbm>>
              %dma_wait3A_1930 = arith.constant 0 : i32
              %dma_wait3A_1931 = tpu.memref_slice %arg3[%multiple_of3A_1925, %dma_wait3A_1930] : memref<32768x256xf32, #tpu.memory_space<hbm>> -> memref<128x256xf32, #tpu.memory_space<hbm>>
              tpu.wait_dma2 semaphore(%run_scoped3A : memref<!tpu.dma_semaphore, #tpu.memory_space<semaphore_mem>>) src(%dma_wait3A_1931 : memref<128x256xf32, #tpu.memory_space<hbm>>) dst(%arg11 : memref<128x256xf32, #tpu.memory_space<vmem>>)
              tpu.yield
            }) : () -> ()
            "tpu.region"() ({
              %run_scoped3A = tpu.sem_alloc : memref<!tpu.dma_semaphore, #tpu.memory_space<semaphore_mem>>
              %dma_start3A = arith.constant 0 : i32
              %dma_start3A_1926 = tpu.memref_slice %arg2[%multiple_of3A_1907, %dma_start3A] : memref<65536x256xf32, #tpu.memory_space<hbm>> -> memref<128x256xf32, #tpu.memory_space<hbm>>
              %dma_start3A_1927 = arith.constant 0 : i32
              %dma_start3A_1928 = tpu.memref_slice %arg2[%multiple_of3A_1907, %dma_start3A_1927] : memref<65536x256xf32, #tpu.memory_space<hbm>> -> memref<128x256xf32, #tpu.memory_space<hbm>>
              tpu.enqueue_dma source(%arg11 : memref<128x256xf32, #tpu.memory_space<vmem>>) target(%dma_start3A_1928 : memref<128x256xf32, #tpu.memory_space<hbm>>) target_semaphore(%run_scoped3A : memref<!tpu.dma_semaphore, #tpu.memory_space<semaphore_mem>>)
              %dma_wait3A = arith.constant 0 : i32
              %dma_wait3A_1929 = tpu.memref_slice %arg2[%multiple_of3A_1907, %dma_wait3A] : memref<65536x256xf32, #tpu.memory_space<hbm>> -> memref<128x256xf32, #tpu.memory_space<hbm>>
              %dma_wait3A_1930 = arith.constant 0 : i32
              %dma_wait3A_1931 = tpu.memref_slice %arg2[%multiple_of3A_1907, %dma_wait3A_1930] : memref<65536x256xf32, #tpu.memory_space<hbm>> -> memref<128x256xf32, #tpu.memory_space<hbm>>
              tpu.wait_dma2 semaphore(%run_scoped3A : memref<!tpu.dma_semaphore, #tpu.memory_space<semaphore_mem>>) src(%arg11 : memref<128x256xf32, #tpu.memory_space<vmem>>) dst(%dma_wait3A_1931 : memref<128x256xf32, #tpu.memory_space<hbm>>)
              tpu.yield
            }) : () -> ()
          } else {
          }
          %not3A_1911 = arith.constant true
          %not3A_1912 = arith.xori %and3A_1906, %not3A_1911 : i1
          %and3A_1913 = arith.andi %not3A_1912, %or3A_1877 : i1
          %convert_element_type3A_1914 = arith.extui %and3A_1913 : i1 to i32
          %cond3A_1915 = arith.constant 0 : i32
          %cond3A_1916 = arith.cmpi ne, %convert_element_type3A_1914, %cond3A_1915 : i32
          scf.if %cond3A_1916 {
            %shift_right_arithmetic3A = arith.constant 3 : i32
            %shift_right_arithmetic3A_1925 = arith.shrsi %reduce_max3A_1857, %shift_right_arithmetic3A : i32
            %shift_left3A = arith.constant 3 : i32
            %shift_left3A_1926 = arith.shli %shift_right_arithmetic3A_1925, %shift_left3A : i32
            %multiple_of3A_1927 = tpu.assume_multiple %shift_left3A_1926, 8 : i32
            "tpu.region"() ({
              %run_scoped3A = tpu.sem_alloc : memref<!tpu.dma_semaphore, #tpu.memory_space<semaphore_mem>>
              %dma_start3A = arith.constant 0 : i32
              %dma_start3A_1934 = tpu.memref_slice %arg3[%multiple_of3A_1927, %dma_start3A] : memref<32768x256xf32, #tpu.memory_space<hbm>> -> memref<8x256xf32, #tpu.memory_space<hbm>>
              %dma_start3A_1935 = arith.constant 0 : i32
              %dma_start3A_1936 = tpu.memref_slice %arg3[%multiple_of3A_1927, %dma_start3A_1935] : memref<32768x256xf32, #tpu.memory_space<hbm>> -> memref<8x256xf32, #tpu.memory_space<hbm>>
              tpu.enqueue_dma source(%dma_start3A_1936 : memref<8x256xf32, #tpu.memory_space<hbm>>) target(%arg12 : memref<8x256xf32, #tpu.memory_space<vmem>>) target_semaphore(%run_scoped3A : memref<!tpu.dma_semaphore, #tpu.memory_space<semaphore_mem>>)
              %dma_wait3A = arith.constant 0 : i32
              %dma_wait3A_1937 = tpu.memref_slice %arg3[%multiple_of3A_1927, %dma_wait3A] : memref<32768x256xf32, #tpu.memory_space<hbm>> -> memref<8x256xf32, #tpu.memory_space<hbm>>
              %dma_wait3A_1938 = arith.constant 0 : i32
              %dma_wait3A_1939 = tpu.memref_slice %arg3[%multiple_of3A_1927, %dma_wait3A_1938] : memref<32768x256xf32, #tpu.memory_space<hbm>> -> memref<8x256xf32, #tpu.memory_space<hbm>>
              tpu.wait_dma2 semaphore(%run_scoped3A : memref<!tpu.dma_semaphore, #tpu.memory_space<semaphore_mem>>) src(%dma_wait3A_1939 : memref<8x256xf32, #tpu.memory_space<hbm>>) dst(%arg12 : memref<8x256xf32, #tpu.memory_space<vmem>>)
              tpu.yield
            }) : () -> ()
            %sub3A = arith.subi %reduce_max3A_1857, %multiple_of3A_1927 : i32
            %scan3A_1928 = arith.constant 0 : i32
            %scan3A_1929 = arith.constant 0 : i32
            %scan3A_1930 = arith.constant 128 : i32
            %scan3A_1931 = arith.addi %scan3A_1929, %scan3A_1930 : i32
            %scan3A_1932 = arith.constant 1 : i32
            scf.for %scan3A_1934 = %scan3A_1929 to %scan3A_1931 step %scan3A_1932  : i32 {
              %get3A_1935 = arith.index_cast %sub3A : i32 to index
              %get3A_1936 = arith.constant 0 : index
              %get3A_1937 = tpu.vector_load %arg12[%get3A_1935, %get3A_1936] {strides = array<i32>} : memref<8x256xf32, #tpu.memory_space<vmem>>, vector<16xf32>,
              %swap3A_1938 = arith.index_cast %scan3A_1934 : i32 to index
              %swap3A_1939 = arith.constant 0 : index
              %swap3A_1940 = tpu.vector_load %arg11[%swap3A_1938, %swap3A_1939] {strides = array<i32>} : memref<128x256xf32, #tpu.memory_space<vmem>>, vector<16xf32>,
              tpu.vector_store %arg11[%swap3A_1938, %swap3A_1939], %get3A_1937 {strides = array<i32>} : memref<128x256xf32, #tpu.memory_space<vmem>>, vector<16xf32>,
              %get3A_1941 = arith.index_cast %sub3A : i32 to index
              %get3A_1942 = arith.constant 16 : index
              %get3A_1943 = tpu.vector_load %arg12[%get3A_1941, %get3A_1942] {strides = array<i32>} : memref<8x256xf32, #tpu.memory_space<vmem>>, vector<16xf32>,
              %swap3A_1944 = arith.index_cast %scan3A_1934 : i32 to index
              %swap3A_1945 = arith.constant 16 : index
              %swap3A_1946 = tpu.vector_load %arg11[%swap3A_1944, %swap3A_1945] {strides = array<i32>} : memref<128x256xf32, #tpu.memory_space<vmem>>, vector<16xf32>,
              tpu.vector_store %arg11[%swap3A_1944, %swap3A_1945], %get3A_1943 {strides = array<i32>} : memref<128x256xf32, #tpu.memory_space<vmem>>, vector<16xf32>,
              %get3A_1947 = arith.index_cast %sub3A : i32 to index
              %get3A_1948 = arith.constant 32 : index
              %get3A_1949 = tpu.vector_load %arg12[%get3A_1947, %get3A_1948] {strides = array<i32>} : memref<8x256xf32, #tpu.memory_space<vmem>>, vector<16xf32>,
              %swap3A_1950 = arith.index_cast %scan3A_1934 : i32 to index
              %swap3A_1951 = arith.constant 32 : index
              %swap3A_1952 = tpu.vector_load %arg11[%swap3A_1950, %swap3A_1951] {strides = array<i32>} : memref<128x256xf32, #tpu.memory_space<vmem>>, vector<16xf32>,
              tpu.vector_store %arg11[%swap3A_1950, %swap3A_1951], %get3A_1949 {strides = array<i32>} : memref<128x256xf32, #tpu.memory_space<vmem>>, vector<16xf32>,
              %get3A_1953 = arith.index_cast %sub3A : i32 to index
              %get3A_1954 = arith.constant 48 : index
              %get3A_1955 = tpu.vector_load %arg12[%get3A_1953, %get3A_1954] {strides = array<i32>} : memref<8x256xf32, #tpu.memory_space<vmem>>, vector<16xf32>,
              %swap3A_1956 = arith.index_cast %scan3A_1934 : i32 to index
              %swap3A_1957 = arith.constant 48 : index
              %swap3A_1958 = tpu.vector_load %arg11[%swap3A_1956, %swap3A_1957] {strides = array<i32>} : memref<128x256xf32, #tpu.memory_space<vmem>>, vector<16xf32>,
              tpu.vector_store %arg11[%swap3A_1956, %swap3A_1957], %get3A_1955 {strides = array<i32>} : memref<128x256xf32, #tpu.memory_space<vmem>>, vector<16xf32>,
              %get3A_1959 = arith.index_cast %sub3A : i32 to index
              %get3A_1960 = arith.constant 64 : index
              %get3A_1961 = tpu.vector_load %arg12[%get3A_1959, %get3A_1960] {strides = array<i32>} : memref<8x256xf32, #tpu.memory_space<vmem>>, vector<16xf32>,
              %swap3A_1962 = arith.index_cast %scan3A_1934 : i32 to index
              %swap3A_1963 = arith.constant 64 : index
              %swap3A_1964 = tpu.vector_load %arg11[%swap3A_1962, %swap3A_1963] {strides = array<i32>} : memref<128x256xf32, #tpu.memory_space<vmem>>, vector<16xf32>,
              tpu.vector_store %arg11[%swap3A_1962, %swap3A_1963], %get3A_1961 {strides = array<i32>} : memref<128x256xf32, #tpu.memory_space<vmem>>, vector<16xf32>,
              %get3A_1965 = arith.index_cast %sub3A : i32 to index
              %get3A_1966 = arith.constant 80 : index
              %get3A_1967 = tpu.vector_load %arg12[%get3A_1965, %get3A_1966] {strides = array<i32>} : memref<8x256xf32, #tpu.memory_space<vmem>>, vector<16xf32>,
              %swap3A_1968 = arith.index_cast %scan3A_1934 : i32 to index
              %swap3A_1969 = arith.constant 80 : index
              %swap3A_1970 = tpu.vector_load %arg11[%swap3A_1968, %swap3A_1969] {strides = array<i32>} : memref<128x256xf32, #tpu.memory_space<vmem>>, vector<16xf32>,
              tpu.vector_store %arg11[%swap3A_1968, %swap3A_1969], %get3A_1967 {strides = array<i32>} : memref<128x256xf32, #tpu.memory_space<vmem>>, vector<16xf32>,
              %get3A_1971 = arith.index_cast %sub3A : i32 to index
              %get3A_1972 = arith.constant 96 : index
              %get3A_1973 = tpu.vector_load %arg12[%get3A_1971, %get3A_1972] {strides = array<i32>} : memref<8x256xf32, #tpu.memory_space<vmem>>, vector<16xf32>,
              %swap3A_1974 = arith.index_cast %scan3A_1934 : i32 to index
              %swap3A_1975 = arith.constant 96 : index
              %swap3A_1976 = tpu.vector_load %arg11[%swap3A_1974, %swap3A_1975] {strides = array<i32>} : memref<128x256xf32, #tpu.memory_space<vmem>>, vector<16xf32>,
              tpu.vector_store %arg11[%swap3A_1974, %swap3A_1975], %get3A_1973 {strides = array<i32>} : memref<128x256xf32, #tpu.memory_space<vmem>>, vector<16xf32>,
              %get3A_1977 = arith.index_cast %sub3A : i32 to index
              %get3A_1978 = arith.constant 112 : index
              %get3A_1979 = tpu.vector_load %arg12[%get3A_1977, %get3A_1978] {strides = array<i32>} : memref<8x256xf32, #tpu.memory_space<vmem>>, vector<16xf32>,
              %swap3A_1980 = arith.index_cast %scan3A_1934 : i32 to index
              %swap3A_1981 = arith.constant 112 : index
              %swap3A_1982 = tpu.vector_load %arg11[%swap3A_1980, %swap3A_1981] {strides = array<i32>} : memref<128x256xf32, #tpu.memory_space<vmem>>, vector<16xf32>,
              tpu.vector_store %arg11[%swap3A_1980, %swap3A_1981], %get3A_1979 {strides = array<i32>} : memref<128x256xf32, #tpu.memory_space<vmem>>, vector<16xf32>,
              %get3A_1983 = arith.index_cast %sub3A : i32 to index
              %get3A_1984 = arith.constant 128 : index
              %get3A_1985 = tpu.vector_load %arg12[%get3A_1983, %get3A_1984] {strides = array<i32>} : memref<8x256xf32, #tpu.memory_space<vmem>>, vector<16xf32>,
              %swap3A_1986 = arith.index_cast %scan3A_1934 : i32 to index
              %swap3A_1987 = arith.constant 128 : index
              %swap3A_1988 = tpu.vector_load %arg11[%swap3A_1986, %swap3A_1987] {strides = array<i32>} : memref<128x256xf32, #tpu.memory_space<vmem>>, vector<16xf32>,
              tpu.vector_store %arg11[%swap3A_1986, %swap3A_1987], %get3A_1985 {strides = array<i32>} : memref<128x256xf32, #tpu.memory_space<vmem>>, vector<16xf32>,
              %get3A_1989 = arith.index_cast %sub3A : i32 to index
              %get3A_1990 = arith.constant 144 : index
              %get3A_1991 = tpu.vector_load %arg12[%get3A_1989, %get3A_1990] {strides = array<i32>} : memref<8x256xf32, #tpu.memory_space<vmem>>, vector<16xf32>,
              %swap3A_1992 = arith.index_cast %scan3A_1934 : i32 to index
              %swap3A_1993 = arith.constant 144 : index
              %swap3A_1994 = tpu.vector_load %arg11[%swap3A_1992, %swap3A_1993] {strides = array<i32>} : memref<128x256xf32, #tpu.memory_space<vmem>>, vector<16xf32>,
              tpu.vector_store %arg11[%swap3A_1992, %swap3A_1993], %get3A_1991 {strides = array<i32>} : memref<128x256xf32, #tpu.memory_space<vmem>>, vector<16xf32>,
              %get3A_1995 = arith.index_cast %sub3A : i32 to index
              %get3A_1996 = arith.constant 160 : index
              %get3A_1997 = tpu.vector_load %arg12[%get3A_1995, %get3A_1996] {strides = array<i32>} : memref<8x256xf32, #tpu.memory_space<vmem>>, vector<16xf32>,
              %swap3A_1998 = arith.index_cast %scan3A_1934 : i32 to index
              %swap3A_1999 = arith.constant 160 : index
              %swap3A_2000 = tpu.vector_load %arg11[%swap3A_1998, %swap3A_1999] {strides = array<i32>} : memref<128x256xf32, #tpu.memory_space<vmem>>, vector<16xf32>,
              tpu.vector_store %arg11[%swap3A_1998, %swap3A_1999], %get3A_1997 {strides = array<i32>} : memref<128x256xf32, #tpu.memory_space<vmem>>, vector<16xf32>,
              %get3A_2001 = arith.index_cast %sub3A : i32 to index
              %get3A_2002 = arith.constant 176 : index
              %get3A_2003 = tpu.vector_load %arg12[%get3A_2001, %get3A_2002] {strides = array<i32>} : memref<8x256xf32, #tpu.memory_space<vmem>>, vector<16xf32>,
              %swap3A_2004 = arith.index_cast %scan3A_1934 : i32 to index
              %swap3A_2005 = arith.constant 176 : index
              %swap3A_2006 = tpu.vector_load %arg11[%swap3A_2004, %swap3A_2005] {strides = array<i32>} : memref<128x256xf32, #tpu.memory_space<vmem>>, vector<16xf32>,
              tpu.vector_store %arg11[%swap3A_2004, %swap3A_2005], %get3A_2003 {strides = array<i32>} : memref<128x256xf32, #tpu.memory_space<vmem>>, vector<16xf32>,
              %get3A_2007 = arith.index_cast %sub3A : i32 to index
              %get3A_2008 = arith.constant 192 : index
              %get3A_2009 = tpu.vector_load %arg12[%get3A_2007, %get3A_2008] {strides = array<i32>} : memref<8x256xf32, #tpu.memory_space<vmem>>, vector<16xf32>,
              %swap3A_2010 = arith.index_cast %scan3A_1934 : i32 to index
              %swap3A_2011 = arith.constant 192 : index
              %swap3A_2012 = tpu.vector_load %arg11[%swap3A_2010, %swap3A_2011] {strides = array<i32>} : memref<128x256xf32, #tpu.memory_space<vmem>>, vector<16xf32>,
              tpu.vector_store %arg11[%swap3A_2010, %swap3A_2011], %get3A_2009 {strides = array<i32>} : memref<128x256xf32, #tpu.memory_space<vmem>>, vector<16xf32>,
              %get3A_2013 = arith.index_cast %sub3A : i32 to index
              %get3A_2014 = arith.constant 208 : index
              %get3A_2015 = tpu.vector_load %arg12[%get3A_2013, %get3A_2014] {strides = array<i32>} : memref<8x256xf32, #tpu.memory_space<vmem>>, vector<16xf32>,
              %swap3A_2016 = arith.index_cast %scan3A_1934 : i32 to index
              %swap3A_2017 = arith.constant 208 : index
              %swap3A_2018 = tpu.vector_load %arg11[%swap3A_2016, %swap3A_2017] {strides = array<i32>} : memref<128x256xf32, #tpu.memory_space<vmem>>, vector<16xf32>,
              tpu.vector_store %arg11[%swap3A_2016, %swap3A_2017], %get3A_2015 {strides = array<i32>} : memref<128x256xf32, #tpu.memory_space<vmem>>, vector<16xf32>,
              %get3A_2019 = arith.index_cast %sub3A : i32 to index
              %get3A_2020 = arith.constant 224 : index
              %get3A_2021 = tpu.vector_load %arg12[%get3A_2019, %get3A_2020] {strides = array<i32>} : memref<8x256xf32, #tpu.memory_space<vmem>>, vector<16xf32>,
              %swap3A_2022 = arith.index_cast %scan3A_1934 : i32 to index
              %swap3A_2023 = arith.constant 224 : index
              %swap3A_2024 = tpu.vector_load %arg11[%swap3A_2022, %swap3A_2023] {strides = array<i32>} : memref<128x256xf32, #tpu.memory_space<vmem>>, vector<16xf32>,
              tpu.vector_store %arg11[%swap3A_2022, %swap3A_2023], %get3A_2021 {strides = array<i32>} : memref<128x256xf32, #tpu.memory_space<vmem>>, vector<16xf32>,
              %get3A_2025 = arith.index_cast %sub3A : i32 to index
              %get3A_2026 = arith.constant 240 : index
              %get3A_2027 = tpu.vector_load %arg12[%get3A_2025, %get3A_2026] {strides = array<i32>} : memref<8x256xf32, #tpu.memory_space<vmem>>, vector<16xf32>,
              %swap3A_2028 = arith.index_cast %scan3A_1934 : i32 to index
              %swap3A_2029 = arith.constant 240 : index
              %swap3A_2030 = tpu.vector_load %arg11[%swap3A_2028, %swap3A_2029] {strides = array<i32>} : memref<128x256xf32, #tpu.memory_space<vmem>>, vector<16xf32>,
              tpu.vector_store %arg11[%swap3A_2028, %swap3A_2029], %get3A_2027 {strides = array<i32>} : memref<128x256xf32, #tpu.memory_space<vmem>>, vector<16xf32>,
            }
            %scan3A_1933 = arith.constant 128 : i32
            "tpu.region"() ({
              %run_scoped3A = tpu.sem_alloc : memref<!tpu.dma_semaphore, #tpu.memory_space<semaphore_mem>>
              %dma_start3A = arith.constant 0 : i32
              %dma_start3A_1934 = tpu.memref_slice %arg2[%multiple_of3A_1907, %dma_start3A] : memref<65536x256xf32, #tpu.memory_space<hbm>> -> memref<128x256xf32, #tpu.memory_space<hbm>>
              %dma_start3A_1935 = arith.constant 0 : i32
              %dma_start3A_1936 = tpu.memref_slice %arg2[%multiple_of3A_1907, %dma_start3A_1935] : memref<65536x256xf32, #tpu.memory_space<hbm>> -> memref<128x256xf32, #tpu.memory_space<hbm>>
              tpu.enqueue_dma source(%arg11 : memref<128x256xf32, #tpu.memory_space<vmem>>) target(%dma_start3A_1936 : memref<128x256xf32, #tpu.memory_space<hbm>>) target_semaphore(%run_scoped3A : memref<!tpu.dma_semaphore, #tpu.memory_space<semaphore_mem>>)
              %dma_wait3A = arith.constant 0 : i32
              %dma_wait3A_1937 = tpu.memref_slice %arg2[%multiple_of3A_1907, %dma_wait3A] : memref<65536x256xf32, #tpu.memory_space<hbm>> -> memref<128x256xf32, #tpu.memory_space<hbm>>
              %dma_wait3A_1938 = arith.constant 0 : i32
              %dma_wait3A_1939 = tpu.memref_slice %arg2[%multiple_of3A_1907, %dma_wait3A_1938] : memref<65536x256xf32, #tpu.memory_space<hbm>> -> memref<128x256xf32, #tpu.memory_space<hbm>>
              tpu.wait_dma2 semaphore(%run_scoped3A : memref<!tpu.dma_semaphore, #tpu.memory_space<semaphore_mem>>) src(%arg11 : memref<128x256xf32, #tpu.memory_space<vmem>>) dst(%dma_wait3A_1939 : memref<128x256xf32, #tpu.memory_space<hbm>>)
              tpu.yield
            }) : () -> ()
          } else {
          }
          %not3A_1917 = arith.constant true
          %not3A_1918 = arith.xori %and3A_1906, %not3A_1917 : i1
          %not3A_1919 = arith.constant true
          %not3A_1920 = arith.xori %or3A_1877, %not3A_1919 : i1
          %and3A_1921 = arith.andi %not3A_1918, %not3A_1920 : i1
          %convert_element_type3A_1922 = arith.extui %and3A_1921 : i1 to i32
          %cond3A_1923 = arith.constant 0 : i32
          %cond3A_1924 = arith.cmpi ne, %convert_element_type3A_1922, %cond3A_1923 : i32
          scf.if %cond3A_1924 {
            %scan3A_1925 = arith.constant 0 : i32
            %scan3A_1926 = arith.constant 0 : i32
            %scan3A_1927 = arith.constant 8 : i32
            %scan3A_1928 = arith.addi %scan3A_1926, %scan3A_1927 : i32
            %scan3A_1929 = arith.constant 1 : i32
            scf.for %scan3A_1935 = %scan3A_1926 to %scan3A_1928 step %scan3A_1929  : i32 {
              %mul3A_1936 = arith.constant 16 : i32
              %mul3A_1937 = arith.muli %scan3A_1935, %mul3A_1936 : i32
              %add3A_1938 = arith.addi %add3A_1835, %mul3A_1937 : i32
              %add3A_1939 = vector.broadcast %add3A_1938 : i32 to vector<16xi32>
              %add3A_1940 = arith.addi %add3A_1939, %iota3A : vector<16xi32>
              %broadcast_in_dim3A_1941 = arith.constant 0 : i32
              %broadcast_in_dim3A_1942 = vector.broadcast %broadcast_in_dim3A_1941 : i32 to vector<16xi32>
              %broadcast_in_dim3A_1943 = arith.constant 32768 : i32
              %broadcast_in_dim3A_1944 = vector.broadcast %broadcast_in_dim3A_1943 : i32 to vector<16xi32>
              %scan3A_1945 = arith.constant 0 : i32
              %scan3A_1946 = arith.constant 15 : i32
              %scan3A_1947 = arith.addi %scan3A_1945, %scan3A_1946 : i32
              %scan3A_1948 = arith.constant 1 : i32
              %scan3A_1949:2 = scf.for %scan3A_1955 = %scan3A_1945 to %scan3A_1947 step %scan3A_1948 iter_args(%scan3A_1956 = %broadcast_in_dim3A_1942, %scan3A_1957 = %broadcast_in_dim3A_1944) -> (vector<16xi32>, vector<16xi32>)  : i32 {
                %add3A_1958 = arith.addi %scan3A_1956, %scan3A_1957 : vector<16xi32>
                %shift_right_arithmetic3A = arith.constant 1 : i32
                %shift_right_arithmetic3A_1959 = vector.broadcast %shift_right_arithmetic3A : i32 to vector<16xi32>
                %shift_right_arithmetic3A_1960 = arith.shrsi %add3A_1958, %shift_right_arithmetic3A_1959 : vector<16xi32>
                %gather3A_1961 = tpu.vector_load_idx %arg9[%shift_right_arithmetic3A_1960] : memref<32768xi32, #tpu.memory_space<vmem>>[vector<16xi32>], vector<16xi32>,
                %le3A_1962 = arith.cmpi sle, %gather3A_1961, %add3A_1940 : vector<16xi32>
                %select_n3A_1963 = arith.select %le3A_1962, %shift_right_arithmetic3A_1960, %scan3A_1956 : vector<16xi1>, vector<16xi32>
                %select_n3A_1964 = arith.select %le3A_1962, %scan3A_1957, %shift_right_arithmetic3A_1960 : vector<16xi1>, vector<16xi32>
                scf.yield %select_n3A_1963, %select_n3A_1964 : vector<16xi32>, vector<16xi32>
              }
              %scan3A_1950 = arith.constant 15 : i32
              %mul3A_1951 = arith.constant 16 : i32
              %mul3A_1952 = arith.muli %scan3A_1935, %mul3A_1951 : i32
              %swap3A_1953 = arith.index_cast %mul3A_1952 : i32 to index
              %swap3A_1954 = tpu.vector_load %arg10[%swap3A_1953] {strides = array<i32>} : memref<128xi32, #tpu.memory_space<vmem>>, vector<16xi32>,
              tpu.vector_store %arg10[%swap3A_1953], %scan3A_1949#0 {strides = array<i32>} : memref<128xi32, #tpu.memory_space<vmem>>, vector<16xi32>,
            }
            %scan3A_1930 = arith.constant 8 : i32
            %dma_start3A = arith.constant 0 : i32
            %dma_start3A_1931 = arith.constant 0 : i32
            %dma_start3A_1932 = tpu.memref_slice %arg3[%dma_start3A, %dma_start3A_1931] : memref<32768x256xf32, #tpu.memory_space<hbm>> -> memref<32768x256xf32, #tpu.memory_space<hbm>>
            tpu.enqueue_indirect_dma source(%dma_start3A_1932 : memref<32768x256xf32, #tpu.memory_space<hbm>>) target(%arg11 : memref<128x256xf32, #tpu.memory_space<vmem>>) offsets(%arg10 : memref<128xi32, #tpu.memory_space<vmem>>) semaphore(%arg13 : memref<!tpu.dma_semaphore, #tpu.memory_space<semaphore_mem>>)
            %dma_wait3A = arith.constant 0 : i32
            %dma_wait3A_1933 = arith.constant 0 : i32
            %dma_wait3A_1934 = tpu.memref_slice %arg3[%dma_wait3A, %dma_wait3A_1933] : memref<32768x256xf32, #tpu.memory_space<hbm>> -> memref<32768x256xf32, #tpu.memory_space<hbm>>
            tpu.wait_indirect_dma semaphore(%arg13 : memref<!tpu.dma_semaphore, #tpu.memory_space<semaphore_mem>>) src(%dma_wait3A_1934 : memref<32768x256xf32, #tpu.memory_space<hbm>>) dst(%arg11 : memref<128x256xf32, #tpu.memory_space<vmem>>)
            "tpu.region"() ({
              %run_scoped3A = tpu.sem_alloc : memref<!tpu.dma_semaphore, #tpu.memory_space<semaphore_mem>>
              %dma_start3A_1935 = arith.constant 0 : i32
              %dma_start3A_1936 = tpu.memref_slice %arg2[%multiple_of3A_1907, %dma_start3A_1935] : memref<65536x256xf32, #tpu.memory_space<hbm>> -> memref<128x256xf32, #tpu.memory_space<hbm>>
              %dma_start3A_1937 = arith.constant 0 : i32
              %dma_start3A_1938 = tpu.memref_slice %arg2[%multiple_of3A_1907, %dma_start3A_1937] : memref<65536x256xf32, #tpu.memory_space<hbm>> -> memref<128x256xf32, #tpu.memory_space<hbm>>
              tpu.enqueue_dma source(%arg11 : memref<128x256xf32, #tpu.memory_space<vmem>>) target(%dma_start3A_1938 : memref<128x256xf32, #tpu.memory_space<hbm>>) target_semaphore(%run_scoped3A : memref<!tpu.dma_semaphore, #tpu.memory_space<semaphore_mem>>)
              %dma_wait3A_1939 = arith.constant 0 : i32
              %dma_wait3A_1940 = tpu.memref_slice %arg2[%multiple_of3A_1907, %dma_wait3A_1939] : memref<65536x256xf32, #tpu.memory_space<hbm>> -> memref<128x256xf32, #tpu.memory_space<hbm>>
              %dma_wait3A_1941 = arith.constant 0 : i32
              %dma_wait3A_1942 = tpu.memref_slice %arg2[%multiple_of3A_1907, %dma_wait3A_1941] : memref<65536x256xf32, #tpu.memory_space<hbm>> -> memref<128x256xf32, #tpu.memory_space<hbm>>
              tpu.wait_dma2 semaphore(%run_scoped3A : memref<!tpu.dma_semaphore, #tpu.memory_space<semaphore_mem>>) src(%arg11 : memref<128x256xf32, #tpu.memory_space<vmem>>) dst(%dma_wait3A_1942 : memref<128x256xf32, #tpu.memory_space<hbm>>)
              tpu.yield
            }) : () -> ()
          } else {
          }
        } else {
        }
      }
      %scan3A_1820 = arith.constant 16 : i32
    } else {
    }
    return
  }
}

module attributes {stable_mosaic.version = 14 : i64} {
  func.func @_tc_body(%arg0: i32, %arg1: memref<4096x256xf32, #tpu.memory_space<vmem>>, %arg2: memref<4096x256xf32, #tpu.memory_space<vmem>>) attributes {dimension_semantics = [#tpu.dimension_semantics<arbitrary>], iteration_bounds = array<i64: 16>, scalar_prefetch = 0 : i64, scratch_operands = 0 : i64, tpu.core_type = #tpu.core_type<tc>, window_params = [{transform_indices = @transform_0, window_bounds = array<i64: 4096, 256>}, {transform_indices = @transform_1, window_bounds = array<i64: 4096, 256>}]} {
    %lt3A = arith.constant 8 : i32
    %lt3A_0 = arith.cmpi slt, %arg0, %lt3A : i32
    %convert_element_type3A = arith.extui %lt3A_0 : i1 to i32
    %cond3A = arith.constant 0 : i32
    %cond3A_1 = arith.cmpi ne, %convert_element_type3A, %cond3A : i32
    scf.if %cond3A_1 {
      %get3A = arith.constant 0 : index
      %get3A_6 = arith.constant 0 : index
      %get3A_7 = vector.load %arg1[%get3A, %get3A_6] : memref<4096x256xf32, #tpu.memory_space<vmem>>, vector<4096x256xf32>
      %swap3A = arith.constant 0 : index
      %swap3A_8 = arith.constant 0 : index
      %swap3A_9 = vector.load %arg2[%swap3A, %swap3A_8] : memref<4096x256xf32, #tpu.memory_space<vmem>>, vector<4096x256xf32>
      tpu.vector_store %arg2[%swap3A, %swap3A_8], %get3A_7 {strides = array<i32>} : memref<4096x256xf32, #tpu.memory_space<vmem>>, vector<4096x256xf32>,
    } else {
    }
    %ge3A = arith.constant 8 : i32
    %ge3A_2 = arith.cmpi sge, %arg0, %ge3A : i32
    %convert_element_type3A_3 = arith.extui %ge3A_2 : i1 to i32
    %cond3A_4 = arith.constant 0 : i32
    %cond3A_5 = arith.cmpi ne, %convert_element_type3A_3, %cond3A_4 : i32
    scf.if %cond3A_5 {
      %get3A = arith.constant 4095 : index
      %get3A_6 = arith.constant 0 : index
      %get3A_7 = vector.load %arg1[%get3A, %get3A_6] : memref<4096x256xf32, #tpu.memory_space<vmem>>, vector<1x256xf32>
      %broadcast_in_dim3A = vector.shape_cast %get3A_7 : vector<1x256xf32> to vector<1x256xf32>
      %broadcast_in_dim3A_8 = vector.broadcast %broadcast_in_dim3A : vector<1x256xf32> to vector<4096x256xf32>
      %swap3A = arith.constant 0 : index
      %swap3A_9 = arith.constant 0 : index
      %swap3A_10 = vector.load %arg2[%swap3A, %swap3A_9] : memref<4096x256xf32, #tpu.memory_space<vmem>>, vector<4096x256xf32>
      tpu.vector_store %arg2[%swap3A, %swap3A_9], %broadcast_in_dim3A_8 {strides = array<i32>} : memref<4096x256xf32, #tpu.memory_space<vmem>>, vector<4096x256xf32>,
    } else {
    }
    return
  }
  func.func @transform_0(%arg0: i32) -> (i32, i32) {
    %min3A = arith.constant 7 : i32
    %min3A_0 = arith.minsi %arg0, %min3A : i32
    %c0_i32 = arith.constant 0 : i32
    %c0_i32_1 = arith.constant 0 : i32
    return %min3A_0, %c0_i32 : i32, i32
  }
  func.func @transform_1(%arg0: i32) -> (i32, i32) {
    %c0_i32 = arith.constant 0 : i32
    %c0_i32_0 = arith.constant 0 : i32
    return %arg0, %c0_i32 : i32, i32
  }
}

</mosaic_0001>

<sc_bundles>
// kernel: kernel.4.cloned.1.call-start
scs
__scs_entry_jumppad:
0x0: {  	(pc) =	sbr.rel $0x88, $3  }
0x1: {  	(tag) =	ssettag $0x0;
	lr =	simm.s32 $0x1  }
0x2: {  	[smem:$0x3F9F] =	sst lr;
	_ =	strace $0xD0000000  }
0x3: {  	_ = 	snop  }
0x4: {  	_ = 	snop  }
0x5: {  	_ = 	snop  }
0x6: {  	_ = 	snop  }
0x7: {  	_ = 	snop  }
__scs_overlays_trampoline_lowered:
0x8: {  	[smem:$0x3FAE] =	sst s0  }
0x9: {  	[smem:$0x3FAF] =	sst s1  }
0xa: {  	[smem:$0x3FB0] =	sst s2  }
0xb: {  	[smem:$0x3FB1] =	sst s3  }
0xc: {  	[smem:$0x3FB2] =	sst s4  }
0xd: {  	[smem:$0x3FB3] =	sst s5  }
0xe: {  	[smem:$0x3FB4] =	sst s6  }
0xf: {  	[smem:$0x3FB5] =	sst s7  }
0x10: {  	[smem:$0x3FB6] =	sst s8  }
0x11: {  	[smem:$0x3FB7] =	sst s9;
	s0 =	simm.s32 @!p0 $0x0  }
0x12: {  	s1 =	sld [smem:$0x3F9D];
	s0 =	simm.s32 @p0 $0x1  }
0x13: {  	[smem:$0x3FB8] =	sst s0;
	s0 =	simm.s32 @!p1 $0x0  }
0x14: {  	s2 =	sld [smem:$0x3F9C];
	s0 =	simm.s32 @p1 $0x1  }
0x15: {  	[smem:$0x3FB9] =	sst s0;
	s0 =	simm.s32 @!p2 $0x0  }
0x16: {  	s3 =	sld [smem:$0x3FDB];
	s0 =	simm.s32 @p2 $0x1  }
0x17: {  	s4 =	simm.s32 $0x1BF5;
	[smem:$0x3FBB] =	sst s0  }
0x18: {  	s0 =	sld [smem:$0x3F9E];
	_ =	swait.ge [sflag:s4], $0x0  }
0x19: {  	s7 =	sld [smem:$0x3F9F]  }
0x1a: {  	s8 =	sadd.s32 $0xFFFFE003, lr  }
0x1b: {  	s9 =	sadd.s32 $0xFFFFFEF7, lr;
	s5 =	simm.s32 $0xFFFFFFFF;
	p2 =	slt.u32 s8, $0xFFFFF086  }
0x1c: {  	p1 =	slt.u32 s9, $0xF7A;
	s5 =	simm.s32 @!p2 $0x0  }
0x1d: {  	s5 =	simm.s32 @p1 $0x1;
	p0 =	seq.s32 s7, s2  }
0x1e: {  	s7 =	smul.u32 @!p0 $0xF7A, s2;
	p2 =	seq.s32 @!p0 s5, $0x0  }
0x1f: {  	s9 =	smul.u32 $0xF7A, s1;
	s8 =	simm.s32 @!p0 $0x1BF5;
	p2 =	por !p2, p0  }
0x20: {  	[sflag:s8] =	ssyncset.s32 @!p0 $0xFFFFF086;
	s6 =	sadd.s32 @!p0 s3, s7;
	s7 =	simm.s32 @!p0 $0x108  }
0x21: {  	s3 =	sadd.s32 s3, s9;
	s6 =	sadd.s32 @!p0 $0x88, s6;
	s7 =	simm.s32 @p2 $0x1082  }
0x22: {  	[simem:s7], [sflag:s8] =	dma.local @!p0 [hbm:s6], $0xF7A  }
0x23: {  	s9 =	sor.u32 $0xD0000000, s2;
	s6 =	simm.s32 $0x108;
	_ =	swait.ge @!p0 [sflag:s8], $0x0  }
0x24: {  	s3 =	sadd.s32 $0x88, s3;
	s6 =	simm.s32 @!p1 $0x1082;
	[sflag:s4] =	ssyncset.s32 $0xFFFFF086  }
0x25: {  	[simem:s6], [sflag:s4] =	dma.local [hbm:s3], $0xF7A  }
0x26: {  	[smem:$0x3F9F] =	sst s1;
	(tag) =	ssettag s2;
	_ =	strace s9  }
0x27: {  	s1 =	sld [smem:$0x3FAF]  }
0x28: {  	s2 =	sld [smem:$0x3FB0]  }
0x29: {  	s4 =	sld [smem:$0x3FB2]  }
0x2a: {  	p0 =	seq.s32 s5, $0x0;
	s5 =	sld [smem:$0x3FB3]  }
0x2b: {  	s6 =	sld [smem:$0x3FB4]  }
0x2c: {  	s7 =	sld [smem:$0x3FB5]  }
0x2d: {  	s3 =	simm.s32 $0x108;
	s8 =	sld [smem:$0x3FB6]  }
0x2e: {  	s3 =	simm.s32 @!p0 $0x1082;
	s9 =	sld [smem:$0x3FB7]  }
0x2f: {  	lr =	sadd.s32 s0, s3;
	s0 =	sld [smem:$0x3FAE]  }
0x30: {  	s3 =	sld [smem:$0x3FB1]  }
0x31: {  	[smem:$0x3FBA] =	sst s10  }
0x32: {  	s10 =	sld [smem:$0x3FB8];
	_ =	sdelay $0x3  }
0x33: {  	p0 =	seq.s32 s10, $0x1;
	s10 =	sld [smem:$0x3FBA];
	_ =	sdelay $0x3  }
0x34: {  	[smem:$0x3FBA] =	sst s10  }
0x35: {  	s10 =	sld [smem:$0x3FB9];
	_ =	sdelay $0x3  }
0x36: {  	p1 =	seq.s32 s10, $0x1;
	s10 =	sld [smem:$0x3FBA];
	_ =	sdelay $0x3  }
0x37: {  	[smem:$0x3FBA] =	sst s10  }
0x38: {  	s10 =	sld [smem:$0x3FBB]  }
0x39: {  	_ = 	snop;
	(pc) =	sbr.ind lr, $3  }
0x3a: {  	_ = 	snop  }
0x3b: {  	_ = 	snop  }
0x3c: {  	p2 =	seq.s32 s10, $0x1;
	s10 =	sld [smem:$0x3FBA]  }
0x3d: {  	_ =	shalt  }
0x3e: {  	_ =	shalt  }
0x3f: {  	_ =	shalt  }
0x40: {  	_ =	shalt  }
0x41: {  	_ =	shalt  }
0x42: {  	_ =	shalt  }
0x43: {  	_ =	shalt  }
0x44: {  	_ =	shalt  }
0x45: {  	_ =	shalt  }
0x46: {  	_ =	shalt  }
0x47: {  	_ =	shalt  }
0x48: {  	_ =	shalt  }
0x49: {  	_ =	shalt  }
0x4a: {  	_ =	shalt  }
0x4b: {  	_ =	shalt  }
0x4c: {  	_ =	shalt  }
0x4d: {  	_ =	shalt  }
0x4e: {  	_ =	shalt  }
0x4f: {  	_ =	shalt  }
0x50: {  	_ =	shalt  }
0x51: {  	_ =	shalt  }
0x52: {  	_ =	shalt  }
0x53: {  	_ =	shalt  }
0x54: {  	_ =	shalt  }
0x55: {  	_ =	shalt  }
0x56: {  	_ =	shalt  }
0x57: {  	_ =	shalt  }
0x58: {  	_ =	shalt  }
0x59: {  	_ =	shalt  }
0x5a: {  	_ =	shalt  }
0x5b: {  	_ =	shalt  }
0x5c: {  	_ =	shalt  }
0x5d: {  	_ =	shalt  }
0x5e: {  	_ =	shalt  }
0x5f: {  	_ =	shalt  }
0x60: {  	_ =	shalt  }
0x61: {  	_ =	shalt  }
0x62: {  	_ =	shalt  }
0x63: {  	_ =	shalt  }
0x64: {  	_ =	shalt  }
0x65: {  	_ =	shalt  }
0x66: {  	_ =	shalt  }
0x67: {  	_ =	shalt  }
0x68: {  	_ =	shalt  }
0x69: {  	_ =	shalt  }
0x6a: {  	_ =	shalt  }
0x6b: {  	_ =	shalt  }
0x6c: {  	_ =	shalt  }
0x6d: {  	_ =	shalt  }
0x6e: {  	_ =	shalt  }
0x6f: {  	_ =	shalt  }
0x70: {  	_ =	shalt  }
0x71: {  	_ =	shalt  }
0x72: {  	_ =	shalt  }
0x73: {  	_ =	shalt  }
0x74: {  	_ =	shalt  }
0x75: {  	_ =	shalt  }
0x76: {  	_ =	shalt  }
0x77: {  	_ =	shalt  }
0x78: {  	_ =	shalt  }
0x79: {  	_ =	shalt  }
0x7a: {  	_ =	shalt  }
0x7b: {  	_ =	shalt  }
0x7c: {  	_ =	shalt  }
0x7d: {  	_ =	shalt  }
0x7e: {  	_ =	shalt  }
0x7f: {  	_ =	shalt  }
0x80: {  	_ =	shalt  }
0x81: {  	_ =	shalt  }
0x82: {  	_ =	shalt  }
0x83: {  	_ =	shalt  }
0x84: {  	_ =	shalt  }
0x85: {  	_ =	shalt  }
0x86: {  	_ =	shalt  }
0x87: {  	_ =	shalt  }
.Lfunc_end0:
.L_simem_size_0:
called_computation_lowered:
.L_overlay_start_0:
0x88: {  	s2 =	sld [smem:$0x3FD9]  }
0x89: {  	s3 =	sld [smem:$0x3FFE];
	_ =	sdelay $0x1  }
0x8a: {  	s1 =	srdreg.scid  }
0x8b: {  	s0 =	sand.u32 $0x1, s1  }
0x8c: {  	s18 =	sshll.u32 s0, $0xA;
	s2 =	sadd.s32 s3, s2  }
0x8d: {  	s2 =	sadd.s32 s2, s18  }
0x8e: {  	[smem:$0x3FC6] =	sst s2  }
0x8f: {  	_ = 	snop  }
0x90: {  	s2 =	sld [smem:$0x3FC9]  }
0x91: {  	s19 =	sld [smem:$0x3FC8]  }
0x92: {  	s4 =	sld [smem:$0x3FD0];
	(tm) =	ssettm $0x1  }
0x93: {  	s5 =	sld [smem:$0x3FFB];
	_ =	sdelay $0x3  }
0x94: {  	_ =	strace s5  }
0x95: {  	s5 =	sld [smem:$0x3FFC];
	_ =	sdelay $0x3  }
0x96: {  	_ =	strace s5  }
0x97: {  	s5 =	sld [smem:$0x3FFD];
	_ =	sdelay $0x3  }
0x98: {  	_ =	strace s5  }
0x99: {  	_ =	strace $0x8FFFFFFF  }
0x9a: {  	s20 =	sld [smem:$0x3FDB];
	_ =	sdelay $0x1  }
0x9b: {  	s6 =	simm.s32 $_scs_section_size  }
0x9c: {  	s7 =	simm.s32 $_size__tile_overlayer_lowered;
	s8 =	simm.s32 $_tile_overlayer_lowered  }
0x9d: {  	s23 =	simm.s32 $0x1BFF;
	s22 =	sshll.u32 s8, $0x1;
	s5 =	sadd.s32 s6, s20  }
0x9e: {  	s9 =	simm.s32 $0x0;
	s21 =	sshll.u32 s7, $0x1;
	s7 =	sadd.s32 s22, s5  }
0x9f: {  	[timem:s9], [sflag:s23] =	dma.local [hbm:s7], s21  }
0xa0: {  	_ =	swait.ge [sflag:s23], s21  }
0xa1: {  	s6 =	ssub.s32 $0x0, s21;
	[sflag:s23] =	ssyncset.done $0x0  }
0xa2: {  	[sflag:s23] =	ssyncadd.s32 s6;
	_ =	sdelay $0x1  }
0xa3: {  	s24 =	simm.s32 $0x1B8B  }
0xa4: {  	_ =	swait.ge [sflag:s24], $0x1  }
0xa5: {  	[sflag:s24] =	ssyncset.done $0x0  }
0xa6: {  	s25 =	simm.s32 $0x1B8E;
	[sflag:s24] =	ssyncadd.s32 $0xFFFFFFFF  }
0xa7: {  	s26 =	simm.s32 $execute0_lowered;
	[smem:$0x3FD2] =	sst s25  }
0xa8: {  	s6 =	sshll.u32 s26, $0x1;
	_ =	strace $0x80000046;
	[dreg:$0x1] =	wrdreg $0xFFFFFFFF  }
0xa9: {  	s28 =	simm.s32 $_size_execute0_lowered;
	s5 =	sadd.s32 s5, s6;
	[dreg:$0x0] =	wrdreg $0x0  }
0xaa: {  	s6 =	sshll.u32 s28, $0x1;
	[dreg:$0x2] =	wrdreg s5  }
0xab: {  	[dreg:$0x3] =	wrdreg s6  }
0xac: {  	[dreg:$0x4] =	wrdreg $0xC0  }
0xad: {  	_ =	task [dreg:s9], $0x5FFFF  }
0xae: {  	[dreg:$0x1] =	wrdreg $0xFFFFFFFF  }
0xaf: {  	[dreg:$0x0] =	wrdreg $0x60  }
0xb0: {  	[dreg:$0x2] =	wrdreg s4  }
0xb1: {  	[dreg:$0x3] =	wrdreg s2  }
0xb2: {  	[dreg:$0x4] =	wrdreg s19  }
0xb3: {  	[dreg:$0x5] =	wrdreg $0x9  }
0xb4: {  	_ =	task.clear_ibuf [dreg:s9], $0x6FFFF;
	_ =	strace $0x90000046  }
0xb5: {  	s29 =	simm.s32 $0x9;
	_ =	strace $0x80000048  }
0xb6: {  	_ =	swait.ge [sflag:s29], $0x1  }
0xb7: {  	[sflag:s29] =	ssyncadd.s32 $0xFFFFFFFF  }
0xb8: {  	_ =	strace $0x90000048  }
0xb9: {  	_ =	sfence  }
0xba: {  	s30 =	sld [smem:$0x0];
	_ =	sdelay $0x2  }
0xbb: {  	s31 =	sshll.u32 s1, $0xD;
	s1 =	sshrl.u32 s1, $0x2  }
0xbc: {  	s3 =	sand.u32 $0x4000, s31;
	s1 =	sadd.s32 s1, s30  }
0xbd: {  	s0 =	sor.u32 s3, s0;
	s1 =	sshll.u32 s1, $0x11  }
0xbe: {  	s0 =	sor.u32 s1, s0  }
0xbf: {  	s0 =	sadd.s32 $0x8F2B, s0  }
0xc0: {  	[sflag:s0] =	ssyncadd.remote.s32 $0x1  }
0xc1: {  	_ =	sfence.sel $0xFFFF  }
0xc2: {  	[dreg:$0x0] =	wrdreg $0xFFFFFFFF;
	(pc) =	sbr.abs _section_cstart, $3  }
0xc3: {  	[dreg:$0x1] =	wrdreg $0xFFFFFFFF  }
0xc4: {  	_ =	task.clear_ibuf [dreg:s9], $0x2FFFF;
	_ =	strace $0x9FFFFFFF  }
0xc5: {  	(tm) =	ssettm $0x7FFFFFFF  }
tec
execute0_lowered:
.L_overlay_start_1:
0x0: {  	(tag) =	ssettag $0x1  }
0x1: {  	s0 =	srdreg.scid  }
0x2: {  	s20 =	stileid.u32;
	s0 =	sand.u32 $0x1, s0  }
0x3: {  	s2 =	sshll.u32 s20, $0xC;
	s4 =	sshll.u32 s0, $0xB  }
0x4: {  	s1 =	rddreg [dreg:$0x0];
	s4 =	sor.u32 s4, s2  }
0x5: {  	s3 =	rddreg [dreg:$0x1];
	s5 =	simm.s32 $0x0;
	v0 =	vlaneseq.u32;
	s19 =	sor.u32 $0x10, s4  }
0x6: {  	[smem:$0x7FF] =	sst s5;
	s23 =	sor.u32 $0x20, s4;
	v1 =	vor.u32 s19, v0  }
0x7: {  	s8 =	rddreg [dreg:$0x2];
	_ =	strace $0x80000047;
	s24 =	sor.u32 $0x30, s4;
	[tilespmem:$0x1FA00] =	vst v1;
	v1 =	vor.u32 s23, v0  }
0x8: {  	s25 =	sor.u32 $0x40, s4;
	[tilespmem:$0x1FA10] =	vst v1;
	v1 =	vor.u32 s24, v0  }
0x9: {  	s9 =	sor.u32 $0x50, s4;
	[tilespmem:$0x1FA20] =	vst v1;
	v1 =	vor.u32 s25, v0  }
0xa: {  	s10 =	sor.u32 $0x60, s4;
	[tilespmem:$0x1FA30] =	vst v1;
	v1 =	vor.u32 s9, v0  }
0xb: {  	s0 =	ssub.s32 $0x2, s0;
	s11 =	sor.u32 $0x70, s4;
	[tilespmem:$0x1FA40] =	vst v1;
	v1 =	vor.u32 s10, v0  }
0xc: {  	s15 =	sshrl.u32 s0, $0x1;
	s12 =	sor.u32 $0x90, s4;
	[tilespmem:$0x1FA50] =	vst v1;
	v1 =	vor.u32 s11, v0  }
0xd: {  	s7 =	sadd.s32 $0x800, s4;
	s6 =	smin.u32 s4, $0x7800;
	s13 =	sor.u32 $0xA0, s4;
	[tilespmem:$0x1FA60] =	vst v1;
	v1 =	vor.u32 s12, v0  }
0xe: {  	s0 =	ssub.s32 s0, s15;
	s14 =	sor.u32 $0xB0, s4;
	s15 =	sor.u32 $0xC0, s4;
	[tilespmem:$0x1FA70] =	vst v1;
	v1 =	vor.u32 s13, v0  }
0xf: {  	[dreg:$0x4] =	wrdreg s7;
	s7 =	smin.u32 s7, $0x7FF0;
	s16 =	sshrl.u32 s6, $0x3;
	[tilespmem:$0x1FA80] =	vst v1;
	v1 =	vor.u32 s14, v0  }
0x10: {  	s17 =	sshrl.u32 s7, $0x3;
	s2 =	sadd.s32 s8, s16;
	s16 =	sor.u32 $0xD0, s4;
	[tilespmem:$0x1FA90] =	vst v1;
	v1 =	vor.u32 s15, v0  }
0x11: {  	s18 =	sadd.s32 s8, s17;
	s17 =	sor.u32 $0xE0, s4;
	[tilespmem:$0x1FAA0] =	vst v1;
	v1 =	vor.u32 s16, v0  }
0x12: {  	[dreg:$0x6] =	wrdreg s18;
	s18 =	sor.u32 $0xF0, s4;
	[tilespmem:$0x1FAB0] =	vst v1;
	v1 =	vor.u32 s17, v0  }
0x13: {  	s26 =	sor.u32 $0x110, s4;
	[tilespmem:$0x1FAC0] =	vst v1;
	v1 =	vor.u32 s18, v0  }
0x14: {  	s28 =	sor.u32 $0x120, s4;
	[tilespmem:$0x1FAD0] =	vst v1;
	v1 =	vor.u32 s26, v0  }
0x15: {  	s19 =	sor.u32 $0x130, s4;
	[tilespmem:$0x1FAE0] =	vst v1;
	v1 =	vor.u32 s28, v0  }
0x16: {  	s7 =	sor.u32 $0x140, s4;
	[tilespmem:$0x1FAF0] =	vst v1;
	v1 =	vor.u32 s19, v0  }
0x17: {  	s24 =	sor.u32 $0x150, s4;
	[tilespmem:$0x1FB00] =	vst v1;
	v1 =	vor.u32 s7, v0  }
0x18: {  	s8 =	sor.u32 $0x160, s4;
	[tilespmem:$0x1FB10] =	vst v1;
	v1 =	vor.u32 s24, v0  }
0x19: {  	s10 =	sor.u32 $0x170, s4;
	[tilespmem:$0x1FB20] =	vst v1;
	v1 =	vor.u32 s8, v0  }
0x1a: {  	s11 =	sor.u32 $0x190, s4;
	[tilespmem:$0x1FB30] =	vst v1;
	v1 =	vor.u32 s10, v0  }
0x1b: {  	s12 =	sor.u32 $0x1A0, s4;
	[tilespmem:$0x1FB40] =	vst v1;
	v1 =	vor.u32 s11, v0  }
0x1c: {  	s13 =	sor.u32 $0x1B0, s4;
	[tilespmem:$0x1FB50] =	vst v1;
	v1 =	vor.u32 s12, v0  }
0x1d: {  	s14 =	sor.u32 $0x1C0, s4;
	[tilespmem:$0x1FB60] =	vst v1;
	v1 =	vor.u32 s13, v0  }
0x1e: {  	s15 =	sor.u32 $0x1D0, s4;
	[tilespmem:$0x1FB70] =	vst v1;
	v1 =	vor.u32 s14, v0  }
0x1f: {  	s16 =	sor.u32 $0x1E0, s4;
	[tilespmem:$0x1FB80] =	vst v1;
	v1 =	vor.u32 s15, v0  }
0x20: {  	s25 =	sor.u32 $0x1F0, s4;
	[tilespmem:$0x1FB90] =	vst v1;
	v1 =	vor.u32 s16, v0  }
0x21: {  	s26 =	sor.u32 $0x210, s4;
	[tilespmem:$0x1FBA0] =	vst v1;
	v1 =	vor.u32 s25, v0  }
0x22: {  	s28 =	sor.u32 $0x220, s4;
	[tilespmem:$0x1FBB0] =	vst v1;
	v1 =	vor.u32 s26, v0  }
0x23: {  	s7 =	sor.u32 $0x230, s4;
	[tilespmem:$0x1FBC0] =	vst v1;
	v1 =	vor.u32 s28, v0  }
0x24: {  	s17 =	sor.u32 $0x240, s4;
	[tilespmem:$0x1FBD0] =	vst v1;
	v1 =	vor.u32 s7, v0  }
0x25: {  	s24 =	sor.u32 $0x250, s4;
	[tilespmem:$0x1FBE0] =	vst v1;
	v1 =	vor.u32 s17, v0  }
0x26: {  	s9 =	sor.u32 $0x260, s4;
	[tilespmem:$0x1FBF0] =	vst v1;
	v1 =	vor.u32 s24, v0  }
0x27: {  	s10 =	sor.u32 $0x270, s4;
	[tilespmem:$0x1FC00] =	vst v1;
	v1 =	vor.u32 s9, v0  }
0x28: {  	s11 =	sor.u32 $0x290, s4;
	[tilespmem:$0x1FC10] =	vst v1;
	v1 =	vor.u32 s10, v0  }
0x29: {  	s12 =	sor.u32 $0x2A0, s4;
	[tilespmem:$0x1FC20] =	vst v1;
	v1 =	vor.u32 s11, v0  }
0x2a: {  	s13 =	sor.u32 $0x2B0, s4;
	[tilespmem:$0x1FC30] =	vst v1;
	v1 =	vor.u32 s12, v0  }
0x2b: {  	s14 =	sor.u32 $0x2C0, s4;
	[tilespmem:$0x1FC40] =	vst v1;
	v1 =	vor.u32 s13, v0  }
0x2c: {  	s15 =	sor.u32 $0x2D0, s4;
	[tilespmem:$0x1FC50] =	vst v1;
	v1 =	vor.u32 s14, v0  }
0x2d: {  	s25 =	sor.u32 $0x2E0, s4;
	[tilespmem:$0x1FC60] =	vst v1;
	v1 =	vor.u32 s15, v0  }
0x2e: {  	s26 =	sor.u32 $0x2F0, s4;
	[tilespmem:$0x1FC70] =	vst v1;
	v1 =	vor.u32 s25, v0  }
0x2f: {  	s28 =	sor.u32 $0x310, s4;
	[tilespmem:$0x1FC80] =	vst v1;
	v1 =	vor.u32 s26, v0  }
0x30: {  	s6 =	sor.u32 $0x320, s4;
	[tilespmem:$0x1FC90] =	vst v1;
	v1 =	vor.u32 s28, v0  }
0x31: {  	s7 =	sor.u32 $0x330, s4;
	[tilespmem:$0x1FCA0] =	vst v1;
	v1 =	vor.u32 s6, v0  }
0x32: {  	s8 =	sor.u32 $0x340, s4;
	[tilespmem:$0x1FCB0] =	vst v1;
	v1 =	vor.u32 s7, v0  }
0x33: {  	s10 =	sor.u32 $0x350, s4;
	[tilespmem:$0x1FCC0] =	vst v1;
	v1 =	vor.u32 s8, v0  }
0x34: {  	s11 =	sor.u32 $0x360, s4;
	[tilespmem:$0x1FCD0] =	vst v1;
	v1 =	vor.u32 s10, v0  }
0x35: {  	s24 =	sor.u32 $0x370, s4;
	[tilespmem:$0x1FCE0] =	vst v1;
	v1 =	vor.u32 s11, v0  }
0x36: {  	s13 =	sor.u32 $0x390, s4;
	[tilespmem:$0x1FCF0] =	vst v1;
	v1 =	vor.u32 s24, v0  }
0x37: {  	s14 =	sor.u32 $0x3A0, s4;
	[tilespmem:$0x1FD00] =	vst v1;
	v1 =	vor.u32 s13, v0  }
0x38: {  	s25 =	sor.u32 $0x3B0, s4;
	[tilespmem:$0x1FD10] =	vst v1;
	v1 =	vor.u32 s14, v0  }
0x39: {  	s26 =	sor.u32 $0x3C0, s4;
	[tilespmem:$0x1FD20] =	vst v1;
	v1 =	vor.u32 s25, v0  }
0x3a: {  	s28 =	sor.u32 $0x3D0, s4;
	[tilespmem:$0x1FD30] =	vst v1;
	v1 =	vor.u32 s26, v0  }
0x3b: {  	s7 =	sor.u32 $0x3E0, s4;
	[tilespmem:$0x1FD40] =	vst v1;
	v1 =	vor.u32 s28, v0  }
0x3c: {  	s8 =	sor.u32 $0x3F0, s4;
	[tilespmem:$0x1FD50] =	vst v1;
	v1 =	vor.u32 s7, v0  }
0x3d: {  	s9 =	sor.u32 $0x410, s4;
	[tilespmem:$0x1FD60] =	vst v1;
	v1 =	vor.u32 s8, v0  }
0x3e: {  	s24 =	sor.u32 $0x420, s4;
	[tilespmem:$0x1FD70] =	vst v1;
	v1 =	vor.u32 s9, v0  }
0x3f: {  	s10 =	sor.u32 $0x430, s4;
	[tilespmem:$0x1FD80] =	vst v1;
	v1 =	vor.u32 s24, v0  }
0x40: {  	s11 =	sor.u32 $0x440, s4;
	[tilespmem:$0x1FD90] =	vst v1;
	v1 =	vor.u32 s10, v0  }
0x41: {  	s25 =	sor.u32 $0x450, s4;
	[tilespmem:$0x1FDA0] =	vst v1;
	v1 =	vor.u32 s11, v0  }
0x42: {  	s12 =	sor.u32 $0x460, s4;
	[tilespmem:$0x1FDB0] =	vst v1;
	v1 =	vor.u32 s25, v0  }
0x43: {  	s26 =	sor.u32 $0x470, s4;
	[tilespmem:$0x1FDC0] =	vst v1;
	v1 =	vor.u32 s12, v0  }
0x44: {  	s28 =	sor.u32 $0x490, s4;
	[tilespmem:$0x1FDD0] =	vst v1;
	v1 =	vor.u32 s26, v0  }
0x45: {  	s9 =	sor.u32 $0x4A0, s4;
	[tilespmem:$0x1FDE0] =	vst v1;
	v1 =	vor.u32 s28, v0  }
0x46: {  	s14 =	sor.u32 $0x4B0, s4;
	[tilespmem:$0x1FDF0] =	vst v1;
	v1 =	vor.u32 s9, v0  }
0x47: {  	s29 =	simm.s32 $0x900;
	s30 =	simm.s32 $0x880;
	s24 =	sor.u32 $0x4C0, s4;
	[tilespmem:$0x1FE00] =	vst v1;
	v1 =	vor.u32 s14, v0  }
0x48: {  	s21 =	sor.u32 $0x80, s4;
	p0 =	slt.u32 s4, $0x7801;
	s10 =	sor.u32 $0x4D0, s4;
	[tilespmem:$0x1FE10] =	vst v1;
	v1 =	vor.u32 s24, v0  }
0x49: {  	s22 =	sor.u32 $0x100, s4;
	[dreg:$0x7] =	wrdreg s21;
	s11 =	sor.u32 $0x4E0, s4;
	[tilespmem:$0x1FE20] =	vst v1;
	v1 =	vor.u32 s10, v0  }
0x4a: {  	s0 =	smax.u32 s0, $0x1;
	[dreg:$0x9] =	wrdreg s22;
	s25 =	sor.u32 $0x4F0, s4;
	[tilespmem:$0x1FE30] =	vst v1;
	v1 =	vor.u32 s11, v0  }
0x4b: {  	[dreg:$0x8] =	wrdreg s0;
	s0 =	simm.s32 @!p0 $0x0;
	s26 =	sor.u32 $0x510, s4;
	[tilespmem:$0x1FE40] =	vst v1;
	v1 =	vor.u32 s25, v0  }
0x4c: {  	s23 =	sor.u32 $0x180, s4;
	[dreg:$0x5] =	wrdreg s2;
	s28 =	sor.u32 $0x520, s4;
	[tilespmem:$0x1FE50] =	vst v1;
	v1 =	vor.u32 s26, v0  }
0x4d: {  	s0 =	simm.s32 @p0 $0x1;
	p0 =	sgt.u32 s4, $0x77FF;
	s9 =	sor.u32 $0x530, s4;
	[tilespmem:$0x1FE60] =	vst v1;
	v1 =	vor.u32 s28, v0  }
0x4e: {  	[smem:$0x7EC] =	sst s0;
	s0 =	simm.s32 @!p0 $0x0;
	s14 =	sor.u32 $0x540, s4;
	[tilespmem:$0x1FE70] =	vst v1;
	v1 =	vor.u32 s9, v0  }
0x4f: {  	[dreg:$0xa] =	wrdreg s23;
	s0 =	simm.s32 @p0 $0x1;
	s24 =	sor.u32 $0x550, s4;
	[tilespmem:$0x1FE80] =	vst v1;
	v1 =	vor.u32 s14, v0  }
0x50: {  	[smem:$0x7ED] =	sst s0;
	s18 =	sor.u32 $0x200, s4;
	s25 =	sor.u32 $0x560, s4;
	[tilespmem:$0x1FE90] =	vst v1;
	v1 =	vor.u32 s24, v0  }
0x51: {  	[dreg:$0xb] =	wrdreg s18;
	s19 =	sor.u32 $0x280, s4;
	s10 =	sor.u32 $0x570, s4;
	[tilespmem:$0x1FEA0] =	vst v1;
	v1 =	vor.u32 s25, v0  }
0x52: {  	[dreg:$0xc] =	wrdreg s19;
	s16 =	sor.u32 $0x300, s4;
	s26 =	sor.u32 $0x590, s4;
	[tilespmem:$0x1FEB0] =	vst v1;
	v1 =	vor.u32 s10, v0  }
0x53: {  	[dreg:$0xd] =	wrdreg s16;
	s17 =	sor.u32 $0x380, s4;
	s28 =	sor.u32 $0x5A0, s4;
	[tilespmem:$0x1FEC0] =	vst v1;
	v1 =	vor.u32 s26, v0  }
0x54: {  	[dreg:$0xe] =	wrdreg s17;
	s15 =	sor.u32 $0x400, s4;
	s7 =	sor.u32 $0x5B0, s4;
	[tilespmem:$0x1FED0] =	vst v1;
	v1 =	vor.u32 s28, v0  }
0x55: {  	[dreg:$0xf] =	wrdreg s15;
	s13 =	sor.u32 $0x480, s4;
	s14 =	sor.u32 $0x5C0, s4;
	[tilespmem:$0x1FEE0] =	vst v1;
	v1 =	vor.u32 s7, v0  }
0x56: {  	[dreg:$0x10] =	wrdreg s13;
	s8 =	sor.u32 $0x620, s4;
	s24 =	sor.u32 $0x5D0, s4;
	[tilespmem:$0x1FEF0] =	vst v1;
	v1 =	vor.u32 s14, v0  }
0x57: {  	s12 =	sor.u32 $0x500, s4;
	s25 =	sor.u32 $0x5E0, s4;
	s7 =	sor.u32 $0x6E0, s4;
	[tilespmem:$0x1FF00] =	vst v1;
	v1 =	vor.u32 s24, v0  }
0x58: {  	[dreg:$0x11] =	wrdreg s12;
	s26 =	sor.u32 $0x5F0, s4;
	v34 =	vor.u32 s7, v0;
	s7 =	sor.u32 $0x780, s4;
	[tilespmem:$0x1FF10] =	vst v1;
	v1 =	vor.u32 s25, v0  }
0x59: {  	s11 =	sor.u32 $0x580, s4;
	s28 =	sor.u32 $0x610, s4;
	p0 =	slt.u32 s7, $0x8001;
	[tilespmem:$0x1FF20] =	vst v1;
	v1 =	vor.u32 s26, v0  }
0x5a: {  	[dreg:$0x12] =	wrdreg s11;
	s9 =	sor.u32 $0x700, s4;
	s0 =	simm.s32 @!p0 $0x0;
	[tilespmem:$0x1FF30] =	vst v1;
	v1 =	vor.u32 s28, v0  }
0x5b: {  	s14 =	sor.u32 $0x630, s4;
	s0 =	simm.s32 @p0 $0x1;
	p0 =	slt.u32 s9, $0x8001;
	[tilespmem:$0x1FF40] =	vst v1;
	v1 =	vor.u32 s8, v0  }
0x5c: {  	[smem:$0x7EE] =	sst s0;
	s0 =	simm.s32 @!p0 $0x0;
	[tilespmem:$0x1FF50] =	vst v1;
	v1 =	vor.u32 s14, v0;
	s14 =	sor.u32 $0x680, s4  }
0x5d: {  	[dreg:$0x15] =	wrdreg s9;
	s0 =	simm.s32 @p0 $0x1;
	p0 =	slt.u32 s14, $0x8001  }
0x5e: {  	s10 =	sor.u32 $0x600, s4;
	[smem:$0x7EF] =	sst s0;
	s0 =	simm.s32 @!p0 $0x0  }
0x5f: {  	[dreg:$0x13] =	wrdreg s10;
	s0 =	simm.s32 @p0 $0x1;
	p0 =	slt.u32 s10, $0x8001  }
0x60: {  	s6 =	sor.u32 $0x7A0, s4;
	[smem:$0x7F0] =	sst s0;
	s0 =	simm.s32 @!p0 $0x0  }
0x61: {  	[dreg:$0x16] =	wrdreg s7;
	s0 =	simm.s32 @p0 $0x1;
	p0 =	slt.u32 s11, $0x8001  }
0x62: {  	s24 =	sor.u32 $0x640, s4;
	[smem:$0x7F1] =	sst s0;
	s0 =	simm.s32 @!p0 $0x0  }
0x63: {  	s25 =	sor.u32 $0x650, s4;
	s0 =	simm.s32 @p0 $0x1;
	p0 =	slt.u32 s12, $0x8001  }
0x64: {  	s26 =	sor.u32 $0x660, s4;
	[smem:$0x7F2] =	sst s0;
	s0 =	simm.s32 @!p0 $0x0  }
0x65: {  	s28 =	sor.u32 $0x670, s4;
	s0 =	simm.s32 @p0 $0x1;
	p0 =	slt.u32 s13, $0x8001  }
0x66: {  	s8 =	sor.u32 $0x690, s4;
	[smem:$0x7F3] =	sst s0;
	s0 =	simm.s32 @!p0 $0x0  }
0x67: {  	[dreg:$0x14] =	wrdreg s14;
	s0 =	simm.s32 @p0 $0x1;
	p0 =	slt.u32 s15, $0x8001  }
0x68: {  	[tilespmem:$0x1FF60] =	vst v1;
	v1 =	vor.u32 s24, v0;
	s24 =	sor.u32 $0x6A0, s4;
	[smem:$0x7F4] =	sst s0;
	s0 =	simm.s32 @!p0 $0x0  }
0x69: {  	vm5 =	vcmask $0x1714;
	vm6 =	vcmask $0x1B18;
	[tilespmem:$0x1FF70] =	vst v1;
	v1 =	vor.u32 s25, v0;
	s25 =	sor.u32 $0x6B0, s4;
	s0 =	simm.s32 @p0 $0x1;
	p0 =	slt.u32 s17, $0x8001  }
0x6a: {  	vm7 =	vcmask $0x1F1C;
	vm8 =	vcmask $0x2320;
	[tilespmem:$0x1FF80] =	vst v1;
	v1 =	vor.u32 s26, v0;
	s26 =	sor.u32 $0x6C0, s4;
	[smem:$0x7F5] =	sst s0;
	s0 =	simm.s32 @!p0 $0x0  }
0x6b: {  	vm9 =	vcmask $0x2724;
	vm10 =	vcmask $0x2B28;
	[tilespmem:$0x1FF90] =	vst v1;
	v1 =	vor.u32 s28, v0;
	s28 =	sor.u32 $0x6D0, s4;
	s0 =	simm.s32 @p0 $0x1;
	p0 =	slt.u32 s16, $0x8001  }
0x6c: {  	vm11 =	vcmask $0x2F2C;
	vm12 =	vcmask $0x3330;
	[tilespmem:$0x1FFA0] =	vst v1;
	v1 =	vor.u32 s8, v0;
	s8 =	sor.u32 $0x740, s4;
	[smem:$0x7F6] =	sst s0;
	s0 =	simm.s32 @!p0 $0x0  }
0x6d: {  	vm13 =	vcmask $0x3734;
	vm14 =	vcmask $0x3B38;
	[tilespmem:$0x1FFB0] =	vst v1;
	v1 =	vor.u32 s24, v0;
	s24 =	sor.u32 $0x6F0, s4;
	s0 =	simm.s32 @p0 $0x1;
	p0 =	slt.u32 s19, $0x8001  }
0x6e: {  	v3 =	vimm.f32 $0.0e+00;
	v4 =	vimm.s32 $0x4000;
	v39 =	vor.u32 s8, v0;
	s8 =	sor.u32 $0x7B0, s4;
	[smem:$0x7F7] =	sst s0;
	s0 =	simm.s32 @!p0 $0x0  }
0x6f: {  	v5 =	vimm.s32 $0x8000;
	v6 =	vimm.s32 $0x6000;
	[tilespmem:$0x1FFC0] =	vst v1;
	v1 =	vor.u32 s25, v0;
	s25 =	sor.u32 $0x710, s4;
	s0 =	simm.s32 @p0 $0x1;
	p0 =	slt.u32 s18, $0x8001  }
0x70: {  	v7 =	vimm.s32 $0xFFFFFFFF;
	v50 =	vor.u32 s4, v0;
	v35 =	vor.u32 s24, v0;
	s24 =	sor.u32 $0x750, s4;
	[smem:$0x7F8] =	sst s0;
	s0 =	simm.s32 @!p0 $0x0  }
0x71: {  	v51 =	vor.u32 s21, v0;
	v52 =	vor.u32 s22, v0;
	[tilespmem:$0x1FFD0] =	vst v1;
	v1 =	vor.u32 s26, v0;
	s26 =	sor.u32 $0x720, s4;
	s0 =	simm.s32 @p0 $0x1;
	p0 =	slt.u32 s23, $0x8001  }
0x72: {  	v53 =	vor.u32 s23, v0;
	v54 =	vor.u32 s18, v0;
	v36 =	vor.u32 s25, v0;
	s25 =	sor.u32 $0x760, s4;
	[smem:$0x7F9] =	sst s0;
	s0 =	simm.s32 @!p0 $0x0  }
0x73: {  	v55 =	vor.u32 s19, v0;
	v56 =	vor.u32 s16, v0;
	v40 =	vor.u32 s24, v0;
	s24 =	sor.u32 $0x7C0, s4;
	s0 =	simm.s32 @p0 $0x1;
	p0 =	slt.u32 s22, $0x8001  }
0x74: {  	v57 =	vor.u32 s17, v0;
	v58 =	vor.u32 s15, v0;
	[tilespmem:$0x1FFE0] =	vst v1;
	v1 =	vor.u32 s28, v0;
	s28 =	sor.u32 $0x730, s4;
	[smem:$0x7FA] =	sst s0;
	s0 =	simm.s32 @!p0 $0x0  }
0x75: {  	v44 =	vor.u32 s6, v0;
	v59 =	vor.u32 s13, v0;
	v37 =	vor.u32 s26, v0;
	s26 =	sor.u32 $0x770, s4;
	s0 =	simm.s32 @p0 $0x1;
	p0 =	slt.u32 s21, $0x8001  }
.Ltmp0:
0x76: {  	v60 =	vor.u32 s12, v0;
	v61 =	vor.u32 s11, v0;
	v62 =	vor.u32 s10, v0;
	[smem:$0x7FB] =	sst s0;
	s0 =	simm.s32 @!p0 $0x0;
	(pc) =	sbr.rel .LBB2_1-.Ltmp0, $4  }
0x77: {  	v2 =	vor.u32 s7, v0;
	v63 =	vor.u32 s14, v0;
	v41 =	vor.u32 s25, v0;
	s25 =	sor.u32 $0x7D0, s4;
	s0 =	simm.s32 @p0 $0x1;
	p0 =	sgt.u32 s20, $0x7  }
0x78: {  	v45 =	vor.u32 s8, v0;
	v46 =	vor.u32 s24, v0;
	v38 =	vor.u32 s28, v0;
	s28 =	sor.u32 $0x790, s4;
	[smem:$0x7FC] =	sst s0;
	s0 =	simm.s32 @!p0 $0x0  }
0x79: {  	v42 =	vor.u32 s26, v0;
	s26 =	sor.u32 $0x7E0, s4;
	v47 =	vor.u32 s25, v0;
	v43 =	vor.u32 s28, v0;
	s28 =	sor.u32 $0x7F0, s4;
	s0 =	simm.s32 @p0 $0x1  }
0x7a: {  	s31 =	simm.s32 $0x8980;
	[tilespmem:$0x1FFF0] =	vst v1;
	v1 =	vor.u32 s9, v0;
	v48 =	vor.u32 s26, v0;
	v49 =	vor.u32 s28, v0;
	[smem:$0x7FD] =	sst s0;
	s0 =	simm.s32 $0x0  }
.LBB2_20:
0x7b: {  	s0 =	rddreg [dreg:$0x17]  }
0x7c: {  	s2 =	rddreg [dreg:$0x8];
	s0 =	sadd.s32 $0x1, s0  }
0x7d: {  	p0 =	sne.s32 s0, s2  }
.Ltmp1:
0x7e: {  	_ = 	snop;
	(pc) =	sbr.rel @!p0 .LBB2_21-.Ltmp1, $1  }
0x7f: {  	_ =	sdelay $0x3  }
.LBB2_1:
0x80: {  	[dreg:$0x17] =	wrdreg s0  }
0x81: {  	s2 =	rddreg [dreg:$0x5];
	s26 =	simm.s32 $0x2  }
0x82: {  	[tilespmem:s5], [sflag:$0x2] =	stream.linear.gather [hbm4b:s2+s5], $0x800, $0x38;
	[tilespmem:$0x11180] =	vst v63  }
0x83: {  	_ =	swait.ge [sflag:s26], $0x800  }
0x84: {  	[sflag:s26] =	ssyncset.done $0x0  }
0x85: {  	s6 =	simm.s32 $0x800;
	s28 =	rddreg [dreg:$0x6];
	[sflag:s26] =	ssyncadd.s32 $0xFFFFF800  }
0x86: {  	[tilespmem:s6], [sflag:$0x2] =	stream.linear.gather [hbm4b:s28+s5], $0x10, $0x38;
	[tilespmem:$0x11180] =	vst v63  }
0x87: {  	_ =	swait.ge [sflag:s26], $0x10  }
0x88: {  	[sflag:s26] =	ssyncset.done $0x0  }
0x89: {  	v33 =	vld [tilespmem:$0x1FA00];
	[sflag:s26] =	ssyncadd.s32 $0xFFFFFFF0  }
0x8a: {  	v10 =	vld [tilespmem:$0x10];
	_ =	sdelay $0x2  }
0x8b: {  	v9 =	vld [tilespmem:$0x0]  }
0x8c: {  	v11 =	vld [tilespmem:$0x20]  }
0x8d: {  	vm1 =	veq.s32 v10, v33;
	v33 =	vld [tilespmem:$0x1FA10];
	_ =	sdelay $0x3  }
0x8e: {  	v12 =	vld [tilespmem:$0x30];
	vm0 =	veq.s32 v9, v50  }
0x8f: {  	vm0 =	vmand vm0, vm1;
	vm1 =	veq.s32 v11, v33;
	v33 =	vld [tilespmem:$0x1FA20];
	_ =	sdelay $0x3  }
0x90: {  	v13 =	vld [tilespmem:$0x40]  }
0x91: {  	vm0 =	vmand vm0, vm1;
	vm1 =	veq.s32 v12, v33;
	v33 =	vld [tilespmem:$0x1FA30];
	_ =	sdelay $0x3  }
0x92: {  	v14 =	vld [tilespmem:$0x50]  }
0x93: {  	vm0 =	vmand vm0, vm1;
	vm1 =	veq.s32 v13, v33;
	v33 =	vld [tilespmem:$0x1FA40];
	_ =	sdelay $0x3  }
0x94: {  	v18 =	vld [tilespmem:$0x90]  }
0x95: {  	vm0 =	vmand vm0, vm1;
	vm1 =	veq.s32 v14, v33;
	v33 =	vld [tilespmem:$0x1FA70];
	_ =	sdelay $0x3  }
0x96: {  	v15 =	vld [tilespmem:$0x60]  }
0x97: {  	vm15 =	veq.s32 v18, v33;
	v33 =	vld [tilespmem:$0x1FA50];
	_ =	sdelay $0x2  }
0x98: {  	v16 =	vld [tilespmem:$0x70]  }
0x99: {  	v20 =	vld [tilespmem:$0xB0]  }
0x9a: {  	vm2 =	veq.s32 v15, v33;
	v33 =	vld [tilespmem:$0x1FA90]  }
0x9b: {  	v17 =	vld [tilespmem:$0x80]  }
0x9c: {  	v19 =	vld [tilespmem:$0xA0]  }
0x9d: {  	v18 =	vld [tilespmem:$0x1FA80]  }
0x9e: {  	v21 =	vld [tilespmem:$0xC0];
	vm0 =	vmand vm0, vm1  }
0x9f: {  	vm0 =	vmand vm0, vm2;
	vm2 =	veq.s32 v20, v33;
	v20 =	vld [tilespmem:$0x1FAA0]  }
0xa0: {  	v33 =	vld [tilespmem:$0x1FA60]  }
0xa1: {  	vm1 =	veq.s32 v17, v51  }
0xa2: {  	v22 =	vld [tilespmem:$0xD0];
	vm1 =	vmand vm1, vm15;
	vm15 =	veq.s32 v19, v18  }
0xa3: {  	v23 =	vld [tilespmem:$0xE0];
	vm1 =	vmand vm1, vm15  }
0xa4: {  	vm1 =	vmand vm1, vm2;
	vm2 =	veq.s32 v21, v20;
	v21 =	vld [tilespmem:$0x1FAB0]  }
0xa5: {  	vm15 =	veq.s32 v16, v33;
	v33 =	vld [tilespmem:$0x1FAC0];
	_ =	sdelay $0x1  }
0xa6: {  	v8 =	vld [tilespmem:$0x800]  }
0xa7: {  	v24 =	vld [tilespmem:$0xF0]  }
0xa8: {  	v25 =	vld [tilespmem:$0x100];
	vm1 =	vmand vm1, vm2;
	vm2 =	veq.s32 v22, v21  }
0xa9: {  	vm1 =	vmand vm1, vm2;
	vm2 =	veq.s32 v23, v33;
	v33 =	vld [tilespmem:$0x1FAD0];
	_ =	sdelay $0x1  }
0xaa: {  	v8 =	vxor.u32 $0x80000000, v8  }
0xab: {  	(xrf0) =	vmax.scan.msk.u32 $0xffff, v8;
	v17 =	vxor.u32 $0x80000000, v17;
	vm0 =	vmand vm0, vm15  }
0xac: {  	(xrf0) =	vmin.scan.msk.u32 $0xffff, v17;
	v17 =	vsel vm0, $0x3F800000, v3  }
0xad: {  	v26 =	vld [tilespmem:$0x110];
	(xrf0) =	vmin.scan.msk.f32 $0xffff, v17;
	vm0 =	vmand vm1, vm2;
	vm1 =	veq.s32 v24, v33;
	v33 =	vxor.u32 $0x80000000, v25  }
0xae: {  	(xrf0) =	vmin.scan.msk.u32 $0xffff, v33;
	v33 =	vld [tilespmem:$0x1FAE0];
	_ =	sdelay $0x3  }
0xaf: {  	v27 =	vld [tilespmem:$0x120]  }
0xb0: {  	vm0 =	vmand vm0, vm1;
	vm1 =	veq.s32 v26, v33;
	v33 =	vld [tilespmem:$0x1FAF0];
	_ =	sdelay $0x3  }
0xb1: {  	v28 =	vld [tilespmem:$0x130];
	v24 =	vsel vm0, $0x3F800000, v3;
	vm0 =	veq.s32 v25, v52  }
0xb2: {  	vm0 =	vmand vm0, vm1;
	vm1 =	veq.s32 v27, v33;
	v33 =	vld [tilespmem:$0x1FB00];
	_ =	sdelay $0x3  }
0xb3: {  	v29 =	vld [tilespmem:$0x140]  }
0xb4: {  	vm0 =	vmand vm0, vm1;
	vm1 =	veq.s32 v28, v33;
	v33 =	vld [tilespmem:$0x1FB10];
	_ =	sdelay $0x2  }
0xb5: {  	v30 =	vld [tilespmem:$0x150]  }
0xb6: {  	v31 =	vld [tilespmem:$0x160]  }
0xb7: {  	vm0 =	vmand vm0, vm1;
	vm1 =	veq.s32 v29, v33;
	v33 =	vld [tilespmem:$0x1FB20]  }
0xb8: {  	v32 =	vld [tilespmem:$0x170]  }
0xb9: {  	v9 =	vld [tilespmem:$0x180]  }
0xba: {  	v10 =	vld [tilespmem:$0x190]  }
0xbb: {  	v11 =	vld [tilespmem:$0x1A0]  }
0xbc: {  	vm0 =	vmand vm0, vm1;
	vm1 =	veq.s32 v30, v33;
	v33 =	vld [tilespmem:$0x1FB30]  }
0xbd: {  	v12 =	vld [tilespmem:$0x1B0]  }
0xbe: {  	v13 =	vld [tilespmem:$0x1C0]  }
0xbf: {  	v14 =	vld [tilespmem:$0x1D0]  }
0xc0: {  	v15 =	vld [tilespmem:$0x1E0]  }
0xc1: {  	vm0 =	vmand vm0, vm1;
	vm1 =	veq.s32 v31, v33;
	v33 =	vld [tilespmem:$0x1FB50]  }
0xc2: {  	v18 =	vld [tilespmem:$0x1F0]  }
0xc3: {  	v19 =	vld [tilespmem:$0x210]  }
0xc4: {  	v16 =	vld [tilespmem:$0x200]  }
0xc5: {  	v20 =	vld [tilespmem:$0x220]  }
0xc6: {  	vm2 =	veq.s32 v10, v33;
	v33 =	vld [tilespmem:$0x1FB40]  }
0xc7: {  	v17 =	vld [tilespmem:$0x260];
	(xrf0) =	vmin.scan.msk.f32 $0xffff, v24  }
0xc8: {  	v21 =	vld [tilespmem:$0x230]  }
0xc9: {  	v22 =	vld [tilespmem:$0x240];
	v25, _, _ =	vpop (xrf0)  }
0xca: {  	v23 =	vld [tilespmem:$0x250];
	(v2sf) =	vpush v25, $0xF;
	v25, _, _ =	vpop (xrf0)  }
0xcb: {  	(v2sf) =	vpush v25, $0xF;
	v25, _, _ =	vpop (xrf0);
	vm15 =	veq.s32 v32, v33;
	v33 =	vld [tilespmem:$0x1FB60]  }
0xcc: {  	v24 =	vld [tilespmem:$0x270];
	(v2sf) =	vpush v25, $0xF;
	v25, _, _ =	vpop (xrf0)  }
0xcd: {  	v26 =	vld [tilespmem:$0x280];
	(v2sf) =	vpush v25, $0xF;
	v25, _, _ =	vpop (xrf0)  }
0xce: {  	(v2sf) =	vpush v25, $0xF;
	v25 =	vld [tilespmem:$0x2D0]  }
0xcf: {  	v27 =	vld [tilespmem:$0x290];
	vm0 =	vmand vm0, vm1;
	vm1 =	veq.s32 v9, v53  }
0xd0: {  	vm1 =	vmand vm1, vm2;
	vm2 =	veq.s32 v11, v33;
	v33 =	vld [tilespmem:$0x1FB70]  }
0xd1: {  	v28 =	vld [tilespmem:$0x2A0]  }
0xd2: {  	v29 =	vld [tilespmem:$0x2B0]  }
0xd3: {  	v30 =	vld [tilespmem:$0x2C0];
	v9 =	vxor.u32 $0x80000000, v9  }
0xd4: {  	(xrf0) =	vmin.scan.msk.u32 $0xffff, v9;
	v9 =	vld [tilespmem:$0x330]  }
0xd5: {  	vm1 =	vmand vm1, vm2;
	vm2 =	veq.s32 v12, v33;
	v33 =	vld [tilespmem:$0x1FB80]  }
0xd6: {  	v32 =	vld [tilespmem:$0x1FB90];
	vm0 =	vmand vm0, vm15  }
0xd7: {  	v10 =	vld [tilespmem:$0x2E0];
	v31 =	vsel vm0, $0x3F800000, v3  }
0xd8: {  	(xrf0) =	vmin.scan.msk.f32 $0xffff, v31;
	v31 =	vld [tilespmem:$0x1FBE0]  }
0xd9: {  	v11 =	vld [tilespmem:$0x2F0]  }
0xda: {  	v12 =	vld [tilespmem:$0x300];
	vm1 =	vmand vm1, vm2;
	vm2 =	veq.s32 v13, v33  }
0xdb: {  	vm0 =	vmand vm1, vm2;
	vm1 =	veq.s32 v14, v32;
	v32 =	vld [tilespmem:$0x1FBC0]  }
0xdc: {  	v33 =	vld [tilespmem:$0x1FBD0]  }
0xdd: {  	v13 =	vld [tilespmem:$0x310]  }
0xde: {  	v14 =	vld [tilespmem:$0x320];
	vm0 =	vmand vm0, vm1;
	vm1 =	veq.s32 v16, v54;
	v16 =	vxor.u32 $0x80000000, v16  }
0xdf: {  	(xrf0) =	vmin.scan.msk.u32 $0xffff, v16;
	v16 =	vld [tilespmem:$0x360]  }
0xe0: {  	vm2 =	veq.s32 v19, v32;
	v32 =	vld [tilespmem:$0x1FBF0]  }
0xe1: {  	vm1 =	vmand vm1, vm2;
	vm2 =	veq.s32 v20, v33;
	v20 =	vld [tilespmem:$0x1FBA0]  }
0xe2: {  	v33 =	vld [tilespmem:$0x1FBB0]  }
0xe3: {  	vm1 =	vmand vm1, vm2;
	vm2 =	veq.s32 v21, v31;
	v31 =	vld [tilespmem:$0x1FC00]  }
0xe4: {  	v19 =	vld [tilespmem:$0x340]  }
0xe5: {  	v21 =	vld [tilespmem:$0x390]  }
0xe6: {  	vm1 =	vmand vm1, vm2;
	vm2 =	veq.s32 v22, v32;
	v32 =	vld [tilespmem:$0x1FC10]  }
0xe7: {  	v22 =	vld [tilespmem:$0x3A0];
	vm15 =	veq.s32 v15, v20;
	vm1 =	vmand vm1, vm2  }
0xe8: {  	vm0 =	vmand vm0, vm15;
	vm15 =	veq.s32 v18, v33;
	vm2 =	veq.s32 v23, v31;
	v33, _, _ =	vpop (xrf0);
	v31 =	vld [tilespmem:$0x1FC30]  }
0xe9: {  	(v2sf) =	vpush v33, $0xF;
	v33 =	vld [tilespmem:$0x1FC40]  }
0xea: {  	v15 =	vld [tilespmem:$0x350]  }
0xeb: {  	v20 =	vld [tilespmem:$0x3C0]  }
0xec: {  	v18 =	vld [tilespmem:$0x370];
	vm0 =	vmand vm0, vm15;
	vm1 =	vmand vm1, vm2;
	vm2 =	veq.s32 v17, v32  }
0xed: {  	v23 =	vld [tilespmem:$0x3B0];
	vm1 =	vmand vm1, vm2;
	vm2 =	veq.s32 v26, v55;
	vm15 =	veq.s32 v27, v31  }
0xee: {  	vm2 =	vmand vm2, vm15;
	vm15 =	veq.s32 v28, v33;
	v28 =	vld [tilespmem:$0x1FC50]  }
0xef: {  	v17 =	vld [tilespmem:$0x380]  }
0xf0: {  	v32, _, _ =	vpop (xrf0);
	v31 =	vld [tilespmem:$0x1FC60]  }
0xf1: {  	(v2sf) =	vpush v32, $0xF;
	v32 =	vld [tilespmem:$0x1FC70];
	v27, _, _ =	vpop (xrf0)  }
0xf2: {  	(v2sf) =	vpush v27, $0xF;
	v33 =	vld [tilespmem:$0x1FC20]  }
0xf3: {  	v27 =	vsel vm0, $0x3F800000, v3;
	vm2 =	vmand vm2, vm15;
	vm15 =	veq.s32 v29, v28;
	v28 =	vld [tilespmem:$0x1FC80]  }
0xf4: {  	(xrf0) =	vmin.scan.msk.f32 $0xffff, v27;
	v29 =	vld [tilespmem:$0x1FC90]  }
0xf5: {  	vm2 =	vmand vm2, vm15;
	vm15 =	veq.s32 v30, v31;
	v30 =	vld [tilespmem:$0x1FCA0]  }
0xf6: {  	v31 =	vld [tilespmem:$0x1FCB0]  }
0xf7: {  	vm0 =	vmand vm2, vm15;
	vm2 =	veq.s32 v25, v32;
	v25 =	vld [tilespmem:$0x3D0]  }
0xf8: {  	v32 =	vld [tilespmem:$0x1FCC0]  }
0xf9: {  	vm15 =	veq.s32 v24, v33;
	v24 =	vxor.u32 $0x80000000, v26;
	v33 =	vld [tilespmem:$0x1FCD0]  }
0xfa: {  	v27, _, _ =	vpop (xrf0);
	(xrf0) =	vmin.scan.msk.u32 $0xffff, v24;
	v24 =	vld [tilespmem:$0x1FD50]  }
0xfb: {  	vm1 =	vmand vm1, vm15;
	(v2sf) =	vpush v27, $0xF;
	v27 =	vld [tilespmem:$0x1FDE0]  }
0xfc: {  	vm0 =	vmand vm0, vm2;
	v26 =	vsel vm1, $0x3F800000, v3;
	vm2 =	veq.s32 v10, v28;
	v10 =	vld [tilespmem:$0x3E0]  }
0xfd: {  	(xrf0) =	vmin.scan.msk.f32 $0xffff, v26;
	v26 =	vld [tilespmem:$0x1FD60]  }
0xfe: {  	vm0 =	vmand vm0, vm2;
	vm2 =	veq.s32 v11, v29;
	v11 =	vld [tilespmem:$0x3F0]  }
0xff: {  	vm15 =	veq.s32 v13, v30;
	v13 =	vld [tilespmem:$0x400]  }
0x100: {  	v30 =	vld [tilespmem:$0x1FCF0]  }
0x101: {  	v29 =	vld [tilespmem:$0x1FD70];
	vm0 =	vmand vm0, vm2;
	vm2 =	veq.s32 v12, v56  }
0x102: {  	vm2 =	vmand vm2, vm15;
	vm15 =	veq.s32 v14, v31;
	v14 =	vld [tilespmem:$0x410]  }
0x103: {  	vm1 =	vmand vm2, vm15;
	vm2 =	veq.s32 v9, v32;
	v32 =	vld [tilespmem:$0x1FCE0]  }
0x104: {  	v12 =	vxor.u32 $0x80000000, v12;
	v31 =	vld [tilespmem:$0x1FD20]  }
0x105: {  	(xrf0) =	vmin.scan.msk.u32 $0xffff, v12;
	v12 =	vld [tilespmem:$0x480]  }
0x106: {  	vm1 =	vmand vm1, vm2;
	vm2 =	veq.s32 v19, v33;
	v33 =	vld [tilespmem:$0x1FD10]  }
0x107: {  	v9 =	vld [tilespmem:$0x420]  }
0x108: {  	v28 =	vsel vm0, $0x3F800000, v3;
	vm0 =	vmand vm1, vm2;
	vm1 =	veq.s32 v15, v32;
	v32 =	vld [tilespmem:$0x1FD30]  }
0x109: {  	v19 =	vld [tilespmem:$0x430]  }
0x10a: {  	vm15 =	veq.s32 v16, v30;
	v16 =	vld [tilespmem:$0x460]  }
0x10b: {  	vm0 =	vmand vm0, vm1;
	vm1 =	veq.s32 v17, v57;
	vm2 =	veq.s32 v21, v33;
	v33 =	vld [tilespmem:$0x1FD00]  }
0x10c: {  	v15 =	vld [tilespmem:$0x440];
	vm1 =	vmand vm1, vm2;
	vm2 =	veq.s32 v22, v31  }
0x10d: {  	vm1 =	vmand vm1, vm2;
	vm2 =	veq.s32 v23, v32;
	v23 =	vld [tilespmem:$0x1FD40]  }
0x10e: {  	v21 =	vld [tilespmem:$0x450]  }
0x10f: {  	(xrf0) =	vmin.scan.msk.f32 $0xffff, v28;
	v17 =	vxor.u32 $0x80000000, v17;
	v22 =	vld [tilespmem:$0x470]  }
0x110: {  	vm0 =	vmand vm0, vm15;
	(xrf0) =	vmin.scan.msk.u32 $0xffff, v17;
	v17 =	vld [tilespmem:$0x4E0];
	vm15 =	veq.s32 v18, v33  }
0x111: {  	v18 =	vld [tilespmem:$0x490];
	vm0 =	vmand vm0, vm15  }
0x112: {  	vm1 =	vmand vm1, vm2;
	v28 =	vsel vm0, $0x3F800000, v3;
	vm2 =	veq.s32 v20, v23;
	v23 =	vld [tilespmem:$0x4C0]  }
0x113: {  	v30, _, _ =	vpop (xrf0);
	v31 =	vxor.u32 $0x80000000, v13;
	(xrf0) =	vmin.scan.msk.f32 $0xffff, v28;
	v20 =	vld [tilespmem:$0x4F0]  }
0x114: {  	v32, _, _ =	vpop (xrf0);
	(xrf0) =	vmin.scan.msk.u32 $0xffff, v31;
	v31 =	vld [tilespmem:$0x1FD80]  }
0x115: {  	vm1 =	vmand vm1, vm2;
	vm2 =	veq.s32 v25, v24;
	v24 =	vld [tilespmem:$0x4D0]  }
0x116: {  	v25 =	vld [tilespmem:$0x500]  }
0x117: {  	vm1 =	vmand vm1, vm2;
	vm2 =	veq.s32 v10, v26;
	v10 =	vld [tilespmem:$0x4A0]  }
0x118: {  	(v2sf) =	vpush v30, $0xF;
	v26 =	vld [tilespmem:$0x1FDD0]  }
0x119: {  	(v2sf) =	vpush v32, $0xF;
	v28, _, _ =	vpop (xrf0);
	vm0 =	vmand vm1, vm2;
	vm1 =	veq.s32 v11, v29;
	v11 =	vld [tilespmem:$0x4B0]  }
0x11a: {  	(v2sf) =	vpush v28, $0xF;
	v29, _, _ =	vpop (xrf0);
	vm0 =	vmand vm0, vm1;
	vm1 =	veq.s32 v14, v31;
	v14 =	vld [tilespmem:$0x510]  }
0x11b: {  	(v2sf) =	vpush v29, $0xF;
	v30, _, _ =	vpop (xrf0);
	v33 =	vsel vm0, $0x3F800000, v3;
	vm0 =	veq.s32 v13, v58;
	v13 =	vld [tilespmem:$0x520]  }
0x11c: {  	(v2sf) =	vpush v30, $0xF;
	v30 =	vld [tilespmem:$0x1FDA0]  }
0x11d: {  	v28, _, _ =	vpop (xrf0);
	(xrf0) =	vmin.scan.msk.f32 $0xffff, v33;
	v33 =	vld [tilespmem:$0x1FD90]  }
0x11e: {  	v32 =	vxor.u32 $0x80000000, v12;
	(v2sf) =	vpush v28, $0xF;
	v28 =	vld [tilespmem:$0x1FDF0]  }
0x11f: {  	(xrf0) =	vmin.scan.msk.u32 $0xffff, v32;
	v32 =	vld [tilespmem:$0x1FDB0]  }
0x120: {  	vm2 =	veq.s32 v16, v26;
	v16 =	vld [tilespmem:$0x560]  }
0x121: {  	v26 =	vld [tilespmem:$0x1FE30]  }
0x122: {  	vm0 =	vmand vm0, vm1;
	vm1 =	veq.s32 v9, v33;
	v33 =	vld [tilespmem:$0x1FDC0]  }
0x123: {  	v9 =	vld [tilespmem:$0x550]  }
0x124: {  	vm15 =	veq.s32 v18, v28;
	v28 =	vld [tilespmem:$0x1FE60]  }
0x125: {  	v18 =	vld [tilespmem:$0x5E0]  }
0x126: {  	vm0 =	vmand vm0, vm1;
	vm1 =	veq.s32 v19, v30;
	v19 =	vld [tilespmem:$0x530]  }
0x127: {  	v29, _, _ =	vpop (xrf0);
	v30 =	vld [tilespmem:$0x1FE00]  }
0x128: {  	(v2sf) =	vpush v29, $0xF;
	v31, _, _ =	vpop (xrf0);
	vm0 =	vmand vm0, vm1;
	vm1 =	veq.s32 v15, v32;
	v15 =	vld [tilespmem:$0x540]  }
0x129: {  	(v2sf) =	vpush v31, $0xF;
	v29, _, _ =	vpop (xrf0);
	v31 =	vld [tilespmem:$0x1FE10]  }
0x12a: {  	(v2sf) =	vpush v29, $0xF;
	v29 =	vld [tilespmem:$0x1FE70]  }
0x12b: {  	vm0 =	vmand vm0, vm1;
	vm1 =	veq.s32 v21, v33;
	v33 =	vld [tilespmem:$0x1FE20]  }
0x12c: {  	v21 =	vld [tilespmem:$0x5A0]  }
0x12d: {  	vm0 =	vmand vm0, vm1;
	vm1 =	veq.s32 v22, v27;
	v27 =	vld [tilespmem:$0x1FE40]  }
0x12e: {  	vm0 =	vmand vm0, vm2;
	vm2 =	veq.s32 v12, v59;
	v12 =	vld [tilespmem:$0x570]  }
0x12f: {  	vm0 =	vmand vm0, vm1;
	vm1 =	vmand vm2, vm15;
	vm2 =	veq.s32 v10, v30;
	v10 =	vld [tilespmem:$0x580]  }
0x130: {  	vm15 =	veq.s32 v14, v28;
	v14 =	vld [tilespmem:$0x5C0]  }
0x131: {  	v30 =	vld [tilespmem:$0x1FE50]  }
0x132: {  	v28 =	vld [tilespmem:$0x1FEC0]  }
0x133: {  	vm1 =	vmand vm1, vm2;
	vm2 =	veq.s32 v11, v31;
	v11 =	vld [tilespmem:$0x590]  }
0x134: {  	v32 =	vsel vm0, $0x3F800000, v3;
	v31 =	vld [tilespmem:$0x1FE80]  }
0x135: {  	(xrf0) =	vmin.scan.msk.f32 $0xffff, v32;
	v32 =	vld [tilespmem:$0x1FE90]  }
0x136: {  	vm0 =	vmand vm1, vm2;
	vm1 =	veq.s32 v23, v33;
	vm2 =	veq.s32 v24, v26;
	v24 =	vld [tilespmem:$0x1FEA0]  }
0x137: {  	vm0 =	vmand vm0, vm1;
	vm1 =	veq.s32 v17, v27;
	v17 =	vld [tilespmem:$0x5B0]  }
0x138: {  	v33 =	vxor.u32 $0x80000000, v25;
	v27 =	vld [tilespmem:$0x1FEB0]  }
0x139: {  	(xrf0) =	vmin.scan.msk.u32 $0xffff, v33;
	v33 =	vld [tilespmem:$0x1FF00];
	vm0 =	vmand vm0, vm2;
	vm2 =	veq.s32 v25, v60  }
0x13a: {  	vm0 =	vmand vm0, vm1;
	vm1 =	vmand vm2, vm15;
	vm2 =	veq.s32 v13, v29;
	v13 =	vld [tilespmem:$0x5D0]  }
0x13b: {  	v29 =	vld [tilespmem:$0x1FED0]  }
0x13c: {  	vm15 =	veq.s32 v20, v30;
	v30 =	vld [tilespmem:$0x1FEE0]  }
0x13d: {  	s23 =	rddreg [dreg:$0x7];
	v20 =	vld [tilespmem:$0x1FFA0]  }
0x13e: {  	s25 =	sld [smem:$0x7FD];
	vm1 =	vmand vm1, vm2;
	vm2 =	veq.s32 v19, v31;
	v19 =	vld [tilespmem:$0x620]  }
0x13f: {  	s24 =	rddreg [dreg:$0x9];
	v31 =	vld [tilespmem:$0x1FEF0]  }
0x140: {  	s26 =	sld [smem:$0x7FC];
	s0 =	spop (v2sf);
	vm1 =	vmand vm1, vm2;
	vm2 =	veq.s32 v15, v32;
	v15 =	vld [tilespmem:$0x5F0]  }
0x141: {  	p0 =	seq.s32 s25, $0x1;
	s25 =	rddreg [dreg:$0xb];
	s12 =	spop (v2sf);
	vm0 =	vmand vm0, vm15;
	vm1 =	vmand vm1, vm2;
	vm2 =	veq.s32 v9, v24;
	v9 =	vld [tilespmem:$0x600]  }
0x142: {  	s2 =	sxor.u32 $0x80000000, s0;
	s13 =	spop (v2sf);
	s12 =	sxor.u32 $0x80000000, s12;
	v26 =	vsel vm0, $0x3F800000, v3;
	v25, _, _ =	vpop (xrf0);
	vm0 =	vmand vm1, vm2;
	vm1 =	veq.s32 v16, v27;
	v16 =	vld [tilespmem:$0x610]  }
0x143: {  	p1 =	sge.s32 s12, s23;
	p2 =	sgt.f32 s13, $0.0e+00;
	s14 =	spop (v2sf);
	(v2sf) =	vpush v25, $0xF;
	v25 =	vld [tilespmem:$0x1FF10]  }
0x144: {  	p1 =	por p0, p1;
	s22 =	sxor.u32 $0x80000000, s14;
	s17 =	spop (v2sf);
	v27 =	vld [tilespmem:$0x1FF20]  }
0x145: {  	p2 =	por !p2, !p1;
	p5 =	sge.s32 s22, s24;
	s19 =	spop (v2sf);
	vm2 =	veq.s32 v10, v61;
	vm15 =	veq.s32 v11, v29;
	v11 =	vld [tilespmem:$0x630]  }
0x146: {  	s22 =	rddreg [dreg:$0xa];
	p6 =	sgt.f32 s17, $0.0e+00;
	s19 =	sxor.u32 $0x80000000, s19;
	(xrf0) =	vmin.scan.msk.f32 $0xffff, v26;
	v10 =	vxor.u32 $0x80000000, v10;
	vm0 =	vmand vm0, vm1;
	vm1 =	veq.s32 v12, v28;
	v12 =	vld [tilespmem:$0x640]  }
0x147: {  	p4 =	por !p2, !p2;
	p3 =	por p0, p5;
	p5 =	sge.s32 s19, s22;
	(xrf0) =	vmin.scan.msk.u32 $0xffff, v10;
	v10 =	vld [tilespmem:$0x680]  }
0x148: {  	p2 =	sle.s32 s2, s4;
	p6 =	por !p6, !p3;
	s0 =	simm.s32 @!p5 $0x0;
	v24, _, _ =	vpop (xrf0);
	v29 =	vld [tilespmem:$0x1FF30]  }
0x149: {  	p6 =	por !p6, !p6;
	s28 =	spop (v2sf);
	s0 =	simm.s32 @p5 $0x1;
	(v2sf) =	vpush v24, $0xF;
	v24 =	vld [tilespmem:$0x1FF60]  }
0x14a: {  	p5 =	seq.s32 s26, $0x1;
	s26 =	sld [smem:$0x7FB];
	s21 =	spop (v2sf);
	vm0 =	vmand vm0, vm1;
	vm1 =	vmand vm2, vm15;
	vm2 =	veq.s32 v21, v30;
	v30 =	vld [tilespmem:$0x1FF40]  }
0x14b: {  	[smem:$0x7DD] =	sst s0;
	p4 =	por @!p5 p2, p2;
	s21 =	sxor.u32 $0x80000000, s21;
	v21 =	vld [tilespmem:$0x1FFD0]  }
0x14c: {  	p2 =	sle.s32 s2, s23;
	s23 =	sld [smem:$0x7DD];
	p3 =	sge.s32 s21, s25;
	vm1 =	vmand vm1, vm2;
	vm2 =	veq.s32 v17, v31;
	v17 =	vld [tilespmem:$0x650]  }
0x14d: {  	p1 =	sgt.f32 s28, $0.0e+00;
	s28 =	simm.s32 $0x1;
	s0 =	simm.s32 @!p3 $0x0;
	v31 =	vld [tilespmem:$0x1FF50]  }
0x14e: {  	s28 =	simm.s32 @!p4 $0x0;
	p4 =	seq.s32 s26, $0x1;
	s0 =	simm.s32 @p3 $0x1;
	v32 =	vsel vm0, $0x3F800000, v3;
	vm0 =	vmand vm1, vm2;
	vm1 =	veq.s32 v14, v33;
	v14 =	vld [tilespmem:$0x660]  }
0x14f: {  	p5 =	seq.s32 s23, $0x1;
	s23 =	sld [smem:$0x7FA];
	s20 =	spop (v2sf);
	v26 =	vxor.u32 $0x80000000, v9;
	vm2 =	veq.s32 v9, v62;
	v9 =	vld [tilespmem:$0x6A0]  }
0x150: {  	p3 =	por p0, p5;
	p5 =	por p0, p0;
	p0 =	sgt.f32 s20, $0.0e+00;
	(xrf0) =	vmin.scan.msk.f32 $0xffff, v32;
	vm0 =	vmand vm0, vm1;
	vm1 =	veq.s32 v13, v25;
	v13 =	vld [tilespmem:$0x670]  }
0x151: {  	p6 =	por @!p4 p2, p2;
	[smem:$0x7DE] =	sst s0;
	p1 =	por !p1, !p3;
	(xrf0) =	vmin.scan.msk.u32 $0xffff, v26;
	v26 =	vld [tilespmem:$0x1FF70]  }
0x152: {  	p3 =	sle.s32 s2, s24;
	s24 =	rddreg [dreg:$0xc];
	s0 =	simm.s32 @!p0 $0x0;
	v28, _, _ =	vpop (xrf0);
	vm0 =	vmand vm0, vm1;
	vm1 =	veq.s32 v18, v27;
	v18 =	vld [tilespmem:$0x690]  }
0x153: {  	s26 =	sld [smem:$0x7DE];
	p4 =	seq.s32 s23, $0x1;
	s0 =	simm.s32 @p0 $0x1;
	(v2sf) =	vpush v28, $0xF;
	v28 =	vld [tilespmem:$0x1FF80]  }
0x154: {  	p0 =	por !p1, !p1;
	[smem:$0x7DF] =	sst s0;
	s15 =	spop (v2sf);
	vm0 =	vmand vm0, vm1;
	vm1 =	veq.s32 v15, v29;
	v15 =	vld [tilespmem:$0x6B0]  }
0x155: {  	p1 =	por p5, p5;
	s23 =	sld [smem:$0x7DF];
	s15 =	sxor.u32 $0x80000000, s15;
	v29 =	vld [tilespmem:$0x6E0]  }
0x156: {  	p0 =	por @!p4 p3, p3;
	p2 =	sge.s32 s15, s24;
	s15 =	simm.s32 $0x1;
	vm15 =	veq.s32 v16, v30;
	v32, _, _ =	vpop (xrf0);
	v30 =	vld [tilespmem:$0x1FF90];
	vm0 =	vmand vm0, vm1  }
0x157: {  	p4 =	seq.s32 s26, $0x1;
	s26 =	smov.u32 s1;
	s15 =	simm.s32 @!p6 $0x0;
	vm1 =	vmand vm2, vm15;
	vm2 =	veq.s32 v19, v31;
	(v2sf) =	vpush v32, $0xF;
	v32 =	vld [tilespmem:$0x1FFB0]  }
0x158: {  	p6 =	seq.s32 s23, $0x1;
	s23 =	sld [smem:$0x7F9];
	s16 =	spop (v2sf);
	v33 =	vsel vm0, $0x3F800000, v3;
	vm0 =	vmand vm1, vm2;
	vm1 =	veq.s32 v11, v24;
	v11 =	vld [tilespmem:$0x6C0]  }
0x159: {  	s1 =	rddreg [dreg:$0xd];
	p3 =	sgt.f32 s16, $0.0e+00;
	s16 =	simm.s32 $0x1;
	(xrf0) =	vmin.scan.msk.f32 $0xffff, v33;
	vm0 =	vmand vm0, vm1;
	vm1 =	veq.s32 v12, v26;
	v33 =	vld [tilespmem:$0x1FFC0]  }
0x15a: {  	p5 =	por p5, p4;
	p2 =	por p1, p2;
	s16 =	simm.s32 @!p0 $0x0;
	v24 =	vld [tilespmem:$0x1FFE0];
	vm0 =	vmand vm0, vm1;
	vm1 =	veq.s32 v17, v28  }
0x15b: {  	p0 =	por !p6, !p5;
	p6 =	sle.s32 s2, s22;
	p5 =	seq.s32 s23, $0x1;
	v25, _, _ =	vpop (xrf0);
	v12 =	vld [tilespmem:$0x6D0];
	vm0 =	vmand vm0, vm1;
	vm1 =	veq.s32 v14, v30  }
0x15c: {  	p0 =	por !p0, !p0;
	p2 =	por !p3, !p2;
	s18 =	spop (v2sf);
	vm15 =	veq.s32 v13, v20;
	v26 =	vld [tilespmem:$0x1FFF0];
	(v2sf) =	vpush v25, $0xF;
	vm0 =	vmand vm0, vm1  }
0x15d: {  	p0 =	por @!p5 p6, p6;
	p6 =	por !p2, !p2;
	s18 =	sxor.u32 $0x80000000, s18;
	v31 =	vld [tilespmem:$0x6F0];
	vm1 =	veq.s32 v10, v63;
	vm2 =	veq.s32 v18, v32;
	v10 =	vxor.u32 $0x80000000, v10  }
0x15e: {  	p2 =	sle.s32 s2, s25;
	s7 =	spop (v2sf);
	p4 =	sge.s32 s18, s1;
	v19 =	vld [tilespmem:$0x710];
	v27, _, _ =	vpop (xrf0);
	vm1 =	vmand vm1, vm2;
	(xrf0) =	vmin.scan.msk.u32 $0xffff, v10;
	vm0 =	vmand vm0, vm15;
	vm2 =	veq.s32 v9, v33  }
0x15f: {  	s25 =	sld [smem:$0x7F8];
	s10 =	spop (v2sf);
	s0 =	simm.s32 @!p4 $0x0;
	v16 =	vld [tilespmem:$0x700];
	v28 =	vsel vm0, $0x3F800000, v3;
	vm1 =	vmand vm1, vm2;
	vm2 =	veq.s32 v15, v21  }
0x160: {  	v22 =	vld [tilespmem:$0x720];
	p3 =	sgt.f32 s7, $0.0e+00;
	s6 =	spop (v2sf);
	s0 =	simm.s32 @p4 $0x1;
	v23, _, _ =	vpop (xrf0);
	(xrf0) =	vmin.scan.msk.f32 $0xffff, v28;
	vm1 =	vmand vm1, vm2;
	vm2 =	veq.s32 v11, v24  }
0x161: {  	p4 =	por p1, p1;
	s11 =	spop (v2sf);
	[smem:$0x7E0] =	sst s0;
	v25 =	vld [tilespmem:$0x730];
	(v2sf) =	vpush v27, $0xF;
	vm1 =	vmand vm1, vm2;
	vm2 =	veq.s32 v12, v26  }
0x162: {  	s10 =	sxor.u32 $0x80000000, s10;
	s0 =	rddreg [dreg:$0xe];
	p5 =	sgt.f32 s6, $0.0e+00;
	v27 =	vld [tilespmem:$0x740];
	(v2sf) =	vpush v23, $0xF;
	vm0 =	vmand vm1, vm2;
	vm1 =	veq.s32 v29, v34  }
0x163: {  	p1 =	sge.s32 s10, s0;
	s11 =	sxor.u32 $0x80000000, s11;
	s8 =	spop (v2sf);
	v29 =	vld [tilespmem:$0x750];
	vm2 =	veq.s32 v19, v36;
	vm0 =	vmand vm0, vm1;
	vm1 =	veq.s32 v31, v35  }
0x164: {  	s10 =	simm.s32 $0x1;
	s7 =	simm.s32 @!p1 $0x0;
	s9 =	spop (v2sf);
	v30 =	vld [tilespmem:$0x760];
	v32, _, _ =	vpop (xrf0);
	vm0 =	vmand vm0, vm1;
	vm1 =	veq.s32 v16, v1;
	v16 =	vxor.u32 $0x80000000, v16  }
0x165: {  	s23 =	sld [smem:$0x7E0];
	s7 =	simm.s32 @p1 $0x1;
	v33 =	vld [tilespmem:$0x770];
	s12 =	spop (v2sf);
	(v2sf) =	vpush v32, $0xF;
	vm1 =	vmand vm1, vm2;
	vm2 =	veq.s32 v22, v37  }
0x166: {  	p1 =	seq.s32 s25, $0x1;
	s25 =	rddreg [dreg:$0xf];
	s14 =	spop (v2sf);
	v31 =	vld [tilespmem:$0x780];
	(xrf0) =	vmin.scan.msk.u32 $0xffff, v16;
	v18 =	vsel vm0, $0x3F800000, v3;
	v21, _, _ =	vpop (xrf0);
	vm1 =	vmand vm1, vm2;
	vm2 =	veq.s32 v25, v38  }
0x167: {  	[smem:$0x7E1] =	sst s7;
	s7 =	simm.s32 $0x1;
	v19 =	vld [tilespmem:$0x790];
	s13 =	spop (v2sf);
	(v2sf) =	vpush v21, $0xF;
	vm0 =	vmand vm1, vm2;
	vm1 =	veq.s32 v27, v39  }
0x168: {  	p6 =	por @!p1 p2, p2;
	s7 =	simm.s32 @!p0 $0x0;
	p0 =	sge.s32 s11, s25;
	v20 =	vld [tilespmem:$0x7A0];
	vm0 =	vmand vm0, vm1;
	vm1 =	veq.s32 v29, v40  }
0x169: {  	p2 =	seq.s32 s23, $0x1;
	s10 =	simm.s32 @!p6 $0x0;
	s6 =	simm.s32 @!p0 $0x0;
	v23 =	vld [tilespmem:$0x7B0];
	(xrf0) =	vmin.scan.msk.f32 $0xffff, v18;
	vm0 =	vmand vm0, vm1;
	vm1 =	veq.s32 v30, v41  }
0x16a: {  	s6 =	simm.s32 @p0 $0x1;
	p0 =	por p4, p4;
	p4 =	por p4, p2;
	v24 =	vld [tilespmem:$0x7C0];
	vm0 =	vmand vm0, vm1;
	vm1 =	veq.s32 v33, v42  }
0x16b: {  	p1 =	sgt.f32 s8, $0.0e+00;
	s8 =	sxor.u32 $0x80000000, s9;
	s9 =	sld [smem:$0x7F7];
	v25 =	vld [tilespmem:$0x7D0];
	v22 =	vxor.u32 $0x80000000, v31;
	vm0 =	vmand vm0, vm1  }
0x16c: {  	[smem:$0x7E2] =	sst s6;
	p3 =	por !p3, !p4;
	v28 =	vld [tilespmem:$0x7E0];
	s17 =	spop (v2sf);
	v26, _, _ =	vpop (xrf0);
	vm1 =	veq.s32 v31, v2;
	v27 =	vsel vm0, $0x3F800000, v3;
	vm0 =	veq.s32 v19, v43  }
0x16d: {  	s6 =	simm.s32 @!p1 $0x0;
	p6 =	por !p3, !p3;
	v29 =	vld [tilespmem:$0x7F0];
	(xrf0) =	vmin.scan.msk.u32 $0xffff, v22;
	s19 =	spop (v2sf);
	(v2sf) =	vpush v26, $0xF;
	vm0 =	vmand vm1, vm0;
	vm1 =	veq.s32 v20, v44  }
0x16e: {  	p3 =	sle.s32 s2, s24;
	s6 =	simm.s32 @p1 $0x1;
	p1 =	seq.s32 s9, $0x1;
	(xrf0) =	vmin.scan.msk.f32 $0xffff, v27;
	vm0 =	vmand vm0, vm1;
	vm1 =	veq.s32 v23, v45  }
0x16f: {  	p6 =	por @!p1 p3, p3;
	p3 =	sgt.f32 s12, $0.0e+00;
	s12 =	sld [smem:$0x7E1];
	v30, _, _ =	vpop (xrf0);
	(xrf0) =	vmin.scan.msk.u32 $0xffff, v8;
	vm0 =	vmand vm0, vm1;
	vm1 =	veq.s32 v24, v46  }
0x170: {  	s24 =	rddreg [dreg:$0x10];
	vm0 =	vmand vm0, vm1;
	vm1 =	veq.s32 v25, v47  }
0x171: {  	p4 =	sge.s32 s8, s24;
	vm0 =	vmand vm0, vm1;
	vm1 =	veq.s32 v28, v48  }
0x172: {  	s8 =	simm.s32 $0x1;
	p2 =	seq.s32 s12, $0x1;
	s12 =	sxor.u32 $0x80000000, s14;
	vm0 =	vmand vm0, vm1;
	vm1 =	veq.s32 v29, v49  }
0x173: {  	s14 =	sld [smem:$0x7F6];
	p1 =	por p0, p2;
	s21 =	spop (v2sf);
	(v2sf) =	vpush v30, $0xF;
	v31, _, _ =	vpop (xrf0);
	vm0 =	vmand vm0, vm1  }
0x174: {  	s8 =	simm.s32 @!p6 $0x0;
	p1 =	por !p5, !p1;
	s20 =	spop (v2sf);
	(v2sf) =	vpush v31, $0xF;
	v8, _, _ =	vpop (xrf0);
	v32 =	vsel vm0, $0x3F800000, v3  }
0x175: {  	p6 =	sle.s32 s2, s1;
	p2 =	por !p1, !p1;
	s18 =	spop (v2sf);
	(v2sf) =	vpush v8, $0xF;
	v8, _, _ =	vpop (xrf0);
	(xrf0) =	vmin.scan.msk.f32 $0xffff, v32  }
0x176: {  	p1 =	seq.s32 s14, $0x1;
	s14 =	sld [smem:$0x7E2];
	s22 =	spop (v2sf);
	(v2sf) =	vpush v8, $0xF  }
0x177: {  	p2 =	por @!p1 p6, p6;
	p1 =	sgt.f32 s13, $0.0e+00  }
0x178: {  	[smem:$0x7E3] =	sst s6  }
0x179: {  	p6 =	seq.s32 s14, $0x1;
	s9 =	simm.s32 @!p1 $0x0;
	s14 =	sld [smem:$0x7E3]  }
0x17a: {  	s1 =	smov.u32 s26;
	s26 =	rddreg [dreg:$0x11];
	s9 =	simm.s32 @p1 $0x1  }
0x17b: {  	p6 =	por p0, p6;
	[smem:$0x7E4] =	sst s9;
	s9 =	simm.s32 $0x1;
	v8, _, _ =	vpop (xrf0)  }
0x17c: {  	p1 =	seq.s32 s14, $0x1;
	s9 =	simm.s32 @!p2 $0x0;
	s11 =	spop (v2sf);
	(v2sf) =	vpush v8, $0xF  }
0x17d: {  	s14 =	sxor.u32 $0x80000000, s17;
	s17 =	sld [smem:$0x7F5];
	p6 =	por !p1, !p6  }
0x17e: {  	p2 =	por !p6, !p6;
	p6 =	sle.s32 s2, s0;
	s0 =	rddreg [dreg:$0x12]  }
0x17f: {  	p1 =	por p0, p4;
	p4 =	por p0, p0;
	p0 =	sge.s32 s14, s0  }
0x180: {  	p5 =	sge.s32 s12, s26;
	s13 =	simm.s32 @!p0 $0x0  }
0x181: {  	p3 =	por !p3, !p1;
	s13 =	simm.s32 @p0 $0x1;
	p0 =	seq.s32 s17, $0x1  }
0x182: {  	p2 =	por @!p0 p6, p6;
	p0 =	sgt.f32 s19, $0.0e+00;
	s23 =	spop (v2sf)  }
0x183: {  	p6 =	sle.s32 s2, s25;
	s25 =	sld [smem:$0x7F4];
	s6 =	spop (v2sf)  }
0x184: {  	p3 =	por !p3, !p3;
	[smem:$0x7E5] =	sst s13;
	s12 =	spop (v2sf)  }
0x185: {  	s19 =	rddreg [dreg:$0x4];
	s14 =	simm.s32 @!p0 $0x0;
	s13 =	spop (v2sf)  }
0x186: {  	s14 =	simm.s32 @p0 $0x1;
	p0 =	seq.s32 s25, $0x1;
	s13 =	sxor.u32 $0x80000000, s13  }
0x187: {  	p3 =	por @!p0 p6, p6;
	p0 =	sge.s32 s13, s19;
	s19 =	sld [smem:$0x7E4]  }
0x188: {  	[smem:$0x7E6] =	sst s14;
	s14 =	simm.s32 $0x1  }
0x189: {  	p5 =	por p4, p5;
	s14 =	simm.s32 @!p2 $0x0  }
0x18a: {  	p2 =	sle.s32 s2, s24;
	s24 =	sld [smem:$0x7F3];
	p6 =	seq.s32 s19, $0x1  }
0x18b: {  	s19 =	rddreg [dreg:$0x13];
	p1 =	por !p6, !p5;
	s25 =	spop (v2sf)  }
0x18c: {  	p5 =	sgt.f32 s25, $0.0e+00;
	s25 =	sxor.u32 $0x80000000, s21;
	s21 =	sld [smem:$0x7ED]  }
0x18d: {  	s13 =	simm.s32 $0x1;
	p6 =	por !p1, !p1;
	p1 =	sge.s32 s25, s19  }
0x18e: {  	s13 =	simm.s32 @!p3 $0x0;
	s25 =	sxor.u32 $0x80000000, s18;
	s17 =	simm.s32 @!p1 $0x0  }
0x18f: {  	p3 =	seq.s32 s21, $0x1;
	s17 =	simm.s32 @p1 $0x1;
	s21 =	rddreg [dreg:$0x16]  }
0x190: {  	p1 =	seq.s32 s24, $0x1;
	s24 =	sld [smem:$0x7EC];
	p0 =	por p3, p0  }
0x191: {  	p6 =	por @!p1 p2, p2;
	p2 =	sle.s32 s2, s21;
	p0 =	por !p0, !p5  }
0x192: {  	p5 =	sgt.f32 s20, $0.0e+00;
	s20 =	rddreg [dreg:$0x14];
	p0 =	por !p0, !p0  }
0x193: {  	p1 =	seq.s32 s24, $0x1;
	p3 =	sge.s32 s25, s20;
	s25 =	sld [smem:$0x7E5]  }
0x194: {  	s18 =	simm.s32 $0x1;
	s24 =	sld [smem:$0x7E6];
	p0 =	por @!p1 p2, p2  }
0x195: {  	s18 =	simm.s32 @!p0 $0x0;
	p0 =	sgt.f32 s22, $0.0e+00  }
0x196: {  	[smem:$0x7E7] =	sst s17;
	p2 =	por p4, p4;
	p1 =	seq.s32 s25, $0x1  }
0x197: {  	p1 =	por p4, p1;
	s17 =	simm.s32 @!p0 $0x0;
	p4 =	seq.s32 s24, $0x1  }
0x198: {  	s25 =	rddreg [dreg:$0x15];
	s17 =	simm.s32 @p0 $0x1;
	p0 =	por !p4, !p1  }
0x199: {  	vm0 =	vcmask $0x300;
	v8 =	vmov s18;
	p1 =	por !p0, !p0;
	p0 =	sle.s32 s2, s26;
	s26 =	sld [smem:$0x7F2]  }
0x19a: {  	v8 =	vsel vm0, s28, v8;
	s28 =	sld [smem:$0x7E7]  }
0x19b: {  	s11 =	sxor.u32 $0x80000000, s11;
	[smem:$0x7E8] =	sst s17;
	s17 =	simm.s32 $0x1  }
0x19c: {  	p4 =	sge.s32 s11, s25;
	s17 =	simm.s32 @!p6 $0x0;
	p6 =	seq.s32 s26, $0x1  }
0x19d: {  	vm0 =	vcmask $0x704;
	s11 =	simm.s32 @!p4 $0x0;
	p1 =	por @!p6 p0, p0;
	p0 =	sgt.f32 s23, $0.0e+00  }
0x19e: {  	s6 =	sxor.u32 $0x80000000, s6;
	v8 =	vsel vm0, s15, v8;
	s15 =	sld [smem:$0x7F1];
	s11 =	simm.s32 @p4 $0x1  }
0x19f: {  	p3 =	por p2, p3;
	vm0 =	vcmask $0xB08;
	[smem:$0x7E9] =	sst s11;
	s11 =	simm.s32 @!p0 $0x0  }
0x1a0: {  	v8 =	vsel vm0, s16, v8;
	vm0 =	vcmask $0xF0C;
	p4 =	seq.s32 s28, $0x1;
	s16 =	sld [smem:$0x7E8];
	s11 =	simm.s32 @p0 $0x1  }
0x1a1: {  	v8 =	vsel vm0, s7, v8;
	s7 =	simm.s32 $0x1;
	[smem:$0x7EA] =	sst s11;
	s11 =	simm.s32 $0x1  }
0x1a2: {  	s22 =	sld [smem:$0x7E9];
	s11 =	simm.s32 @!p1 $0x0;
	p1 =	sgt.f32 s12, $0.0e+00  }
0x1a3: {  	s26 =	sld [smem:$0x7EE];
	p6 =	seq.s32 s16, $0x1;
	p0 =	por p2, p4  }
0x1a4: {  	p0 =	por !p5, !p0;
	p5 =	seq.s32 s15, $0x1;
	s12 =	simm.s32 @!p1 $0x0  }
0x1a5: {  	p0 =	por !p0, !p0;
	s12 =	simm.s32 @p1 $0x1;
	p1 =	sle.s32 s2, s0  }
0x1a6: {  	p4 =	seq.s32 s22, $0x1;
	s23 =	sld [smem:$0x7EA];
	p0 =	por @!p5 p1, p1  }
0x1a7: {  	vm0 =	vcmask $0x1310;
	p1 =	por !p6, !p3;
	p3 =	sge.s32 s6, s21;
	s21 =	sld [smem:$0x7F0]  }
0x1a8: {  	v8 =	vsel vm0, s10, v8;
	[smem:$0x7EB] =	sst s12;
	p5 =	sle.s32 s2, s19;
	p6 =	sle.s32 s2, s25  }
0x1a9: {  	v8 =	vsel vm5, s8, v8;
	s25 =	sld [smem:$0x7EF];
	s6 =	simm.s32 $0x1;
	p1 =	por !p1, !p1  }
0x1aa: {  	v8 =	vsel vm6, s9, v8;
	s7 =	simm.s32 @!p0 $0x0;
	s24 =	sld [smem:$0x7EB];
	p0 =	seq.s32 s21, $0x1  }
0x1ab: {  	v8 =	vsel vm7, s14, v8;
	p3 =	por p2, p3;
	p1 =	por @!p0 p5, p5;
	p0 =	sle.s32 s2, s20  }
0x1ac: {  	v8 =	vsel vm8, s13, v8;
	p5 =	por p2, p4;
	p4 =	seq.s32 s23, $0x1;
	s2 =	simm.s32 $0x1  }
0x1ad: {  	v8 =	vsel vm9, s17, v8;
	p5 =	por !p4, !p5;
	s2 =	simm.s32 @!p1 $0x0;
	p4 =	seq.s32 s24, $0x1  }
0x1ae: {  	v8 =	vsel vm10, s11, v8;
	p1 =	por !p4, !p3;
	p3 =	por !p5, !p5;
	p4 =	seq.s32 s25, $0x1  }
0x1af: {  	v8 =	vsel vm11, s7, v8;
	p3 =	por @!p4 p0, p0;
	p0 =	por !p1, !p1;
	p1 =	seq.s32 s26, $0x1  }
0x1b0: {  	v8 =	vsel vm12, s2, v8;
	s2 =	simm.s32 $0x1;
	s6 =	simm.s32 @!p3 $0x0;
	p0 =	por @!p1 p6, p6  }
0x1b1: {  	v8 =	vsel vm13, s6, v8;
	s2 =	simm.s32 @!p0 $0x0  }
0x1b2: {  	v8 =	vsel vm14, s2, v8  }
0x1b3: {  	vm0 =	veq.s32 v8, $0x1  }
0x1b4: {  	v33 =	vsel vm0, $0x3F800000, v3  }
0x1b5: {  	(xrf0) =	vmin.scan.msk.f32 $0xffff, v33;
	_ =	sdelay $0x5  }
0x1b6: {  	v9, _, _ =	vpop (xrf0)  }
0x1b7: {  	(v2sf) =	vpush v9, $0xF;
	_ =	sdelay $0xe  }
0x1b8: {  	s28 =	spop (v2sf)  }
0x1b9: {  	p0 =	sgt.f32 s28, $0.0e+00  }
.Ltmp2:
0x1ba: {  	_ = 	snop;
	(pc) =	sbr.rel @p0 .LBB2_20-.Ltmp2, $2  }
0x1bb: {  	_ =	sdelay $0x2  }
0x1bc: {  	[tilespmem:$0x880] =	vst v8  }
0x1bd: {  	s2 =	simm.s32 $0x0  }
.Ltmp3:
0x1be: {  	s6 =	rddreg [dreg:$0x2];
	s0 =	simm.s32 $0x2;
	(pc) =	sbr.rel .LBB2_3-.Ltmp3, $4  }
0x1bf: {  	[tilespmem:s29], [sflag:$0x2] =	stream.linear.gather [hbm4b:s6+s2], $0x8000, $0x38;
	[tilespmem:$0x11180] =	vst v63  }
0x1c0: {  	_ =	swait.ge [sflag:s0], $0x8000  }
0x1c1: {  	[sflag:s0] =	ssyncset.done $0x0  }
0x1c2: {  	s6 =	smov.u32 s4;
	[sflag:s0] =	ssyncadd.s32 $0xFFFF8000  }
.LBB2_7:
0x1c3: {  	s7 =	sshll.u32 s9, $0x5  }
0x1c4: {  	s7 =	sadd.s32 s3, s7  }
0x1c5: {  	[tilespmem:s31], [sflag:$0x3] =	stream.linear.gather [hbm4b:s7+s5], $0x8000, $0x38;
	[tilespmem:$0x11180] =	vst v63  }
0x1c6: {  	s8 =	simm.s32 $0x3;
	s7 =	simm.s32 $0x3  }
.LBB2_17:
0x1c7: {  	_ =	swait.ge [sflag:s8], $0x8000  }
0x1c8: {  	[sflag:s8] =	ssyncset.done $0x0  }
0x1c9: {  	[sflag:s8] =	ssyncadd.s32 $0xFFFF8000  }
.LBB2_18:
0x1ca: {  	s8 =	sshll.u32 s28, $0x5  }
0x1cb: {  	s8 =	sadd.s32 s1, s8  }
0x1cc: {  	[hbm4b:s8+s5] =	stream.linear.scatter [tilespmem:s31], [sflag:s7], $0x8000, $0x38;
	[tilespmem:$0x11180] =	vst v63  }
0x1cd: {  	_ =	swait.ge [sflag:s7], $0x8000  }
0x1ce: {  	[sflag:s7] =	ssyncset.done $0x0  }
0x1cf: {  	[sflag:s7] =	ssyncadd.s32 $0xFFFF8000  }
.LBB2_19:
0x1d0: {  	s2 =	sadd.s32 $0x1, s2  }
0x1d1: {  	p0 =	sne.s32 s2, $0x10  }
.Ltmp4:
0x1d2: {  	_ = 	snop;
	(pc) =	sbr.rel @!p0 .LBB2_20-.Ltmp4, $2  }
0x1d3: {  	_ =	sdelay $0x2  }
0x1d4: {  	s6 =	sadd.s32 $0x80, s6  }
.LBB2_3:
0x1d5: {  	v8 =	vmov s2;
	_ =	sdelay $0x4  }
0x1d6: {  	v8 =	vld.idx.msk [tilespmem:v8+s30+$0x0], $0xffff;
	_ =	sdelay $0x4  }
0x1d7: {  	v8 =	vxor.u32 $0x80000000, v8  }
0x1d8: {  	(xrf0) =	vmax.scan.msk.u32 $0xffff, v8;
	_ =	sdelay $0x5  }
0x1d9: {  	v8, _, _ =	vpop (xrf0)  }
0x1da: {  	(v2sf) =	vpush v8, $0xF;
	_ =	sdelay $0xe  }
0x1db: {  	s7 =	spop (v2sf)  }
0x1dc: {  	p0 =	sne.s32 s7, $0x80000000  }
.Ltmp5:
0x1dd: {  	_ = 	snop;
	(pc) =	sbr.rel @p0 .LBB2_19-.Ltmp5, $1  }
0x1de: {  	_ =	sdelay $0x3  }
0x1df: {  	_ =	sdelay $0x3  }
0x1e0: {  	v8 =	vld.idx.msk [tilespmem:v4+s29+$0x0], $0xffff;
	_ =	sdelay $0x1  }
0x1e1: {  	s7 =	sshll.u32 s2, $0x7  }
0x1e2: {  	s28 =	sadd.s32 s4, s7  }
0x1e3: {  	v9 =	vmov s28  }
0x1e4: {  	vm0 =	vgt.s32 v8, v9  }
0x1e5: {  	v8 =	vsel vm0, $0x2000, v6;
	_ =	sdelay $0x4  }
0x1e6: {  	v10 =	vld.idx.msk [tilespmem:v8+s29+$0x0], $0xffff;
	_ =	sdelay $0x4  }
0x1e7: {  	v11 =	vsel vm0, $0x4000, v5;
	vm1 =	vgt.s32 v10, v9  }
0x1e8: {  	v10 =	vsel vm0, $0x0, v4;
	v11 =	vsel vm1, v8, v11  }
0x1e9: {  	v8 =	vsel vm1, v10, v8;
	v10 =	vadd.s32 v7, v11  }
0x1ea: {  	v12 =	vxor.u32 v10, v8  }
0x1eb: {  	v10 =	vor.u32 v10, v8;
	v12 =	vshrl.u32 v12, $0x1  }
0x1ec: {  	v10 =	vsub.s32 v10, v12;
	_ =	sdelay $0x4  }
0x1ed: {  	v12 =	vld.idx.msk [tilespmem:v10+s29+$0x0], $0xffff;
	_ =	sdelay $0x4  }
0x1ee: {  	vm0 =	vgt.s32 v12, v9  }
0x1ef: {  	v11 =	vsel vm0, v10, v11  }
0x1f0: {  	v8 =	vsel vm0, v8, v10;
	v10 =	vadd.s32 v7, v11  }
0x1f1: {  	v12 =	vxor.u32 v10, v8  }
0x1f2: {  	v10 =	vor.u32 v10, v8;
	v12 =	vshrl.u32 v12, $0x1  }
0x1f3: {  	v10 =	vsub.s32 v10, v12;
	_ =	sdelay $0x4  }
0x1f4: {  	v12 =	vld.idx.msk [tilespmem:v10+s29+$0x0], $0xffff;
	_ =	sdelay $0x4  }
0x1f5: {  	vm0 =	vgt.s32 v12, v9  }
0x1f6: {  	v8 =	vsel vm0, v8, v10;
	v10 =	vsel vm0, v10, v11  }
0x1f7: {  	v11 =	vxor.u32 v8, v10  }
0x1f8: {  	v12 =	vand.u32 v8, v10;
	v11 =	vshrl.u32 v11, $0x1  }
0x1f9: {  	v11 =	vadd.s32 v11, v12;
	_ =	sdelay $0x4  }
0x1fa: {  	v12 =	vld.idx.msk [tilespmem:v11+s29+$0x0], $0xffff;
	_ =	sdelay $0x4  }
0x1fb: {  	vm0 =	vgt.s32 v12, v9  }
0x1fc: {  	v8 =	vsel vm0, v8, v11;
	v10 =	vsel vm0, v11, v10  }
0x1fd: {  	v11 =	vadd.s32 v8, v10  }
0x1fe: {  	v11 =	vshrl.u32 v11, $0x1;
	_ =	sdelay $0x4  }
0x1ff: {  	v12 =	vld.idx.msk [tilespmem:v11+s29+$0x0], $0xffff;
	_ =	sdelay $0x4  }
0x200: {  	vm0 =	vgt.s32 v12, v9  }
0x201: {  	v8 =	vsel vm0, v8, v11;
	v10 =	vsel vm0, v11, v10  }
0x202: {  	v11 =	vadd.s32 v8, v10  }
0x203: {  	v11 =	vshrl.u32 v11, $0x1;
	_ =	sdelay $0x4  }
0x204: {  	v12 =	vld.idx.msk [tilespmem:v11+s29+$0x0], $0xffff;
	_ =	sdelay $0x4  }
0x205: {  	vm0 =	vgt.s32 v12, v9  }
0x206: {  	v8 =	vsel vm0, v8, v11;
	v10 =	vsel vm0, v11, v10  }
0x207: {  	v11 =	vadd.s32 v8, v10  }
0x208: {  	v11 =	vshrl.u32 v11, $0x1;
	_ =	sdelay $0x4  }
0x209: {  	v12 =	vld.idx.msk [tilespmem:v11+s29+$0x0], $0xffff;
	_ =	sdelay $0x4  }
0x20a: {  	vm0 =	vgt.s32 v12, v9  }
0x20b: {  	v8 =	vsel vm0, v8, v11;
	v10 =	vsel vm0, v11, v10  }
0x20c: {  	v11 =	vadd.s32 v8, v10  }
0x20d: {  	v11 =	vshrl.u32 v11, $0x1;
	_ =	sdelay $0x4  }
0x20e: {  	v12 =	vld.idx.msk [tilespmem:v11+s29+$0x0], $0xffff;
	_ =	sdelay $0x4  }
0x20f: {  	vm0 =	vgt.s32 v12, v9  }
0x210: {  	v8 =	vsel vm0, v8, v11;
	v10 =	vsel vm0, v11, v10  }
0x211: {  	v11 =	vadd.s32 v8, v10  }
0x212: {  	v11 =	vshrl.u32 v11, $0x1;
	_ =	sdelay $0x4  }
0x213: {  	v12 =	vld.idx.msk [tilespmem:v11+s29+$0x0], $0xffff;
	_ =	sdelay $0x4  }
0x214: {  	vm0 =	vgt.s32 v12, v9  }
0x215: {  	v8 =	vsel vm0, v8, v11;
	v10 =	vsel vm0, v11, v10  }
0x216: {  	v11 =	vadd.s32 v8, v10  }
0x217: {  	v11 =	vshrl.u32 v11, $0x1;
	_ =	sdelay $0x4  }
0x218: {  	v12 =	vld.idx.msk [tilespmem:v11+s29+$0x0], $0xffff;
	_ =	sdelay $0x4  }
0x219: {  	vm0 =	vgt.s32 v12, v9  }
0x21a: {  	v8 =	vsel vm0, v8, v11;
	v10 =	vsel vm0, v11, v10  }
0x21b: {  	v11 =	vadd.s32 v8, v10  }
0x21c: {  	v11 =	vshrl.u32 v11, $0x1;
	_ =	sdelay $0x4  }
0x21d: {  	v12 =	vld.idx.msk [tilespmem:v11+s29+$0x0], $0xffff;
	_ =	sdelay $0x4  }
0x21e: {  	vm0 =	vgt.s32 v12, v9  }
0x21f: {  	v8 =	vsel vm0, v8, v11;
	v10 =	vsel vm0, v11, v10  }
0x220: {  	v11 =	vadd.s32 v8, v10  }
0x221: {  	v11 =	vshrl.u32 v11, $0x1;
	_ =	sdelay $0x4  }
0x222: {  	v12 =	vld.idx.msk [tilespmem:v11+s29+$0x0], $0xffff;
	_ =	sdelay $0x4  }
0x223: {  	vm0 =	vgt.s32 v12, v9  }
0x224: {  	v8 =	vsel vm0, v8, v11;
	v10 =	vsel vm0, v11, v10  }
0x225: {  	v11 =	vadd.s32 v8, v10  }
0x226: {  	v11 =	vshrl.u32 v11, $0x1;
	_ =	sdelay $0x4  }
0x227: {  	v12 =	vld.idx.msk [tilespmem:v11+s29+$0x0], $0xffff;
	_ =	sdelay $0x4  }
0x228: {  	vm0 =	vgt.s32 v12, v9  }
0x229: {  	v8 =	vsel vm0, v8, v11;
	v10 =	vsel vm0, v11, v10  }
0x22a: {  	v10 =	vadd.s32 v8, v10  }
0x22b: {  	v10 =	vshrl.u32 v10, $0x1;
	_ =	sdelay $0x4  }
0x22c: {  	v11 =	vld.idx.msk [tilespmem:v10+s29+$0x0], $0xffff;
	_ =	sdelay $0x4  }
0x22d: {  	vm0 =	vgt.s32 v11, v9  }
0x22e: {  	v9 =	vsel vm0, v8, v10  }
0x22f: {  	s7 =	simm.s32 $0x0;
	v10 =	vadd.s32 $0x1, v9  }
0x230: {  	v11 =	vadd.s32 s7, v10  }
0x231: {  	v12 =	vadd.s32 s7, v9;
	vm0 =	vgt.s32 v11, $0x7FFF  }
0x232: {  	vm1 =	vlt.s32 v12, $0x7FFF;
	v11 =	vsel vm0, $0x7FFF, v11  }
0x233: {  	v8 =	vmin.u32 v9, $0x7FFE;
	v12 =	vnsel vm1, $0x7FFF, v12  }
0x234: {  	s8 =	simm.s32 $0x1;
	v8 =	vadd.s32 $0x1, v8  }
0x235: {  	v13 =	vadd.s32 s8, v10  }
0x236: {  	v14 =	vadd.s32 s8, v9;
	vm2 =	vgt.s32 v13, $0x7FFF  }
0x237: {  	vm1 =	vlt.s32 v14, $0x7FFF;
	v13 =	vsel vm2, $0x7FFF, v13;
	v11 =	vld.idx.msk [tilespmem:v11+s29+$0x0], $0xffff  }
0x238: {  	vm0 =	vmmov vm0;
	v14 =	vnsel vm1, $0x7FFF, v14;
	v12 =	vld.idx.msk [tilespmem:v12+s29+$0x0], $0xffff  }
0x239: {  	vm15 =	vmmov $0xffff;
	s9 =	simm.s32 $0x2;
	vm1 =	vmmov vm0;
	vm0 =	vmmov vm2;
	v8 =	vld.idx.msk [tilespmem:v8+s29+$0x0], $0xffff  }
.LBB2_5:
0x23a: {  	p0 =	sne.s32 s9, $0x7F  }
.Ltmp6:
0x23b: {  	v15 =	vadd.s32 s9, v9;
	v16 =	vadd.s32 s9, v10;
	s10 =	smov.u32 s9;
	s9 =	sadd.s32 $0x1, s9;
	(pc) =	sbr.rel @p0 .LBB2_5-.Ltmp6, $4  }
0x23c: {  	s11 =	sadd.s32 s7, s6;
	s7 =	smov.u32 s8;
	vm2 =	vlt.s32 v15, $0x7FFF;
	vm3 =	vgt.s32 v16, $0x7FFF;
	v17 =	vsel vm1, $0x10000, v11;
	v11 =	vld.idx.msk [tilespmem:v13+s29+$0x0], $0xffff  }
0x23d: {  	s8 =	smov.u32 s10;
	v13 =	vsel vm3, $0x7FFF, v16;
	vm1 =	vle.s32 v12, s11;
	v12 =	vld.idx.msk [tilespmem:v14+s29+$0x0], $0xffff;
	vm4 =	vgt.s32 v17, s11  }
0x23e: {  	v14 =	vnsel vm2, $0x7FFF, v15;
	vm2 =	vmand vm1, vm4;
	vm1 =	vmmov vm0  }
0x23f: {  	vm0 =	vmmov vm3;
	vm15 =	vmand vm15, vm2  }
0x240: {  	_ =	sdelay $0x3  }
0x241: {  	v10 =	vld.idx.msk [tilespmem:v13+s29+$0x0], $0xffff  }
0x242: {  	v33 =	vld.idx.msk [tilespmem:v14+s29+$0x0], $0xffff;
	_ =	sdelay $0x2  }
0x243: {  	s7 =	sadd.s32 s7, s6;
	vm0 =	vmmov vm0;
	v9 =	vxor.u32 $0x80000000, v9;
	v11 =	vsel vm1, $0x10000, v11  }
0x244: {  	s25 =	sadd.s32 s8, s6;
	vm1 =	vle.s32 v12, s7;
	vm2 =	vgt.s32 v11, s7;
	v10 =	vsel vm0, $0x10000, v10  }
0x245: {  	(xrf0) =	vmax.scan.msk.u32 $0xffff, v9;
	vm0 =	vmand vm1, vm2;
	vm1 =	vle.s32 v33, s25;
	vm2 =	vgt.s32 v10, s25  }
0x246: {  	vm0 =	vmand vm15, vm0;
	vm1 =	vmand vm1, vm2  }
0x247: {  	vm0 =	vmand vm0, vm1  }
0x248: {  	v9 =	vsel vm0, $0x3F800000, v3  }
0x249: {  	(xrf0) =	vmin.scan.msk.f32 $0xffff, v9;
	_ =	sdelay $0x1  }
0x24a: {  	v9, _, _ =	vpop (xrf0)  }
0x24b: {  	(v2sf) =	vpush v9, $0xF;
	_ =	sdelay $0x2  }
0x24c: {  	v9, _, _ =	vpop (xrf0)  }
0x24d: {  	(v2sf) =	vpush v9, $0xF;
	_ =	sdelay $0xa  }
0x24e: {  	s10 =	spop (v2sf)  }
0x24f: {  	s26 =	sand.u32 $0x7, s10  }
0x250: {  	s8 =	sadd.s32 $0x8000007F, s10;
	p0 =	sne.s32 s26, $0x0  }
0x251: {  	p1 =	sgt.s32 @!p0 s8, $0x7FFF  }
0x252: {  	s7 =	spop (v2sf);
	p0 =	por p0, p1  }
0x253: {  	p1 =	sgt.f32 @!p0 s7, $0.0e+00;
	_ =	sdelay $0x1  }
0x254: {  	p0 =	por p0, !p1  }
.Ltmp7:
0x255: {  	_ = 	snop;
	(pc) =	sbr.rel @!p0 .LBB2_7-.Ltmp7, $2  }
0x256: {  	_ =	sdelay $0x2  }
0x257: {  	s9 =	sxor.u32 $0x80000000, s10  }
0x258: {  	v8 =	vxor.u32 $0x80000000, v8  }
0x259: {  	(xrf0) =	vmax.scan.msk.u32 $0xffff, v8;
	_ =	sdelay $0x5  }
0x25a: {  	v8, _, _ =	vpop (xrf0)  }
0x25b: {  	(v2sf) =	vpush v8, $0xF;
	_ =	sdelay $0xe  }
0x25c: {  	s7 =	spop (v2sf)  }
0x25d: {  	p0 =	seq.s32 s10, $0x80007FFF;
	s8 =	sor.u32 $0x7F, s28;
	s7 =	sxor.u32 $0x80000000, s7  }
0x25e: {  	p1 =	sge.s32 @!p0 s8, s7  }
0x25f: {  	p0 =	por p0, !p1  }
.Ltmp8:
0x260: {  	_ = 	snop;
	(pc) =	sbr.rel @p0 .LBB2_9-.Ltmp8, $2  }
0x261: {  	_ =	sdelay $0x2  }
0x262: {  	s7 =	simm.s32 $0x0;
	s8 =	smov.u32 s6  }
.LBB2_15:
0x263: {  	v8 =	vld.idx.msk [tilespmem:v4+s29+$0x0], $0xffff;
	_ =	sdelay $0x3  }
0x264: {  	v9 =	vor.u32 s8, v0  }
0x265: {  	vm0 =	vgt.s32 v8, v9  }
0x266: {  	v8 =	vsel vm0, $0x2000, v6;
	_ =	sdelay $0x4  }
0x267: {  	v10 =	vld.idx.msk [tilespmem:v8+s29+$0x0], $0xffff;
	_ =	sdelay $0x4  }
0x268: {  	v11 =	vsel vm0, $0x4000, v5;
	vm1 =	vgt.s32 v10, v9  }
0x269: {  	v19 =	vsel vm0, $0x0, v4;
	v11 =	vsel vm1, v8, v11  }
0x26a: {  	v8 =	vsel vm1, v19, v8;
	v20 =	vadd.s32 v7, v11  }
0x26b: {  	v12 =	vxor.u32 v20, v8  }
0x26c: {  	v10 =	vor.u32 v20, v8;
	v12 =	vshrl.u32 v12, $0x1  }
0x26d: {  	v10 =	vsub.s32 v10, v12;
	_ =	sdelay $0x4  }
0x26e: {  	v12 =	vld.idx.msk [tilespmem:v10+s29+$0x0], $0xffff;
	_ =	sdelay $0x4  }
0x26f: {  	vm0 =	vgt.s32 v12, v9  }
0x270: {  	v11 =	vsel vm0, v10, v11  }
0x271: {  	v8 =	vsel vm0, v8, v10;
	v21 =	vadd.s32 v7, v11  }
0x272: {  	v22 =	vxor.u32 v21, v8  }
0x273: {  	v10 =	vor.u32 v21, v8;
	v12 =	vshrl.u32 v22, $0x1  }
0x274: {  	v10 =	vsub.s32 v10, v12;
	_ =	sdelay $0x4  }
0x275: {  	v12 =	vld.idx.msk [tilespmem:v10+s29+$0x0], $0xffff;
	_ =	sdelay $0x4  }
0x276: {  	vm0 =	vgt.s32 v12, v9  }
0x277: {  	v8 =	vsel vm0, v8, v10;
	v10 =	vsel vm0, v10, v11  }
0x278: {  	v11 =	vxor.u32 v8, v10  }
0x279: {  	v23 =	vand.u32 v8, v10;
	v11 =	vshrl.u32 v11, $0x1  }
0x27a: {  	v11 =	vadd.s32 v11, v23;
	_ =	sdelay $0x4  }
0x27b: {  	v12 =	vld.idx.msk [tilespmem:v11+s29+$0x0], $0xffff;
	_ =	sdelay $0x4  }
0x27c: {  	vm0 =	vgt.s32 v12, v9  }
0x27d: {  	v8 =	vsel vm0, v8, v11;
	v10 =	vsel vm0, v11, v10  }
0x27e: {  	v11 =	vadd.s32 v8, v10  }
0x27f: {  	v11 =	vshrl.u32 v11, $0x1;
	_ =	sdelay $0x4  }
0x280: {  	v24 =	vld.idx.msk [tilespmem:v11+s29+$0x0], $0xffff;
	_ =	sdelay $0x4  }
0x281: {  	vm0 =	vgt.s32 v24, v9  }
0x282: {  	v8 =	vsel vm0, v8, v11;
	v10 =	vsel vm0, v11, v10  }
0x283: {  	v11 =	vadd.s32 v8, v10  }
0x284: {  	v11 =	vshrl.u32 v11, $0x1;
	_ =	sdelay $0x4  }
0x285: {  	v25 =	vld.idx.msk [tilespmem:v11+s29+$0x0], $0xffff;
	_ =	sdelay $0x4  }
0x286: {  	vm0 =	vgt.s32 v25, v9  }
0x287: {  	v8 =	vsel vm0, v8, v11;
	v10 =	vsel vm0, v11, v10  }
0x288: {  	v11 =	vadd.s32 v8, v10  }
0x289: {  	v11 =	vshrl.u32 v11, $0x1;
	_ =	sdelay $0x4  }
0x28a: {  	v26 =	vld.idx.msk [tilespmem:v11+s29+$0x0], $0xffff;
	_ =	sdelay $0x4  }
0x28b: {  	vm0 =	vgt.s32 v26, v9  }
0x28c: {  	v8 =	vsel vm0, v8, v11;
	v10 =	vsel vm0, v11, v10  }
0x28d: {  	v11 =	vadd.s32 v8, v10  }
0x28e: {  	v11 =	vshrl.u32 v11, $0x1;
	_ =	sdelay $0x4  }
0x28f: {  	v27 =	vld.idx.msk [tilespmem:v11+s29+$0x0], $0xffff;
	_ =	sdelay $0x4  }
0x290: {  	vm0 =	vgt.s32 v27, v9  }
0x291: {  	v8 =	vsel vm0, v8, v11;
	v10 =	vsel vm0, v11, v10  }
0x292: {  	v11 =	vadd.s32 v8, v10  }
0x293: {  	v11 =	vshrl.u32 v11, $0x1;
	_ =	sdelay $0x4  }
0x294: {  	v28 =	vld.idx.msk [tilespmem:v11+s29+$0x0], $0xffff;
	_ =	sdelay $0x4  }
0x295: {  	vm0 =	vgt.s32 v28, v9  }
0x296: {  	v8 =	vsel vm0, v8, v11;
	v10 =	vsel vm0, v11, v10  }
0x297: {  	v11 =	vadd.s32 v8, v10  }
0x298: {  	v11 =	vshrl.u32 v11, $0x1;
	_ =	sdelay $0x4  }
0x299: {  	v29 =	vld.idx.msk [tilespmem:v11+s29+$0x0], $0xffff;
	_ =	sdelay $0x4  }
0x29a: {  	vm0 =	vgt.s32 v29, v9  }
0x29b: {  	v8 =	vsel vm0, v8, v11;
	v10 =	vsel vm0, v11, v10  }
0x29c: {  	v11 =	vadd.s32 v8, v10  }
0x29d: {  	v11 =	vshrl.u32 v11, $0x1;
	_ =	sdelay $0x4  }
0x29e: {  	v30 =	vld.idx.msk [tilespmem:v11+s29+$0x0], $0xffff;
	_ =	sdelay $0x4  }
0x29f: {  	vm0 =	vgt.s32 v30, v9  }
0x2a0: {  	v8 =	vsel vm0, v8, v11;
	v10 =	vsel vm0, v11, v10  }
0x2a1: {  	v11 =	vadd.s32 v8, v10  }
0x2a2: {  	v11 =	vshrl.u32 v11, $0x1;
	_ =	sdelay $0x4  }
0x2a3: {  	v31 =	vld.idx.msk [tilespmem:v11+s29+$0x0], $0xffff;
	_ =	sdelay $0x4  }
0x2a4: {  	vm0 =	vgt.s32 v31, v9  }
0x2a5: {  	v8 =	vsel vm0, v8, v11;
	v10 =	vsel vm0, v11, v10  }
0x2a6: {  	v11 =	vadd.s32 v8, v10  }
0x2a7: {  	v11 =	vshrl.u32 v11, $0x1;
	_ =	sdelay $0x4  }
0x2a8: {  	v32 =	vld.idx.msk [tilespmem:v11+s29+$0x0], $0xffff;
	_ =	sdelay $0x4  }
0x2a9: {  	vm0 =	vgt.s32 v32, v9  }
0x2aa: {  	v8 =	vsel vm0, v8, v11;
	v10 =	vsel vm0, v11, v10  }
0x2ab: {  	v10 =	vadd.s32 v8, v10  }
0x2ac: {  	v10 =	vshrl.u32 v10, $0x1;
	_ =	sdelay $0x4  }
0x2ad: {  	v33 =	vld.idx.msk [tilespmem:v10+s29+$0x0], $0xffff;
	_ =	sdelay $0x1  }
0x2ae: {  	p0 =	sne.s32 s7, $0x1C0  }
.Ltmp9:
0x2af: {  	_ = 	snop;
	(pc) =	sbr.rel @p0 .LBB2_15-.Ltmp9, $4  }
0x2b0: {  	_ = 	snop  }
0x2b1: {  	vm0 =	vgt.s32 v33, v9  }
0x2b2: {  	s9 =	sshra.s32 s7, $0x2;
	v8 =	vsel vm0, v8, v10  }
0x2b3: {  	s8 =	sadd.s32 $0x10, s8;
	s7 =	sadd.s32 $0x40, s7;
	[tilespmem:s9+$0x8900] =	vst v8  }
0x2b4: {  	v8 =	vld [tilespmem:$0x8900];
	_ =	sdelay $0x4  }
0x2b5: {  	v9 =	vshll.u32 v8, $0x1  }
0x2b6: {  	v8 =	vand.u32 $0x7, v8;
	v9 =	vand.u32 $0xFFFFFFF0, v9  }
0x2b7: {  	v26 =	vand.u32 $0x7, v0;
	v10 =	vshrl.u32 v0, $0x3;
	v8 =	vor.u32 v8, v9  }
0x2b8: {  	v10 =	vmul.u32 $0x8, v10;
	v11 =	vperm.xlane v8, v26  }
0x2b9: {  	v12 =	vor.u32 $0x8, v0  }
0x2ba: {  	v8 =	vperm.xlane v8, v12;
	v11 =	vadd.s32 v10, v11;
	_ =	sdelay $0x1  }
0x2bb: {  	v8 =	vadd.s32 v10, v8;
	_ =	sdelay $0x1  }
0x2bc: {  	vm15 =	vmmov $0xffff  }
0x2bd: {  	[tilespmem:s31], [sflag:$0x1] =	stream.indirect_vreg.gather [hbm4b:s3+s5], $0x80, v11, vm15, $0xb8;
	[tilespmem:$0x11180] =	vst v63  }
0x2be: {  	s0 =	simm.s32 $0x9180  }
0x2bf: {  	[tilespmem:s0], [sflag:$0x1] =	stream.indirect_vreg.gather [hbm4b:s3+s5], $0x80, v8, vm15, $0xb8;
	[tilespmem:$0x11180] =	vst v63  }
0x2c0: {  	v8 =	vld [tilespmem:$0x8910];
	_ =	sdelay $0x4  }
0x2c1: {  	v27 =	vshll.u32 v8, $0x1  }
0x2c2: {  	v8 =	vand.u32 $0x7, v8;
	v11 =	vand.u32 $0xFFFFFFF0, v27  }
0x2c3: {  	v8 =	vor.u32 v8, v11  }
0x2c4: {  	v11 =	vperm.xlane v8, v26;
	_ =	sdelay $0x1  }
0x2c5: {  	v8 =	vperm.xlane v8, v12;
	v11 =	vadd.s32 v10, v11;
	_ =	sdelay $0x1  }
0x2c6: {  	v8 =	vadd.s32 v10, v8;
	_ =	sdelay $0x1  }
0x2c7: {  	s13 =	simm.s32 $0x9980  }
0x2c8: {  	[tilespmem:s13], [sflag:$0x1] =	stream.indirect_vreg.gather [hbm4b:s3+s5], $0x80, v11, vm15, $0xb8;
	[tilespmem:$0x11180] =	vst v63  }
0x2c9: {  	s14 =	simm.s32 $0xA180  }
0x2ca: {  	[tilespmem:s14], [sflag:$0x1] =	stream.indirect_vreg.gather [hbm4b:s3+s5], $0x80, v8, vm15, $0xb8;
	[tilespmem:$0x11180] =	vst v63  }
0x2cb: {  	v8 =	vld [tilespmem:$0x8920];
	_ =	sdelay $0x4  }
0x2cc: {  	v28 =	vshll.u32 v8, $0x1  }
0x2cd: {  	v8 =	vand.u32 $0x7, v8;
	v11 =	vand.u32 $0xFFFFFFF0, v28  }
0x2ce: {  	v8 =	vor.u32 v8, v11  }
0x2cf: {  	v11 =	vperm.xlane v8, v26;
	_ =	sdelay $0x1  }
0x2d0: {  	v8 =	vperm.xlane v8, v12;
	v11 =	vadd.s32 v10, v11;
	_ =	sdelay $0x1  }
0x2d1: {  	v8 =	vadd.s32 v10, v8;
	_ =	sdelay $0x1  }
0x2d2: {  	s15 =	simm.s32 $0xA980  }
0x2d3: {  	[tilespmem:s15], [sflag:$0x1] =	stream.indirect_vreg.gather [hbm4b:s3+s5], $0x80, v11, vm15, $0xb8;
	[tilespmem:$0x11180] =	vst v63  }
0x2d4: {  	s16 =	simm.s32 $0xB180  }
0x2d5: {  	[tilespmem:s16], [sflag:$0x1] =	stream.indirect_vreg.gather [hbm4b:s3+s5], $0x80, v8, vm15, $0xb8;
	[tilespmem:$0x11180] =	vst v63  }
0x2d6: {  	v8 =	vld [tilespmem:$0x8930];
	_ =	sdelay $0x4  }
0x2d7: {  	v29 =	vshll.u32 v8, $0x1  }
0x2d8: {  	v8 =	vand.u32 $0x7, v8;
	v11 =	vand.u32 $0xFFFFFFF0, v29  }
0x2d9: {  	v8 =	vor.u32 v8, v11  }
0x2da: {  	v11 =	vperm.xlane v8, v26;
	_ =	sdelay $0x1  }
0x2db: {  	v8 =	vperm.xlane v8, v12;
	v11 =	vadd.s32 v10, v11;
	_ =	sdelay $0x1  }
0x2dc: {  	v8 =	vadd.s32 v10, v8;
	_ =	sdelay $0x1  }
0x2dd: {  	s17 =	simm.s32 $0xB980  }
0x2de: {  	[tilespmem:s17], [sflag:$0x1] =	stream.indirect_vreg.gather [hbm4b:s3+s5], $0x80, v11, vm15, $0xb8;
	[tilespmem:$0x11180] =	vst v63  }
0x2df: {  	s18 =	simm.s32 $0xC180  }
0x2e0: {  	[tilespmem:s18], [sflag:$0x1] =	stream.indirect_vreg.gather [hbm4b:s3+s5], $0x80, v8, vm15, $0xb8;
	[tilespmem:$0x11180] =	vst v63  }
0x2e1: {  	v8 =	vld [tilespmem:$0x8940];
	_ =	sdelay $0x4  }
0x2e2: {  	v30 =	vshll.u32 v8, $0x1  }
0x2e3: {  	v8 =	vand.u32 $0x7, v8;
	v11 =	vand.u32 $0xFFFFFFF0, v30  }
0x2e4: {  	v8 =	vor.u32 v8, v11  }
0x2e5: {  	v11 =	vperm.xlane v8, v26;
	_ =	sdelay $0x1  }
0x2e6: {  	v8 =	vperm.xlane v8, v12;
	v11 =	vadd.s32 v10, v11;
	_ =	sdelay $0x1  }
0x2e7: {  	v8 =	vadd.s32 v10, v8;
	_ =	sdelay $0x1  }
0x2e8: {  	s19 =	simm.s32 $0xC980  }
0x2e9: {  	[tilespmem:s19], [sflag:$0x1] =	stream.indirect_vreg.gather [hbm4b:s3+s5], $0x80, v11, vm15, $0xb8;
	[tilespmem:$0x11180] =	vst v63  }
0x2ea: {  	s20 =	simm.s32 $0xD180  }
0x2eb: {  	[tilespmem:s20], [sflag:$0x1] =	stream.indirect_vreg.gather [hbm4b:s3+s5], $0x80, v8, vm15, $0xb8;
	[tilespmem:$0x11180] =	vst v63  }
0x2ec: {  	v8 =	vld [tilespmem:$0x8950];
	_ =	sdelay $0x4  }
0x2ed: {  	v31 =	vshll.u32 v8, $0x1  }
0x2ee: {  	v8 =	vand.u32 $0x7, v8;
	v11 =	vand.u32 $0xFFFFFFF0, v31  }
0x2ef: {  	v8 =	vor.u32 v8, v11  }
0x2f0: {  	v11 =	vperm.xlane v8, v26;
	_ =	sdelay $0x1  }
0x2f1: {  	v8 =	vperm.xlane v8, v12;
	v11 =	vadd.s32 v10, v11;
	_ =	sdelay $0x1  }
0x2f2: {  	v8 =	vadd.s32 v10, v8;
	_ =	sdelay $0x1  }
0x2f3: {  	s21 =	simm.s32 $0xD980  }
0x2f4: {  	[tilespmem:s21], [sflag:$0x1] =	stream.indirect_vreg.gather [hbm4b:s3+s5], $0x80, v11, vm15, $0xb8;
	[tilespmem:$0x11180] =	vst v63  }
0x2f5: {  	s22 =	simm.s32 $0xE180  }
0x2f6: {  	[tilespmem:s22], [sflag:$0x1] =	stream.indirect_vreg.gather [hbm4b:s3+s5], $0x80, v8, vm15, $0xb8;
	[tilespmem:$0x11180] =	vst v63  }
0x2f7: {  	v8 =	vld [tilespmem:$0x8960];
	_ =	sdelay $0x4  }
0x2f8: {  	v32 =	vshll.u32 v8, $0x1  }
0x2f9: {  	v8 =	vand.u32 $0x7, v8;
	v11 =	vand.u32 $0xFFFFFFF0, v32  }
0x2fa: {  	v8 =	vor.u32 v8, v11  }
0x2fb: {  	v11 =	vperm.xlane v8, v26;
	_ =	sdelay $0x1  }
0x2fc: {  	v8 =	vperm.xlane v8, v12;
	v11 =	vadd.s32 v10, v11;
	_ =	sdelay $0x1  }
0x2fd: {  	v8 =	vadd.s32 v10, v8;
	_ =	sdelay $0x1  }
0x2fe: {  	s23 =	simm.s32 $0xE980  }
0x2ff: {  	[tilespmem:s23], [sflag:$0x1] =	stream.indirect_vreg.gather [hbm4b:s3+s5], $0x80, v11, vm15, $0xb8;
	[tilespmem:$0x11180] =	vst v63  }
0x300: {  	s24 =	simm.s32 $0xF180  }
0x301: {  	[tilespmem:s24], [sflag:$0x1] =	stream.indirect_vreg.gather [hbm4b:s3+s5], $0x80, v8, vm15, $0xb8;
	[tilespmem:$0x11180] =	vst v63  }
0x302: {  	v8 =	vld [tilespmem:$0x8970];
	_ =	sdelay $0x4  }
0x303: {  	v33 =	vshll.u32 v8, $0x1  }
0x304: {  	v8 =	vand.u32 $0x7, v8;
	v11 =	vand.u32 $0xFFFFFFF0, v33  }
0x305: {  	v8 =	vor.u32 v8, v11  }
0x306: {  	v9 =	vperm.xlane v8, v26;
	_ =	sdelay $0x1  }
0x307: {  	v8 =	vperm.xlane v8, v12;
	v9 =	vadd.s32 v10, v9;
	_ =	sdelay $0x1  }
0x308: {  	v8 =	vadd.s32 v10, v8  }
.Ltmp10:
0x309: {  	_ = 	snop;
	(pc) =	sbr.rel .LBB2_17-.Ltmp10, $4  }
0x30a: {  	s25 =	simm.s32 $0xF980  }
0x30b: {  	[tilespmem:s25], [sflag:$0x1] =	stream.indirect_vreg.gather [hbm4b:s3+s5], $0x80, v9, vm15, $0xb8;
	[tilespmem:$0x11180] =	vst v63  }
0x30c: {  	s26 =	simm.s32 $0x10180;
	s7 =	simm.s32 $0x2;
	s8 =	simm.s32 $0x1  }
0x30d: {  	[tilespmem:s26], [sflag:$0x1] =	stream.indirect_vreg.gather [hbm4b:s3+s5], $0x80, v8, vm15, $0xb8;
	[tilespmem:$0x11180] =	vst v63  }
.LBB2_9:
0x30e: {  	s7 =	sshll.u32 s9, $0x5  }
0x30f: {  	s9 =	simm.s32 $0x0;
	s7 =	sand.u32 $0xFFFFF00, s7  }
0x310: {  	s0 =	simm.s32 $0x10980;
	p0 =	por $0x0, $0x0;
	s7 =	sadd.s32 s3, s7  }
0x311: {  	[tilespmem:s0], [sflag:$0x3] =	stream.linear.gather [hbm4b:s7+s9], $0x800, $0x38;
	[tilespmem:$0x11180] =	vst v63  }
.Ltmp11:
0x312: {  	s25 =	simm.s32 $0x3;
	(pc) =	sbr.rel @p0 .LBB2_10-.Ltmp11, $4  }
0x313: {  	_ =	swait.ge [sflag:s25], $0x800  }
0x314: {  	s26 =	sshll.u32 s10, $0x7;
	[sflag:s25] =	ssyncset.done $0x0  }
0x315: {  	s8 =	sand.u32 $0x380, s26;
	[sflag:s25] =	ssyncadd.s32 $0xFFFFF800  }
0x316: {  	s11 =	simm.s32 $0x100;
	p4 =	por $0x0, $0x0;
	v8 =	vld [tilespmem:s8+$0x10980]  }
0x317: {  	_ =	sdelay $0x1  }
0x318: {  	s7 =	sand.u32 $0x7800, s9;
	s10 =	sand.u32 $0x380, s9  }
0x319: {  	s7 =	sor.u32 s10, s7  }
0x31a: {  	[tilespmem:s7+$0x8980] =	vst v8  }
0x31b: {  	v8 =	vld [tilespmem:s8+$0x10990];
	_ =	sdelay $0x4  }
0x31c: {  	[tilespmem:s7+$0x8990] =	vst v8  }
0x31d: {  	v8 =	vld [tilespmem:s8+$0x109A0];
	_ =	sdelay $0x4  }
0x31e: {  	[tilespmem:s7+$0x89A0] =	vst v8  }
0x31f: {  	v8 =	vld [tilespmem:s8+$0x109B0];
	_ =	sdelay $0x4  }
0x320: {  	[tilespmem:s7+$0x89B0] =	vst v8  }
0x321: {  	v8 =	vld [tilespmem:s8+$0x109C0];
	_ =	sdelay $0x4  }
0x322: {  	[tilespmem:s7+$0x89C0] =	vst v8  }
0x323: {  	v8 =	vld [tilespmem:s8+$0x109D0];
	_ =	sdelay $0x4  }
0x324: {  	[tilespmem:s7+$0x89D0] =	vst v8  }
0x325: {  	v8 =	vld [tilespmem:s8+$0x109E0];
	_ =	sdelay $0x4  }
0x326: {  	[tilespmem:s7+$0x89E0] =	vst v8  }
0x327: {  	v8 =	vld [tilespmem:s8+$0x109F0];
	_ =	sdelay $0x4  }
0x328: {  	[tilespmem:s7+$0x89F0] =	vst v8  }
0x329: {  	v8 =	vld [tilespmem:s8+$0x10D80];
	_ =	sdelay $0x4  }
0x32a: {  	[tilespmem:s7+$0x8D80] =	vst v8  }
0x32b: {  	v8 =	vld [tilespmem:s8+$0x10D90];
	_ =	sdelay $0x4  }
0x32c: {  	[tilespmem:s7+$0x8D90] =	vst v8  }
0x32d: {  	v8 =	vld [tilespmem:s8+$0x10DA0];
	_ =	sdelay $0x4  }
0x32e: {  	[tilespmem:s7+$0x8DA0] =	vst v8  }
0x32f: {  	v8 =	vld [tilespmem:s8+$0x10DB0];
	_ =	sdelay $0x4  }
0x330: {  	[tilespmem:s7+$0x8DB0] =	vst v8  }
0x331: {  	v8 =	vld [tilespmem:s8+$0x10DC0];
	_ =	sdelay $0x4  }
0x332: {  	[tilespmem:s7+$0x8DC0] =	vst v8  }
0x333: {  	v8 =	vld [tilespmem:s8+$0x10DD0];
	_ =	sdelay $0x4  }
0x334: {  	[tilespmem:s7+$0x8DD0] =	vst v8  }
0x335: {  	v8 =	vld [tilespmem:s8+$0x10DE0];
	_ =	sdelay $0x4  }
0x336: {  	[tilespmem:s7+$0x8DE0] =	vst v8  }
0x337: {  	v8 =	vld [tilespmem:s8+$0x10DF0]  }
0x338: {  	p0 =	por $0x0, $0x0  }
.Ltmp12:
0x339: {  	_ = 	snop;
	(pc) =	sbr.rel @p0 .LBB2_12-.Ltmp12, $3  }
0x33a: {  	_ =	sdelay $0x1  }
0x33b: {  	[tilespmem:s7+$0x8DF0] =	vst v8  }
0x33c: {  	p4 =	por $0x1, $0x1;
	s10 =	simm.s32 $0x200;
	s7 =	simm.s32 $0x0;
	v8 =	vld [tilespmem:s8+$0x10980]  }
.LBB2_13:
0x33d: {  	p5 =	seq.s32 s10, $0x7F00  }
0x33e: {  	s7 =	sadd.s32 $0x80, s7  }
0x33f: {  	s12 =	sand.u32 $0x7800, s11;
	s11 =	smov.u32 s10;
	s13 =	sand.u32 $0x380, s7  }
0x340: {  	s12 =	sor.u32 s13, s12  }
0x341: {  	[tilespmem:s12+$0x8980] =	vst v8  }
0x342: {  	v8 =	vld [tilespmem:s8+$0x10990];
	_ =	sdelay $0x4  }
0x343: {  	[tilespmem:s12+$0x8990] =	vst v8  }
0x344: {  	v8 =	vld [tilespmem:s8+$0x109A0];
	_ =	sdelay $0x4  }
0x345: {  	[tilespmem:s12+$0x89A0] =	vst v8  }
0x346: {  	v8 =	vld [tilespmem:s8+$0x109B0];
	_ =	sdelay $0x4  }
0x347: {  	[tilespmem:s12+$0x89B0] =	vst v8  }
0x348: {  	v8 =	vld [tilespmem:s8+$0x109C0];
	_ =	sdelay $0x4  }
0x349: {  	[tilespmem:s12+$0x89C0] =	vst v8  }
0x34a: {  	v8 =	vld [tilespmem:s8+$0x109D0];
	_ =	sdelay $0x4  }
0x34b: {  	[tilespmem:s12+$0x89D0] =	vst v8  }
0x34c: {  	v8 =	vld [tilespmem:s8+$0x109E0];
	_ =	sdelay $0x4  }
0x34d: {  	[tilespmem:s12+$0x89E0] =	vst v8  }
0x34e: {  	v8 =	vld [tilespmem:s8+$0x109F0];
	_ =	sdelay $0x4  }
0x34f: {  	[tilespmem:s12+$0x89F0] =	vst v8  }
0x350: {  	v8 =	vld [tilespmem:s8+$0x10D80];
	_ =	sdelay $0x4  }
0x351: {  	[tilespmem:s12+$0x8D80] =	vst v8  }
0x352: {  	v8 =	vld [tilespmem:s8+$0x10D90];
	_ =	sdelay $0x4  }
0x353: {  	[tilespmem:s12+$0x8D90] =	vst v8  }
0x354: {  	v8 =	vld [tilespmem:s8+$0x10DA0];
	_ =	sdelay $0x4  }
0x355: {  	[tilespmem:s12+$0x8DA0] =	vst v8  }
0x356: {  	v8 =	vld [tilespmem:s8+$0x10DB0];
	_ =	sdelay $0x4  }
0x357: {  	[tilespmem:s12+$0x8DB0] =	vst v8  }
0x358: {  	v8 =	vld [tilespmem:s8+$0x10DC0];
	_ =	sdelay $0x4  }
0x359: {  	[tilespmem:s12+$0x8DC0] =	vst v8  }
0x35a: {  	v8 =	vld [tilespmem:s8+$0x10DD0];
	_ =	sdelay $0x4  }
0x35b: {  	[tilespmem:s12+$0x8DD0] =	vst v8  }
0x35c: {  	v8 =	vld [tilespmem:s8+$0x10DE0];
	_ =	sdelay $0x4  }
0x35d: {  	[tilespmem:s12+$0x8DE0] =	vst v8  }
0x35e: {  	v8 =	vld [tilespmem:s8+$0x10DF0];
	_ =	sdelay $0x1  }
.Ltmp13:
0x35f: {  	(pc) =	sbr.rel @!p5 .LBB2_13-.Ltmp13, $3  }
0x360: {  	_ =	sdelay $0x1  }
0x361: {  	[tilespmem:s12+$0x8DF0] =	vst v8  }
0x362: {  	s10 =	sadd.s32 $0x100, s10;
	v8 =	vld [tilespmem:s8+$0x10980]  }
.LBB2_14:
0x363: {  	s7 =	sadd.s32 @p4 $0x80, s7  }
0x364: {  	s9 =	smov.u32 @p4 s7  }
0x365: {  	s26 =	sand.u32 $0x7800, s11;
	s9 =	sand.u32 $0x380, s9  }
0x366: {  	s7 =	sor.u32 s9, s26  }
0x367: {  	[tilespmem:s7+$0x8980] =	vst v8  }
0x368: {  	v8 =	vld [tilespmem:s8+$0x10990];
	_ =	sdelay $0x4  }
0x369: {  	[tilespmem:s7+$0x8990] =	vst v8  }
0x36a: {  	v8 =	vld [tilespmem:s8+$0x109A0];
	_ =	sdelay $0x4  }
0x36b: {  	[tilespmem:s7+$0x89A0] =	vst v8  }
0x36c: {  	v8 =	vld [tilespmem:s8+$0x109B0];
	_ =	sdelay $0x4  }
0x36d: {  	[tilespmem:s7+$0x89B0] =	vst v8  }
0x36e: {  	v8 =	vld [tilespmem:s8+$0x109C0];
	_ =	sdelay $0x4  }
0x36f: {  	[tilespmem:s7+$0x89C0] =	vst v8  }
0x370: {  	v8 =	vld [tilespmem:s8+$0x109D0];
	_ =	sdelay $0x4  }
0x371: {  	[tilespmem:s7+$0x89D0] =	vst v8  }
0x372: {  	v8 =	vld [tilespmem:s8+$0x109E0];
	_ =	sdelay $0x4  }
0x373: {  	[tilespmem:s7+$0x89E0] =	vst v8  }
0x374: {  	v8 =	vld [tilespmem:s8+$0x109F0];
	_ =	sdelay $0x4  }
0x375: {  	[tilespmem:s7+$0x89F0] =	vst v8  }
0x376: {  	v8 =	vld [tilespmem:s8+$0x10D80];
	_ =	sdelay $0x4  }
0x377: {  	[tilespmem:s7+$0x8D80] =	vst v8  }
0x378: {  	v8 =	vld [tilespmem:s8+$0x10D90];
	_ =	sdelay $0x4  }
0x379: {  	[tilespmem:s7+$0x8D90] =	vst v8  }
0x37a: {  	v8 =	vld [tilespmem:s8+$0x10DA0];
	_ =	sdelay $0x4  }
0x37b: {  	[tilespmem:s7+$0x8DA0] =	vst v8  }
0x37c: {  	v8 =	vld [tilespmem:s8+$0x10DB0];
	_ =	sdelay $0x4  }
0x37d: {  	[tilespmem:s7+$0x8DB0] =	vst v8  }
0x37e: {  	v8 =	vld [tilespmem:s8+$0x10DC0];
	_ =	sdelay $0x4  }
0x37f: {  	[tilespmem:s7+$0x8DC0] =	vst v8  }
0x380: {  	v8 =	vld [tilespmem:s8+$0x10DD0];
	_ =	sdelay $0x4  }
0x381: {  	[tilespmem:s7+$0x8DD0] =	vst v8  }
0x382: {  	v8 =	vld [tilespmem:s8+$0x10DE0];
	_ =	sdelay $0x4  }
0x383: {  	[tilespmem:s7+$0x8DE0] =	vst v8  }
0x384: {  	v8 =	vld [tilespmem:s8+$0x10DF0]  }
.Ltmp14:
0x385: {  	_ = 	snop;
	(pc) =	sbr.rel .LBB2_18-.Ltmp14, $2  }
0x386: {  	_ =	sdelay $0x2  }
0x387: {  	[tilespmem:s7+$0x8DF0] =	vst v8;
	s7 =	simm.s32 $0x3  }
.LBB2_10:
.Ltmp15:
0x388: {  	(pc) =	sbr.rel .LBB2_14-.Ltmp15, $2  }
0x389: {  	_ =	sdelay $0x2  }
0x38a: {  	s7 =	simm.s32 $0x0;
	s11 =	simm.s32 $0x0  }
.LBB2_12:
.Ltmp16:
0x38b: {  	(pc) =	sbr.rel .LBB2_14-.Ltmp16, $2  }
0x38c: {  	_ =	sdelay $0x2  }
0x38d: {  	s7 =	simm.s32 $0x0  }
.LBB2_21:
0x38e: {  	_ =	sfence.sel $0x180000  }
0x38f: {  	[bflag:$0x0] =	sbarrier.arrive $0xFFFF  }
0x390: {  	_ =	strace $0x90000047  }
0x391: {  	s0 =	stileid.u32;
	[bflag:$0x2] =	sbarrier.arrive $0xFFFF  }
0x392: {  	p0 =	sne.s32 s0, $0x0;
	s0 =	rddreg [dreg:$0x3]  }
0x393: {  	s0 =	sadd.s32 @!p0 $0x100000, s0  }
0x394: {  	[sflag:s0] =	ssyncadd.tile.s32 @!p0 $0x1;
	_ =	shalt  }
.Lfunc_end2:
_tile_overlayer_lowered:
.L_overlay_start_2:
0x395: {  	(tag) =	ssettag $0x2  }
0x396: {  	s0 =	rddreg [dreg:$0x0];
	s2 =	stileid.u32  }
0x397: {  	s1 =	rddreg [dreg:$0x1];
	p0 =	sne.s32 s2, $0x0  }
0x398: {  	s3 =	rddreg [dreg:$0x2];
	[bflag:$0x3] =	sbarrier.arrive $0xFFFF;
	s2 =	simm.s32 @!p0 $0x1C02  }
0x399: {  	[timem:s3], [sflag:s2] =	dma.local @!p0 [hbm:s0], s1  }
0x39a: {  	s0 =	simm.s32 @!p0 $0x2  }
0x39b: {  	_ =	swait.ge @!p0 [sflag:s0], s1  }
0x39c: {  	s1 =	ssub.s32 @!p0 $0x0, s1;
	[sflag:s0] =	ssyncset.done @!p0 $0x0  }
0x39d: {  	[sflag:s0] =	ssyncadd.s32 @!p0 s1  }
0x39e: {  	[bflag:$0x3] =	sbarrier.arrive $0xFFFF  }
0x39f: {  	_ =	shalt  }

</sc_bundles>
